<compile_context>
chip_gen: v7x
topology: tpu7x:2x2x1
jax: 0.10.2.dev20260603
libtpu: 0.0.44.dev20260713+nightly
codegen_flags: <defaults>
</compile_context>

<pallas_src>
import functools

import jax
import jax.numpy as jnp
from jax import lax
from jax.experimental import pallas as pl
from jax.experimental.pallas import tpu as pltpu
from jax.experimental.pallas import tpu_sc as plsc

N = 10000
E = 160000
DIN = 512
DH = 256
DOUT = 64



def _mm1_body(x_ref, w_ref, a_ref, h_ref, e_ref):
    h = jnp.dot(x_ref[...], w_ref[...], preferred_element_type=jnp.float32)
    h_ref[...] = h
    e_ref[...] = jnp.dot(h, a_ref[...], preferred_element_type=jnp.float32)


def _mm1(x2, W1, a_pad):
    BM = 1000
    grid = (x2.shape[0] // BM,)
    return pl.pallas_call(
        _mm1_body,
        grid=grid,
        in_specs=[
            pl.BlockSpec((BM, DIN), lambda i: (i, 0)),
            pl.BlockSpec((DIN, DH), lambda i: (0, 0)),
            pl.BlockSpec((DH, 128), lambda i: (0, 0)),
        ],
        out_specs=[
            pl.BlockSpec((BM, DH), lambda i: (i, 0)),
            pl.BlockSpec((BM, 128), lambda i: (i, 0)),
        ],
        out_shape=[
            jax.ShapeDtypeStruct((x2.shape[0], DH), jnp.float32),
            jax.ShapeDtypeStruct((x2.shape[0], 128), jnp.float32),
        ],
    )(x2, W1, a_pad)




def _readout_body(gn_ref, rhs_ref, p_ref, rs_ref):
    gn = gn_ref[...]
    p_ref[...] = jnp.dot(gn, rhs_ref[...], preferred_element_type=jnp.float32)
    rs_ref[...] = jnp.broadcast_to(
        jnp.sum(gn, axis=1, keepdims=True), rs_ref.shape
    )


def _readout_mm(gn, rhs):
    BM = 200
    grid = (N // BM,)
    return pl.pallas_call(
        _readout_body,
        grid=grid,
        in_specs=[
            pl.BlockSpec((BM, N), lambda i: (i, 0)),
            pl.BlockSpec((N, 128), lambda i: (0, 0)),
        ],
        out_specs=[
            pl.BlockSpec((BM, 128), lambda i: (i, 0)),
            pl.BlockSpec((BM, 128), lambda i: (i, 0)),
        ],
        out_shape=[
            jax.ShapeDtypeStruct((N, 128), jnp.float32),
            jax.ShapeDtypeStruct((N, 128), jnp.float32),
        ],
    )(gn, rhs)



NC = 2
NS = 16
NW = NC * NS
NPW = 320
NPAD = NW * NPW
CHUNK = 1600
NCHUNK = E // CHUNK
VPC = CHUNK // 16


def _sigexp(es_v, ed_v):
    e = es_v + ed_v
    sig = 1.0 / (1.0 + jnp.exp(-e))
    return jnp.exp(sig)


def _edge_sc_body(src_hbm, dst_hbm, es_hbm, ed_hbm, h_hbm,
                  out0_hbm, out1_hbm,
                  es_v, ed_v, srcb, dstb, s_v, rinv_v,
                  bsrc, bloc, balp, rows_v, out_v, sem):
    wid = lax.axis_index("s") * NC + lax.axis_index("c")
    lo = wid * NPW
    iota = lax.iota(jnp.int32, 16)
    outs = (out0_hbm, out1_hbm)
    z16f = jnp.zeros((16,), jnp.float32)
    z16i = jnp.zeros((16,), jnp.int32)

    def zb(i, _):
        bsrc[pl.ds(i * 16, 16)] = z16i
        return 0

    lax.fori_loop(0, (CHUNK + 16) // 16, zb, 0)

    for f in (0, 1):
        pltpu.sync_copy(es_hbm.at[pl.ds(f * N, N)], es_v)
        pltpu.sync_copy(ed_hbm.at[pl.ds(f * N, N)], ed_v)

        def zs(i, _):
            s_v[pl.ds(i * 16, 16)] = z16f
            return 0

        lax.fori_loop(0, NPW // 16, zs, 0)

        def zo(k, _):
            out_v[k // 16, pl.ds((k % 16) * 16, 16)] = z16f
            return 0

        lax.fori_loop(0, NPW * DH // 16, zo, 0)

        def chunk_a(c, _):
            pltpu.sync_copy(src_hbm.at[pl.ds(c * CHUNK, CHUNK)], srcb)
            pltpu.sync_copy(dst_hbm.at[pl.ds(c * CHUNK, CHUNK)], dstb)

            def vec_a(i, _):
                sv = srcb[pl.ds(i * 16, 16)]
                dv = dstb[pl.ds(i * 16, 16)]
                m = (dv >= lo) & (dv < lo + NPW)
                ex = _sigexp(plsc.load_gather(es_v, [sv]),
                             plsc.load_gather(ed_v, [dv]))
                loc = jnp.where(m, dv - lo, 0)
                plsc.addupdate_scatter(s_v, [loc], ex, mask=m)
                return 0

            return lax.fori_loop(0, VPC, vec_a, 0)

        lax.fori_loop(0, NCHUNK, chunk_a, 0)

        def rv(i, _):
            s = s_v[pl.ds(i * 16, 16)]
            rinv_v[pl.ds(i * 16, 16)] = 1.0 / (s + 1e-16)
            return 0

        lax.fori_loop(0, NPW // 16, rv, 0)

        def chunk_b(c, _):
            pltpu.sync_copy(src_hbm.at[pl.ds(c * CHUNK, CHUNK)], srcb)
            pltpu.sync_copy(dst_hbm.at[pl.ds(c * CHUNK, CHUNK)], dstb)

            def vec_b(i, ptr):
                sv = srcb[pl.ds(i * 16, 16)]
                dv = dstb[pl.ds(i * 16, 16)]
                m = (dv >= lo) & (dv < lo + NPW)
                ex = _sigexp(plsc.load_gather(es_v, [sv]),
                             plsc.load_gather(ed_v, [dv]))
                loc = jnp.where(m, dv - lo, 0)
                alpha = ex * plsc.load_gather(rinv_v, [loc])
                plsc.store_compressed(bsrc.at[pl.ds(ptr, 16)], sv + f * N, mask=m)
                plsc.store_compressed(bloc.at[pl.ds(ptr, 16)], loc, mask=m)
                plsc.store_compressed(balp.at[pl.ds(ptr, 16)], alpha, mask=m)
                return ptr + jnp.sum(m.astype(jnp.int32))

            ptr = lax.fori_loop(0, VPC, vec_b, jnp.int32(0))

            def drain(bb, _):
                pltpu.async_copy(
                    h_hbm.at[bsrc.at[pl.ds(bb * 16, 16)]], rows_v, sem
                ).wait()
                lv = bloc[pl.ds(bb * 16, 16)]
                av = balp[pl.ds(bb * 16, 16)]
                valid = (bb * 16 + iota) < ptr

                def fgrp(j, _):
                    for u in range(16):
                        fpv = jnp.broadcast_to(j * 16 + u, (16,)).astype(jnp.int32)
                        col = plsc.load_gather(rows_v, [iota, fpv])
                        plsc.addupdate_scatter(
                            out_v, [lv, fpv], av * col, mask=valid)
                    return 0

                lax.fori_loop(0, DH // 16, fgrp, 0)
                return 0

            lax.fori_loop(0, (ptr + 15) // 16, drain, 0)
            return 0

        lax.fori_loop(0, NCHUNK, chunk_b, 0)
        pltpu.sync_copy(out_v, outs[f].at[pl.ds(lo, NPW)])


def _edge_attn_sc(H, es_all, ed_all, src, dst):
    mesh = plsc.VectorSubcoreMesh(core_axis_name="c", subcore_axis_name="s")
    f = pl.kernel(
        _edge_sc_body,
        out_type=[
            jax.ShapeDtypeStruct((NPAD, DH), jnp.float32),
            jax.ShapeDtypeStruct((NPAD, DH), jnp.float32),
        ],
        mesh=mesh,
        compiler_params=pltpu.CompilerParams(
            use_tc_tiling_on_sc=False, needs_layout_passes=False),
        scratch_types=[
            pltpu.VMEM((N,), jnp.float32),
            pltpu.VMEM((N,), jnp.float32),
            pltpu.VMEM((CHUNK,), jnp.int32),
            pltpu.VMEM((CHUNK,), jnp.int32),
            pltpu.VMEM((NPW,), jnp.float32),
            pltpu.VMEM((NPW,), jnp.float32),
            pltpu.VMEM((CHUNK + 16,), jnp.int32),
            pltpu.VMEM((CHUNK + 16,), jnp.int32),
            pltpu.VMEM((CHUNK + 16,), jnp.float32),
            pltpu.VMEM((16, DH), jnp.float32),
            pltpu.VMEM((NPW, DH), jnp.float32),
            pltpu.SemaphoreType.DMA,
        ],
    )
    o0, o1 = f(src, dst, es_all, ed_all, H)
    return o0[:N], o1[:N]




def kernel(feat, feat_a, edge_index, graph_neigh, W1, att_src, att_dst, W2,
           Wd1, bd1, bn_gamma, bn_beta, Wd2, bd2, Wb, bb):
    src = edge_index[0]
    dst = edge_index[1]

    x2 = jnp.concatenate([feat, feat_a], axis=0)
    a_pad = jnp.zeros((DH, 128), jnp.float32)
    a_pad = a_pad.at[:, 0].set(att_src).at[:, 1].set(att_dst)
    H, ESED = _mm1(x2, W1, a_pad)
    es_all = ESED[:, 0]
    ed_all = ESED[:, 1]

    o, oa = _edge_attn_sc(H, es_all, ed_all, src, dst)

    h1 = jax.nn.elu(o)
    h1a = jax.nn.elu(oa)
    h2 = h1 @ W2
    h2a = h1a @ W2

    d = h2 @ Wd1 + bd1
    mu = jnp.mean(d, axis=0)
    var = jnp.var(d, axis=0)
    d = (d - mu) / jnp.sqrt(var + 1e-5) * bn_gamma + bn_beta
    d = jax.nn.elu(d)
    h3 = d @ Wd2 + bd2

    rhs = jnp.concatenate(
        [jnp.pad(h2, ((0, 0), (0, 0))), h2a], axis=1)
    P, RS = _readout_mm(graph_neigh, rhs)
    rs = RS[:, :1]
    gsum = P[:, :DOUT] / rs
    gasum = P[:, DOUT:] / rs
    gn_ = gsum / jnp.maximum(jnp.linalg.norm(gsum, axis=1, keepdims=True), 1e-12)
    gan_ = gasum / jnp.maximum(jnp.linalg.norm(gasum, axis=1, keepdims=True), 1e-12)
    g = jax.nn.sigmoid(gn_)
    ga = jax.nn.sigmoid(gan_)

    cW = g @ Wb.T
    caW = ga @ Wb.T
    ret = jnp.concatenate([
        jnp.sum(h2 * cW, axis=1, keepdims=True) + bb,
        jnp.sum(h2a * cW, axis=1, keepdims=True) + bb,
    ], axis=1)
    ret_a = jnp.concatenate([
        jnp.sum(h2a * caW, axis=1, keepdims=True) + bb,
        jnp.sum(h2 * caW, axis=1, keepdims=True) + bb,
    ], axis=1)
    return (h2, h3, ret, ret_a, h2, h2a)

# --- scband reference (transcript-rebuilt; emitter-appended) ---
"""Pipeline reference for scband-encoder-57062935494680 (READ-ONLY COPY).

The authoritative reference and input builder live on the scoring server;
editing this copy changes nothing except your own understanding.
"""

import jax, jax.numpy as jnp
import numpy as np

N = 10000
E = 160000
DIN = 512
DH = 256
DOUT = 64


def setup_inputs(seed: int = 0):
    key = jax.random.key(seed)
    ks = jax.random.split(key, 16)
    inp = {}
    inp["feat"] = jax.random.normal(ks[0], (N, DIN), dtype=jnp.float32)
    inp["feat_a"] = jax.random.normal(ks[1], (N, DIN), dtype=jnp.float32)
    inp["edge_index"] = jax.random.randint(ks[2], (2, E), 0, N, dtype=jnp.int32)
    inp["graph_neigh"] = jax.random.uniform(ks[3], (N, N), dtype=jnp.float32)
    inp["W1"] = jax.random.normal(ks[4], (DIN, DH), dtype=jnp.float32) * 0.05
    inp["att_src"] = jax.random.normal(ks[5], (DH,), dtype=jnp.float32) * 0.05
    inp["att_dst"] = jax.random.normal(ks[6], (DH,), dtype=jnp.float32) * 0.05
    inp["W2"] = jax.random.normal(ks[7], (DH, DOUT), dtype=jnp.float32) * 0.05
    inp["Wd1"] = jax.random.normal(ks[8], (DOUT, DH), dtype=jnp.float32) * 0.05
    inp["bd1"] = jnp.zeros((DH,), dtype=jnp.float32)
    inp["bn_gamma"] = jnp.ones((DH,), dtype=jnp.float32)
    inp["bn_beta"] = jnp.zeros((DH,), dtype=jnp.float32)
    inp["Wd2"] = jax.random.normal(ks[9], (DH, DIN), dtype=jnp.float32) * 0.05
    inp["bd2"] = jnp.zeros((DIN,), dtype=jnp.float32)
    inp["Wb"] = jax.random.normal(ks[10], (DOUT, DOUT), dtype=jnp.float32) * 0.05
    inp["bb"] = jnp.zeros((), dtype=jnp.float32)
    return inp


def _gat_attn(x, W, a_s, a_d, src, dst):
    # GATConv (heads=1, concat=False, no bias, no self loops), GraphST variant:
    # alpha = softmax_over_dst(sigmoid(alpha_src[src] + alpha_dst[dst]))
    h = x @ W
    es = jnp.sum(h * a_s, axis=-1)
    ed = jnp.sum(h * a_d, axis=-1)
    e = jax.nn.sigmoid(es[src] + ed[dst])
    m = jax.ops.segment_max(e, dst, num_segments=N)
    m = jnp.where(jnp.isfinite(m), m, 0.0)
    ex = jnp.exp(e - m[dst])
    s = jax.ops.segment_sum(ex, dst, num_segments=N)
    alpha = ex / (s[dst] + 1e-16)
    return jax.ops.segment_sum(h[src] * alpha[:, None], dst, num_segments=N)


def _decoder(h, Wd1, bd1, g, b, Wd2, bd2):
    # Linear -> BatchNorm1d (training-mode batch stats) -> ELU -> Linear
    d = h @ Wd1 + bd1
    mu = jnp.mean(d, axis=0)
    var = jnp.var(d, axis=0)
    d = (d - mu) / jnp.sqrt(var + 1e-5) * g + b
    d = jax.nn.elu(d)
    return d @ Wd2 + bd2


def _readout(h, mask):
    # AvgReadout: masked mean then L2 normalize
    vsum = mask @ h
    rs = jnp.sum(mask, axis=1)
    g = vsum / rs[:, None]
    n = jnp.maximum(jnp.linalg.norm(g, axis=1, keepdims=True), 1e-12)
    return g / n


def _disc(c, h_pl, h_mi, Wb, bb):
    # nn.Bilinear(n_h, n_h, 1): sc[n] = h[n] @ W @ c[n] + b
    cW = c @ Wb.T
    sc1 = jnp.sum(h_pl * cW, axis=1, keepdims=True) + bb
    sc2 = jnp.sum(h_mi * cW, axis=1, keepdims=True) + bb
    return jnp.concatenate([sc1, sc2], axis=1)


def reference(feat, feat_a, edge_index, graph_neigh, W1, att_src, att_dst, W2, Wd1, bd1, bn_gamma, bn_beta, Wd2, bd2, Wb, bb):
    src = edge_index[0]
    dst = edge_index[1]
    h1 = jax.nn.elu(_gat_attn(feat, W1, att_src, att_dst, src, dst))
    h2 = h1 @ W2  # conv2 with attention=False reduces to the linear transform
    h3 = _decoder(h2, Wd1, bd1, bn_gamma, bn_beta, Wd2, bd2)
    h1a = jax.nn.elu(_gat_attn(feat_a, W1, att_src, att_dst, src, dst))
    h2a = h1a @ W2
    h3a = _decoder(h2a, Wd1, bd1, bn_gamma, bn_beta, Wd2, bd2)  # computed, unused (as in torch)
    g = jax.nn.sigmoid(_readout(h2, graph_neigh))
    ga = jax.nn.sigmoid(_readout(h2a, graph_neigh))
    ret = _disc(g, h2, h2a, Wb, bb)
    ret_a = _disc(ga, h2a, h2, Wb, bb)
    return (h2, h3, ret, ret_a, h2, h2a)

if __name__ == "__main__":
    import jax
    _d = setup_inputs()
    print(jax.jit(kernel)(*tuple(_d.values())))

</pallas_src>

<mosaic_0001>
#map = affine_map<(d0, d1) -> (0)>
#map1 = affine_map<(d0, d1) -> (0, 0)>
module attributes {stable_mosaic.version = 14 : i64} {
  func.func @_edge_sc_body(%arg0: i32, %arg1: i32, %arg2: memref<160000xi32, #tpu.memory_space<hbm>>, %arg3: memref<160000xi32, #tpu.memory_space<hbm>>, %arg4: memref<20000xf32, #tpu.memory_space<hbm>>, %arg5: memref<20000xf32, #tpu.memory_space<hbm>>, %arg6: memref<20000x256xf32, #tpu.memory_space<hbm>>, %arg7: memref<10240x256xf32, #tpu.memory_space<hbm>>, %arg8: memref<10240x256xf32, #tpu.memory_space<hbm>>, %arg9: memref<10000xf32, #tpu.memory_space<vmem>>, %arg10: memref<10000xf32, #tpu.memory_space<vmem>>, %arg11: memref<1600xi32, #tpu.memory_space<vmem>>, %arg12: memref<1600xi32, #tpu.memory_space<vmem>>, %arg13: memref<320xf32, #tpu.memory_space<vmem>>, %arg14: memref<320xf32, #tpu.memory_space<vmem>>, %arg15: memref<1616xi32, #tpu.memory_space<vmem>>, %arg16: memref<1616xi32, #tpu.memory_space<vmem>>, %arg17: memref<1616xf32, #tpu.memory_space<vmem>>, %arg18: memref<16x256xf32, #tpu.memory_space<vmem>>, %arg19: memref<320x256xf32, #tpu.memory_space<vmem>>, %arg20: memref<!tpu.dma_semaphore, #tpu.memory_space<semaphore_mem>>) attributes {dimension_semantics = [#tpu.dimension_semantics<core_parallel>, #tpu.dimension_semantics<subcore_parallel>], iteration_bounds = array<i64: 2, 16>, scalar_prefetch = 0 : i64, scratch_operands = 12 : i64, tpu.core_type = #tpu.core_type<sc_vector_subcore>, window_params = [{transform_indices = #map}, {transform_indices = #map}, {transform_indices = #map}, {transform_indices = #map}, {transform_indices = #map1}, {transform_indices = #map1}, {transform_indices = #map1}]} {
    %mul3A = arith.constant 2 : i32
    %mul3A_0 = arith.muli %arg1, %mul3A : i32
    %add3A = arith.addi %mul3A_0, %arg0 : i32
    %mul3A_1 = arith.constant 320 : i32
    %mul3A_2 = arith.muli %add3A, %mul3A_1 : i32
    %iota3A = tpu.iota {dimensions = array<i32: 0>} : vector<16xi32>
    %broadcast_in_dim3A = arith.constant 0.000000e+00 : f32
    %broadcast_in_dim3A_3 = vector.broadcast %broadcast_in_dim3A : f32 to vector<16xf32>
    %broadcast_in_dim3A_4 = arith.constant 0 : i32
    %broadcast_in_dim3A_5 = vector.broadcast %broadcast_in_dim3A_4 : i32 to vector<16xi32>
    %scan3A = arith.constant 0 : i32
    %scan3A_6 = arith.constant 0 : i32
    %scan3A_7 = arith.constant 101 : i32
    %scan3A_8 = arith.addi %scan3A_6, %scan3A_7 : i32
    %scan3A_9 = arith.constant 1 : i32
    %scan3A_10 = scf.for %scan3A_82 = %scan3A_6 to %scan3A_8 step %scan3A_9 iter_args(%scan3A_83 = %scan3A) -> (i32)  : i32 {
      %mul3A_84 = arith.constant 16 : i32
      %mul3A_85 = arith.muli %scan3A_82, %mul3A_84 : i32
      %swap3A = arith.index_cast %mul3A_85 : i32 to index
      %swap3A_86 = tpu.vector_load %arg15[%swap3A] {strides = array<i32>} : memref<1616xi32, #tpu.memory_space<vmem>>, vector<16xi32>,
      tpu.vector_store %arg15[%swap3A], %broadcast_in_dim3A_5 {strides = array<i32>} : memref<1616xi32, #tpu.memory_space<vmem>>, vector<16xi32>,
      %scan3A_87 = arith.constant 0 : i32
      scf.yield %scan3A_87 : i32
    }
    %scan3A_11 = arith.constant 101 : i32
    "tpu.region"() ({
      %run_scoped3A = tpu.sem_alloc : memref<!tpu.dma_semaphore, #tpu.memory_space<semaphore_mem>>
      %dma_start3A = arith.constant 0 : i32
      %dma_start3A_82 = tpu.memref_slice %arg4[%dma_start3A] : memref<20000xf32, #tpu.memory_space<hbm>> -> memref<10000xf32, #tpu.memory_space<hbm>>
      %dma_start3A_83 = arith.constant 0 : i32
      %dma_start3A_84 = tpu.memref_slice %arg4[%dma_start3A_83] : memref<20000xf32, #tpu.memory_space<hbm>> -> memref<10000xf32, #tpu.memory_space<hbm>>
      tpu.enqueue_dma source(%dma_start3A_84 : memref<10000xf32, #tpu.memory_space<hbm>>) target(%arg9 : memref<10000xf32, #tpu.memory_space<vmem>>) target_semaphore(%run_scoped3A : memref<!tpu.dma_semaphore, #tpu.memory_space<semaphore_mem>>)
      %dma_wait3A = arith.constant 0 : i32
      %dma_wait3A_85 = tpu.memref_slice %arg4[%dma_wait3A] : memref<20000xf32, #tpu.memory_space<hbm>> -> memref<10000xf32, #tpu.memory_space<hbm>>
      %dma_wait3A_86 = arith.constant 0 : i32
      %dma_wait3A_87 = tpu.memref_slice %arg4[%dma_wait3A_86] : memref<20000xf32, #tpu.memory_space<hbm>> -> memref<10000xf32, #tpu.memory_space<hbm>>
      tpu.wait_dma2 semaphore(%run_scoped3A : memref<!tpu.dma_semaphore, #tpu.memory_space<semaphore_mem>>) src(%dma_wait3A_87 : memref<10000xf32, #tpu.memory_space<hbm>>) dst(%arg9 : memref<10000xf32, #tpu.memory_space<vmem>>)
      tpu.yield
    }) : () -> ()
    "tpu.region"() ({
      %run_scoped3A = tpu.sem_alloc : memref<!tpu.dma_semaphore, #tpu.memory_space<semaphore_mem>>
      %dma_start3A = arith.constant 0 : i32
      %dma_start3A_82 = tpu.memref_slice %arg5[%dma_start3A] : memref<20000xf32, #tpu.memory_space<hbm>> -> memref<10000xf32, #tpu.memory_space<hbm>>
      %dma_start3A_83 = arith.constant 0 : i32
      %dma_start3A_84 = tpu.memref_slice %arg5[%dma_start3A_83] : memref<20000xf32, #tpu.memory_space<hbm>> -> memref<10000xf32, #tpu.memory_space<hbm>>
      tpu.enqueue_dma source(%dma_start3A_84 : memref<10000xf32, #tpu.memory_space<hbm>>) target(%arg10 : memref<10000xf32, #tpu.memory_space<vmem>>) target_semaphore(%run_scoped3A : memref<!tpu.dma_semaphore, #tpu.memory_space<semaphore_mem>>)
      %dma_wait3A = arith.constant 0 : i32
      %dma_wait3A_85 = tpu.memref_slice %arg5[%dma_wait3A] : memref<20000xf32, #tpu.memory_space<hbm>> -> memref<10000xf32, #tpu.memory_space<hbm>>
      %dma_wait3A_86 = arith.constant 0 : i32
      %dma_wait3A_87 = tpu.memref_slice %arg5[%dma_wait3A_86] : memref<20000xf32, #tpu.memory_space<hbm>> -> memref<10000xf32, #tpu.memory_space<hbm>>
      tpu.wait_dma2 semaphore(%run_scoped3A : memref<!tpu.dma_semaphore, #tpu.memory_space<semaphore_mem>>) src(%dma_wait3A_87 : memref<10000xf32, #tpu.memory_space<hbm>>) dst(%arg10 : memref<10000xf32, #tpu.memory_space<vmem>>)
      tpu.yield
    }) : () -> ()
    %scan3A_12 = arith.constant 0 : i32
    %scan3A_13 = arith.constant 0 : i32
    %scan3A_14 = arith.constant 20 : i32
    %scan3A_15 = arith.addi %scan3A_13, %scan3A_14 : i32
    %scan3A_16 = arith.constant 1 : i32
    %scan3A_17 = scf.for %scan3A_82 = %scan3A_13 to %scan3A_15 step %scan3A_16 iter_args(%scan3A_83 = %scan3A_12) -> (i32)  : i32 {
      %mul3A_84 = arith.constant 16 : i32
      %mul3A_85 = arith.muli %scan3A_82, %mul3A_84 : i32
      %swap3A = arith.index_cast %mul3A_85 : i32 to index
      %swap3A_86 = tpu.vector_load %arg13[%swap3A] {strides = array<i32>} : memref<320xf32, #tpu.memory_space<vmem>>, vector<16xf32>,
      tpu.vector_store %arg13[%swap3A], %broadcast_in_dim3A_3 {strides = array<i32>} : memref<320xf32, #tpu.memory_space<vmem>>, vector<16xf32>,
      %scan3A_87 = arith.constant 0 : i32
      scf.yield %scan3A_87 : i32
    }
    %scan3A_18 = arith.constant 20 : i32
    %scan3A_19 = arith.constant 0 : i32
    %scan3A_20 = arith.constant 0 : i32
    %scan3A_21 = arith.constant 5120 : i32
    %scan3A_22 = arith.addi %scan3A_20, %scan3A_21 : i32
    %scan3A_23 = arith.constant 1 : i32
    %scan3A_24 = scf.for %scan3A_82 = %scan3A_20 to %scan3A_22 step %scan3A_23 iter_args(%scan3A_83 = %scan3A_19) -> (i32)  : i32 {
      %jit3A = arith.constant 16 : i32
      %div3A = arith.divsi %scan3A_82, %jit3A : i32
      %sign3A = arith.constant 0 : i32
      %sign3A_84 = arith.cmpi sgt, %scan3A_82, %sign3A : i32
      %sign3A_85 = arith.extui %sign3A_84 : i1 to i32
      %sign3A_86 = arith.constant 0 : i32
      %sign3A_87 = arith.cmpi slt, %scan3A_82, %sign3A_86 : i32
      %sign3A_88 = arith.extui %sign3A_87 : i1 to i32
      %sign3A_89 = arith.subi %sign3A_85, %sign3A_88 : i32
      %sign3A_90 = arith.constant 0 : i32
      %sign3A_91 = arith.cmpi sgt, %jit3A, %sign3A_90 : i32
      %sign3A_92 = arith.extui %sign3A_91 : i1 to i32
      %sign3A_93 = arith.constant 0 : i32
      %sign3A_94 = arith.cmpi slt, %jit3A, %sign3A_93 : i32
      %sign3A_95 = arith.extui %sign3A_94 : i1 to i32
      %sign3A_96 = arith.subi %sign3A_92, %sign3A_95 : i32
      %ne3A = arith.cmpi ne, %sign3A_89, %sign3A_96 : i32
      %rem3A = arith.remsi %scan3A_82, %jit3A : i32
      %ne3A_97 = arith.constant 0 : i32
      %ne3A_98 = arith.cmpi ne, %rem3A, %ne3A_97 : i32
      %and3A = arith.andi %ne3A, %ne3A_98 : i1
      %sub3A = arith.constant 1 : i32
      %sub3A_99 = arith.subi %div3A, %sub3A : i32
      %select_n3A = arith.select %and3A, %sub3A_99, %div3A : i32
      %jit3A_100 = arith.constant 16 : i32
      %eq3A = arith.constant 0 : i32
      %eq3A_101 = arith.cmpi eq, %jit3A_100, %eq3A : i32
      %jit3A_102 = arith.constant 1 : i32
      %select_n3A_103 = arith.select %eq3A_101, %jit3A_102, %jit3A_100 : i32
      %rem3A_104 = arith.remsi %scan3A_82, %select_n3A_103 : i32
      %ne3A_105 = arith.constant 0 : i32
      %ne3A_106 = arith.cmpi ne, %rem3A_104, %ne3A_105 : i32
      %lt3A = arith.constant 0 : i32
      %lt3A_107 = arith.cmpi slt, %rem3A_104, %lt3A : i32
      %lt3A_108 = arith.constant 0 : i32
      %lt3A_109 = arith.cmpi slt, %select_n3A_103, %lt3A_108 : i32
      %ne3A_110 = arith.xori %lt3A_107, %lt3A_109 : i1
      %and3A_111 = arith.andi %ne3A_110, %ne3A_106 : i1
      %add3A_112 = arith.addi %rem3A_104, %select_n3A_103 : i32
      %select_n3A_113 = arith.select %and3A_111, %add3A_112, %rem3A_104 : i32
      %mul3A_114 = arith.constant 16 : i32
      %mul3A_115 = arith.muli %select_n3A_113, %mul3A_114 : i32
      %swap3A = arith.index_cast %select_n3A : i32 to index
      %swap3A_116 = arith.index_cast %mul3A_115 : i32 to index
      %swap3A_117 = tpu.vector_load %arg19[%swap3A, %swap3A_116] {strides = array<i32>} : memref<320x256xf32, #tpu.memory_space<vmem>>, vector<16xf32>,
      tpu.vector_store %arg19[%swap3A, %swap3A_116], %broadcast_in_dim3A_3 {strides = array<i32>} : memref<320x256xf32, #tpu.memory_space<vmem>>, vector<16xf32>,
      %scan3A_118 = arith.constant 0 : i32
      scf.yield %scan3A_118 : i32
    }
    %scan3A_25 = arith.constant 5120 : i32
    %scan3A_26 = arith.constant 0 : i32
    %scan3A_27 = arith.constant 0 : i32
    %scan3A_28 = arith.constant 100 : i32
    %scan3A_29 = arith.addi %scan3A_27, %scan3A_28 : i32
    %scan3A_30 = arith.constant 1 : i32
    %scan3A_31 = scf.for %scan3A_82 = %scan3A_27 to %scan3A_29 step %scan3A_30 iter_args(%scan3A_83 = %scan3A_26) -> (i32)  : i32 {
      %mul3A_84 = arith.constant 1600 : i32
      %mul3A_85 = arith.muli %scan3A_82, %mul3A_84 : i32
      "tpu.region"() ({
        %run_scoped3A = tpu.sem_alloc : memref<!tpu.dma_semaphore, #tpu.memory_space<semaphore_mem>>
        %dma_start3A = tpu.memref_slice %arg2[%mul3A_85] : memref<160000xi32, #tpu.memory_space<hbm>> -> memref<1600xi32, #tpu.memory_space<hbm>>
        %dma_start3A_95 = tpu.memref_slice %arg2[%mul3A_85] : memref<160000xi32, #tpu.memory_space<hbm>> -> memref<1600xi32, #tpu.memory_space<hbm>>
        tpu.enqueue_dma source(%dma_start3A_95 : memref<1600xi32, #tpu.memory_space<hbm>>) target(%arg11 : memref<1600xi32, #tpu.memory_space<vmem>>) target_semaphore(%run_scoped3A : memref<!tpu.dma_semaphore, #tpu.memory_space<semaphore_mem>>)
        %dma_wait3A = tpu.memref_slice %arg2[%mul3A_85] : memref<160000xi32, #tpu.memory_space<hbm>> -> memref<1600xi32, #tpu.memory_space<hbm>>
        %dma_wait3A_96 = tpu.memref_slice %arg2[%mul3A_85] : memref<160000xi32, #tpu.memory_space<hbm>> -> memref<1600xi32, #tpu.memory_space<hbm>>
        tpu.wait_dma2 semaphore(%run_scoped3A : memref<!tpu.dma_semaphore, #tpu.memory_space<semaphore_mem>>) src(%dma_wait3A_96 : memref<1600xi32, #tpu.memory_space<hbm>>) dst(%arg11 : memref<1600xi32, #tpu.memory_space<vmem>>)
        tpu.yield
      }) : () -> ()
      %mul3A_86 = arith.constant 1600 : i32
      %mul3A_87 = arith.muli %scan3A_82, %mul3A_86 : i32
      "tpu.region"() ({
        %run_scoped3A = tpu.sem_alloc : memref<!tpu.dma_semaphore, #tpu.memory_space<semaphore_mem>>
        %dma_start3A = tpu.memref_slice %arg3[%mul3A_87] : memref<160000xi32, #tpu.memory_space<hbm>> -> memref<1600xi32, #tpu.memory_space<hbm>>
        %dma_start3A_95 = tpu.memref_slice %arg3[%mul3A_87] : memref<160000xi32, #tpu.memory_space<hbm>> -> memref<1600xi32, #tpu.memory_space<hbm>>
        tpu.enqueue_dma source(%dma_start3A_95 : memref<1600xi32, #tpu.memory_space<hbm>>) target(%arg12 : memref<1600xi32, #tpu.memory_space<vmem>>) target_semaphore(%run_scoped3A : memref<!tpu.dma_semaphore, #tpu.memory_space<semaphore_mem>>)
        %dma_wait3A = tpu.memref_slice %arg3[%mul3A_87] : memref<160000xi32, #tpu.memory_space<hbm>> -> memref<1600xi32, #tpu.memory_space<hbm>>
        %dma_wait3A_96 = tpu.memref_slice %arg3[%mul3A_87] : memref<160000xi32, #tpu.memory_space<hbm>> -> memref<1600xi32, #tpu.memory_space<hbm>>
        tpu.wait_dma2 semaphore(%run_scoped3A : memref<!tpu.dma_semaphore, #tpu.memory_space<semaphore_mem>>) src(%dma_wait3A_96 : memref<1600xi32, #tpu.memory_space<hbm>>) dst(%arg12 : memref<1600xi32, #tpu.memory_space<vmem>>)
        tpu.yield
      }) : () -> ()
      %scan3A_88 = arith.constant 0 : i32
      %scan3A_89 = arith.constant 0 : i32
      %scan3A_90 = arith.constant 100 : i32
      %scan3A_91 = arith.addi %scan3A_89, %scan3A_90 : i32
      %scan3A_92 = arith.constant 1 : i32
      %scan3A_93 = scf.for %scan3A_95 = %scan3A_89 to %scan3A_91 step %scan3A_92 iter_args(%scan3A_96 = %scan3A_88) -> (i32)  : i32 {
        %mul3A_97 = arith.constant 16 : i32
        %mul3A_98 = arith.muli %scan3A_95, %mul3A_97 : i32
        %get3A = arith.index_cast %mul3A_98 : i32 to index
        %get3A_99 = tpu.vector_load %arg11[%get3A] {strides = array<i32>} : memref<1600xi32, #tpu.memory_space<vmem>>, vector<16xi32>,
        %mul3A_100 = arith.constant 16 : i32
        %mul3A_101 = arith.muli %scan3A_95, %mul3A_100 : i32
        %get3A_102 = arith.index_cast %mul3A_101 : i32 to index
        %get3A_103 = tpu.vector_load %arg12[%get3A_102] {strides = array<i32>} : memref<1600xi32, #tpu.memory_space<vmem>>, vector<16xi32>,
        %ge3A = vector.broadcast %mul3A_2 : i32 to vector<16xi32>
        %ge3A_104 = arith.cmpi sge, %get3A_103, %ge3A : vector<16xi32>
        %add3A_105 = arith.constant 320 : i32
        %add3A_106 = arith.addi %mul3A_2, %add3A_105 : i32
        %lt3A = vector.broadcast %add3A_106 : i32 to vector<16xi32>
        %lt3A_107 = arith.cmpi slt, %get3A_103, %lt3A : vector<16xi32>
        %and3A = arith.andi %ge3A_104, %lt3A_107 : vector<16xi1>
        %gather3A = tpu.vector_load_idx %arg9[%get3A_99] : memref<10000xf32, #tpu.memory_space<vmem>>[vector<16xi32>], vector<16xf32>,
        %gather3A_108 = tpu.vector_load_idx %arg10[%get3A_103] : memref<10000xf32, #tpu.memory_space<vmem>>[vector<16xi32>], vector<16xf32>,
        %add3A_109 = arith.addf %gather3A, %gather3A_108 : vector<16xf32>
        %neg3A = arith.constant 0.000000e+00 : f32
        %neg3A_110 = vector.broadcast %neg3A : f32 to vector<16xf32>
        %neg3A_111 = arith.subf %neg3A_110, %add3A_109 : vector<16xf32>
        %exp3A = math.exp %neg3A_111 : vector<16xf32>
        %add3A_112 = arith.constant 1.000000e+00 : f32
        %add3A_113 = vector.broadcast %add3A_112 : f32 to vector<16xf32>
        %add3A_114 = arith.addf %add3A_113, %exp3A : vector<16xf32>
        %div3A = arith.constant 1.000000e+00 : f32
        %div3A_115 = vector.broadcast %div3A : f32 to vector<16xf32>
        %div3A_116 = arith.divf %div3A_115, %add3A_114 : vector<16xf32>
        %exp3A_117 = math.exp %div3A_116 : vector<16xf32>
        %sub3A = vector.broadcast %mul3A_2 : i32 to vector<16xi32>
        %sub3A_118 = arith.subi %get3A_103, %sub3A : vector<16xi32>
        %jit3A = arith.constant 0 : i32
        %broadcast_in_dim3A_119 = vector.broadcast %jit3A : i32 to vector<16xi32>
        %select_n3A = arith.select %and3A, %sub3A_118, %broadcast_in_dim3A_119 : vector<16xi1>, vector<16xi32>
        tpu.vector_store_idx %arg13[%select_n3A], %exp3A_117 masked %and3A {add = true} : memref<320xf32, #tpu.memory_space<vmem>>[vector<16xi32>], vector<16xf32>, vector<16xi1>
        %scan3A_120 = arith.constant 0 : i32
        scf.yield %scan3A_120 : i32
      }
      %scan3A_94 = arith.constant 100 : i32
      scf.yield %scan3A_93 : i32
    }
    %scan3A_32 = arith.constant 100 : i32
    %scan3A_33 = arith.constant 0 : i32
    %scan3A_34 = arith.constant 0 : i32
    %scan3A_35 = arith.constant 20 : i32
    %scan3A_36 = arith.addi %scan3A_34, %scan3A_35 : i32
    %scan3A_37 = arith.constant 1 : i32
    %scan3A_38 = scf.for %scan3A_82 = %scan3A_34 to %scan3A_36 step %scan3A_37 iter_args(%scan3A_83 = %scan3A_33) -> (i32)  : i32 {
      %mul3A_84 = arith.constant 16 : i32
      %mul3A_85 = arith.muli %scan3A_82, %mul3A_84 : i32
      %get3A = arith.index_cast %mul3A_85 : i32 to index
      %get3A_86 = tpu.vector_load %arg13[%get3A] {strides = array<i32>} : memref<320xf32, #tpu.memory_space<vmem>>, vector<16xf32>,
      %add3A_87 = arith.constant 1.000000e-16 : f32
      %add3A_88 = vector.broadcast %add3A_87 : f32 to vector<16xf32>
      %add3A_89 = arith.addf %get3A_86, %add3A_88 : vector<16xf32>
      %div3A = arith.constant 1.000000e+00 : f32
      %div3A_90 = vector.broadcast %div3A : f32 to vector<16xf32>
      %div3A_91 = arith.divf %div3A_90, %add3A_89 : vector<16xf32>
      %mul3A_92 = arith.constant 16 : i32
      %mul3A_93 = arith.muli %scan3A_82, %mul3A_92 : i32
      %swap3A = arith.index_cast %mul3A_93 : i32 to index
      %swap3A_94 = tpu.vector_load %arg14[%swap3A] {strides = array<i32>} : memref<320xf32, #tpu.memory_space<vmem>>, vector<16xf32>,
      tpu.vector_store %arg14[%swap3A], %div3A_91 {strides = array<i32>} : memref<320xf32, #tpu.memory_space<vmem>>, vector<16xf32>,
      %scan3A_95 = arith.constant 0 : i32
      scf.yield %scan3A_95 : i32
    }
    %scan3A_39 = arith.constant 20 : i32
    %scan3A_40 = arith.constant 0 : i32
    %scan3A_41 = arith.constant 0 : i32
    %scan3A_42 = arith.constant 100 : i32
    %scan3A_43 = arith.addi %scan3A_41, %scan3A_42 : i32
    %scan3A_44 = arith.constant 1 : i32
    %scan3A_45 = scf.for %scan3A_82 = %scan3A_41 to %scan3A_43 step %scan3A_44 iter_args(%scan3A_83 = %scan3A_40) -> (i32)  : i32 {
      %mul3A_84 = arith.constant 1600 : i32
      %mul3A_85 = arith.muli %scan3A_82, %mul3A_84 : i32
      "tpu.region"() ({
        %run_scoped3A = tpu.sem_alloc : memref<!tpu.dma_semaphore, #tpu.memory_space<semaphore_mem>>
        %dma_start3A = tpu.memref_slice %arg2[%mul3A_85] : memref<160000xi32, #tpu.memory_space<hbm>> -> memref<1600xi32, #tpu.memory_space<hbm>>
        %dma_start3A_125 = tpu.memref_slice %arg2[%mul3A_85] : memref<160000xi32, #tpu.memory_space<hbm>> -> memref<1600xi32, #tpu.memory_space<hbm>>
        tpu.enqueue_dma source(%dma_start3A_125 : memref<1600xi32, #tpu.memory_space<hbm>>) target(%arg11 : memref<1600xi32, #tpu.memory_space<vmem>>) target_semaphore(%run_scoped3A : memref<!tpu.dma_semaphore, #tpu.memory_space<semaphore_mem>>)
        %dma_wait3A = tpu.memref_slice %arg2[%mul3A_85] : memref<160000xi32, #tpu.memory_space<hbm>> -> memref<1600xi32, #tpu.memory_space<hbm>>
        %dma_wait3A_126 = tpu.memref_slice %arg2[%mul3A_85] : memref<160000xi32, #tpu.memory_space<hbm>> -> memref<1600xi32, #tpu.memory_space<hbm>>
        tpu.wait_dma2 semaphore(%run_scoped3A : memref<!tpu.dma_semaphore, #tpu.memory_space<semaphore_mem>>) src(%dma_wait3A_126 : memref<1600xi32, #tpu.memory_space<hbm>>) dst(%arg11 : memref<1600xi32, #tpu.memory_space<vmem>>)
        tpu.yield
      }) : () -> ()
      %mul3A_86 = arith.constant 1600 : i32
      %mul3A_87 = arith.muli %scan3A_82, %mul3A_86 : i32
      "tpu.region"() ({
        %run_scoped3A = tpu.sem_alloc : memref<!tpu.dma_semaphore, #tpu.memory_space<semaphore_mem>>
        %dma_start3A = tpu.memref_slice %arg3[%mul3A_87] : memref<160000xi32, #tpu.memory_space<hbm>> -> memref<1600xi32, #tpu.memory_space<hbm>>
        %dma_start3A_125 = tpu.memref_slice %arg3[%mul3A_87] : memref<160000xi32, #tpu.memory_space<hbm>> -> memref<1600xi32, #tpu.memory_space<hbm>>
        tpu.enqueue_dma source(%dma_start3A_125 : memref<1600xi32, #tpu.memory_space<hbm>>) target(%arg12 : memref<1600xi32, #tpu.memory_space<vmem>>) target_semaphore(%run_scoped3A : memref<!tpu.dma_semaphore, #tpu.memory_space<semaphore_mem>>)
        %dma_wait3A = tpu.memref_slice %arg3[%mul3A_87] : memref<160000xi32, #tpu.memory_space<hbm>> -> memref<1600xi32, #tpu.memory_space<hbm>>
        %dma_wait3A_126 = tpu.memref_slice %arg3[%mul3A_87] : memref<160000xi32, #tpu.memory_space<hbm>> -> memref<1600xi32, #tpu.memory_space<hbm>>
        tpu.wait_dma2 semaphore(%run_scoped3A : memref<!tpu.dma_semaphore, #tpu.memory_space<semaphore_mem>>) src(%dma_wait3A_126 : memref<1600xi32, #tpu.memory_space<hbm>>) dst(%arg12 : memref<1600xi32, #tpu.memory_space<vmem>>)
        tpu.yield
      }) : () -> ()
      %scan3A_88 = arith.constant 0 : i32
      %scan3A_89 = arith.constant 0 : i32
      %scan3A_90 = arith.constant 100 : i32
      %scan3A_91 = arith.addi %scan3A_89, %scan3A_90 : i32
      %scan3A_92 = arith.constant 1 : i32
      %scan3A_93 = scf.for %scan3A_125 = %scan3A_89 to %scan3A_91 step %scan3A_92 iter_args(%scan3A_126 = %scan3A_88) -> (i32)  : i32 {
        %mul3A_127 = arith.constant 16 : i32
        %mul3A_128 = arith.muli %scan3A_125, %mul3A_127 : i32
        %get3A = arith.index_cast %mul3A_128 : i32 to index
        %get3A_129 = tpu.vector_load %arg11[%get3A] {strides = array<i32>} : memref<1600xi32, #tpu.memory_space<vmem>>, vector<16xi32>,
        %mul3A_130 = arith.constant 16 : i32
        %mul3A_131 = arith.muli %scan3A_125, %mul3A_130 : i32
        %get3A_132 = arith.index_cast %mul3A_131 : i32 to index
        %get3A_133 = tpu.vector_load %arg12[%get3A_132] {strides = array<i32>} : memref<1600xi32, #tpu.memory_space<vmem>>, vector<16xi32>,
        %ge3A = vector.broadcast %mul3A_2 : i32 to vector<16xi32>
        %ge3A_134 = arith.cmpi sge, %get3A_133, %ge3A : vector<16xi32>
        %add3A_135 = arith.constant 320 : i32
        %add3A_136 = arith.addi %mul3A_2, %add3A_135 : i32
        %lt3A = vector.broadcast %add3A_136 : i32 to vector<16xi32>
        %lt3A_137 = arith.cmpi slt, %get3A_133, %lt3A : vector<16xi32>
        %and3A_138 = arith.andi %ge3A_134, %lt3A_137 : vector<16xi1>
        %gather3A = tpu.vector_load_idx %arg9[%get3A_129] : memref<10000xf32, #tpu.memory_space<vmem>>[vector<16xi32>], vector<16xf32>,
        %gather3A_139 = tpu.vector_load_idx %arg10[%get3A_133] : memref<10000xf32, #tpu.memory_space<vmem>>[vector<16xi32>], vector<16xf32>,
        %add3A_140 = arith.addf %gather3A, %gather3A_139 : vector<16xf32>
        %neg3A = arith.constant 0.000000e+00 : f32
        %neg3A_141 = vector.broadcast %neg3A : f32 to vector<16xf32>
        %neg3A_142 = arith.subf %neg3A_141, %add3A_140 : vector<16xf32>
        %exp3A = math.exp %neg3A_142 : vector<16xf32>
        %add3A_143 = arith.constant 1.000000e+00 : f32
        %add3A_144 = vector.broadcast %add3A_143 : f32 to vector<16xf32>
        %add3A_145 = arith.addf %add3A_144, %exp3A : vector<16xf32>
        %div3A_146 = arith.constant 1.000000e+00 : f32
        %div3A_147 = vector.broadcast %div3A_146 : f32 to vector<16xf32>
        %div3A_148 = arith.divf %div3A_147, %add3A_145 : vector<16xf32>
        %exp3A_149 = math.exp %div3A_148 : vector<16xf32>
        %sub3A_150 = vector.broadcast %mul3A_2 : i32 to vector<16xi32>
        %sub3A_151 = arith.subi %get3A_133, %sub3A_150 : vector<16xi32>
        %jit3A_152 = arith.constant 0 : i32
        %broadcast_in_dim3A_153 = vector.broadcast %jit3A_152 : i32 to vector<16xi32>
        %select_n3A_154 = arith.select %and3A_138, %sub3A_151, %broadcast_in_dim3A_153 : vector<16xi1>, vector<16xi32>
        %gather3A_155 = tpu.vector_load_idx %arg14[%select_n3A_154] : memref<320xf32, #tpu.memory_space<vmem>>[vector<16xi32>], vector<16xf32>,
        %mul3A_156 = arith.mulf %exp3A_149, %gather3A_155 : vector<16xf32>
        %add3A_157 = arith.constant 0 : i32
        %add3A_158 = vector.broadcast %add3A_157 : i32 to vector<16xi32>
        %add3A_159 = arith.addi %get3A_129, %add3A_158 : vector<16xi32>
        %swap3A = arith.index_cast %scan3A_126 : i32 to index
        %swap3A_160 = tpu.vector_load %arg15[%swap3A] masked %and3A_138 {strides = array<i32>} : memref<1616xi32, #tpu.memory_space<vmem>>, vector<16xi32>, vector<16xi1>
        tpu.vector_store %arg15[%swap3A], %add3A_159 masked %and3A_138 {strides = array<i32>} : memref<1616xi32, #tpu.memory_space<vmem>>, vector<16xi32>, vector<16xi1>
        %swap3A_161 = arith.index_cast %scan3A_126 : i32 to index
        %swap3A_162 = tpu.vector_load %arg16[%swap3A_161] masked %and3A_138 {strides = array<i32>} : memref<1616xi32, #tpu.memory_space<vmem>>, vector<16xi32>, vector<16xi1>
        tpu.vector_store %arg16[%swap3A_161], %select_n3A_154 masked %and3A_138 {strides = array<i32>} : memref<1616xi32, #tpu.memory_space<vmem>>, vector<16xi32>, vector<16xi1>
        %swap3A_163 = arith.index_cast %scan3A_126 : i32 to index
        %swap3A_164 = tpu.vector_load %arg17[%swap3A_163] masked %and3A_138 {strides = array<i32>} : memref<1616xf32, #tpu.memory_space<vmem>>, vector<16xf32>, vector<16xi1>
        tpu.vector_store %arg17[%swap3A_163], %mul3A_156 masked %and3A_138 {strides = array<i32>} : memref<1616xf32, #tpu.memory_space<vmem>>, vector<16xf32>, vector<16xi1>
        %convert_element_type3A = arith.extui %and3A_138 : vector<16xi1> to vector<16xi32>
        %reduce_sum3A = arith.constant true
        %reduce_sum3A_165 = vector.broadcast %reduce_sum3A : i1 to vector<16xi1>
        %reduce_sum3A_166 = tpu.scan <sum>, %convert_element_type3A masked %reduce_sum3A_165 : vector<16xi32>, vector<16xi1> -> vector<16xi32>
        %reduce_sum3A_167 = vector.extract %reduce_sum3A_166[15] : i32 from vector<16xi32>
        %add3A_168 = arith.addi %scan3A_126, %reduce_sum3A_167 : i32
        scf.yield %add3A_168 : i32
      }
      %scan3A_94 = arith.constant 100 : i32
      %add3A_95 = arith.constant 15 : i32
      %add3A_96 = arith.addi %scan3A_93, %add3A_95 : i32
      %jit3A = arith.constant 16 : i32
      %div3A = arith.divsi %add3A_96, %jit3A : i32
      %sign3A = arith.constant 0 : i32
      %sign3A_97 = arith.cmpi sgt, %add3A_96, %sign3A : i32
      %sign3A_98 = arith.extui %sign3A_97 : i1 to i32
      %sign3A_99 = arith.constant 0 : i32
      %sign3A_100 = arith.cmpi slt, %add3A_96, %sign3A_99 : i32
      %sign3A_101 = arith.extui %sign3A_100 : i1 to i32
      %sign3A_102 = arith.subi %sign3A_98, %sign3A_101 : i32
      %sign3A_103 = arith.constant 0 : i32
      %sign3A_104 = arith.cmpi sgt, %jit3A, %sign3A_103 : i32
      %sign3A_105 = arith.extui %sign3A_104 : i1 to i32
      %sign3A_106 = arith.constant 0 : i32
      %sign3A_107 = arith.cmpi slt, %jit3A, %sign3A_106 : i32
      %sign3A_108 = arith.extui %sign3A_107 : i1 to i32
      %sign3A_109 = arith.subi %sign3A_105, %sign3A_108 : i32
      %ne3A = arith.cmpi ne, %sign3A_102, %sign3A_109 : i32
      %rem3A = arith.remsi %add3A_96, %jit3A : i32
      %ne3A_110 = arith.constant 0 : i32
      %ne3A_111 = arith.cmpi ne, %rem3A, %ne3A_110 : i32
      %and3A = arith.andi %ne3A, %ne3A_111 : i1
      %sub3A = arith.constant 1 : i32
      %sub3A_112 = arith.subi %div3A, %sub3A : i32
      %select_n3A = arith.select %and3A, %sub3A_112, %div3A : i32
      %while3A = arith.constant 0 : i32
      %while3A_113 = arith.constant 0 : i32
      %while3A_114 = arith.subi %select_n3A, %while3A : i32
      %while3A_115 = arith.addi %while3A, %while3A_114 : i32
      %while3A_116 = arith.constant 1 : i32
      %while3A_117 = arith.divsi %while3A_114, %while3A_116 : i32
      %while3A_118 = arith.muli %while3A_117, %while3A_116 : i32
      %while3A_119 = arith.addi %while3A, %while3A_118 : i32
      %while3A_120 = arith.constant 1 : i32
      %while3A_121 = scf.for %while3A_125 = %while3A to %while3A_119 step %while3A_120 iter_args(%while3A_126 = %while3A_113) -> (i32)  : i32 {
        %mul3A_127 = arith.constant 16 : i32
        %mul3A_128 = arith.muli %while3A_125, %mul3A_127 : i32
        %dma_start3A = tpu.memref_slice %arg15[%mul3A_128] : memref<1616xi32, #tpu.memory_space<vmem>> -> memref<16xi32, #tpu.memory_space<vmem>>
        %dma_start3A_129 = arith.constant 0 : i32
        %dma_start3A_130 = arith.constant 0 : i32
        %dma_start3A_131 = tpu.memref_slice %arg6[%dma_start3A_129, %dma_start3A_130] : memref<20000x256xf32, #tpu.memory_space<hbm>> -> memref<20000x256xf32, #tpu.memory_space<hbm>>
        tpu.enqueue_indirect_dma source(%dma_start3A_131 : memref<20000x256xf32, #tpu.memory_space<hbm>>) target(%arg18 : memref<16x256xf32, #tpu.memory_space<vmem>>) offsets(%dma_start3A : memref<16xi32, #tpu.memory_space<vmem>>) semaphore(%arg20 : memref<!tpu.dma_semaphore, #tpu.memory_space<semaphore_mem>>)
        %dma_wait3A = tpu.memref_slice %arg15[%mul3A_128] : memref<1616xi32, #tpu.memory_space<vmem>> -> memref<16xi32, #tpu.memory_space<vmem>>
        %dma_wait3A_132 = arith.constant 0 : i32
        %dma_wait3A_133 = arith.constant 0 : i32
        %dma_wait3A_134 = tpu.memref_slice %arg6[%dma_wait3A_132, %dma_wait3A_133] : memref<20000x256xf32, #tpu.memory_space<hbm>> -> memref<20000x256xf32, #tpu.memory_space<hbm>>
        tpu.wait_indirect_dma semaphore(%arg20 : memref<!tpu.dma_semaphore, #tpu.memory_space<semaphore_mem>>) src(%dma_wait3A_134 : memref<20000x256xf32, #tpu.memory_space<hbm>>) dst(%arg18 : memref<16x256xf32, #tpu.memory_space<vmem>>)
        %mul3A_135 = arith.constant 16 : i32
        %mul3A_136 = arith.muli %while3A_125, %mul3A_135 : i32
        %get3A = arith.index_cast %mul3A_136 : i32 to index
        %get3A_137 = tpu.vector_load %arg16[%get3A] {strides = array<i32>} : memref<1616xi32, #tpu.memory_space<vmem>>, vector<16xi32>,
        %mul3A_138 = arith.constant 16 : i32
        %mul3A_139 = arith.muli %while3A_125, %mul3A_138 : i32
        %get3A_140 = arith.index_cast %mul3A_139 : i32 to index
        %get3A_141 = tpu.vector_load %arg17[%get3A_140] {strides = array<i32>} : memref<1616xf32, #tpu.memory_space<vmem>>, vector<16xf32>,
        %mul3A_142 = arith.constant 16 : i32
        %mul3A_143 = arith.muli %while3A_125, %mul3A_142 : i32
        %add3A_144 = vector.broadcast %mul3A_143 : i32 to vector<16xi32>
        %add3A_145 = arith.addi %add3A_144, %iota3A : vector<16xi32>
        %lt3A = vector.broadcast %scan3A_93 : i32 to vector<16xi32>
        %lt3A_146 = arith.cmpi slt, %add3A_145, %lt3A : vector<16xi32>
        %scan3A_147 = arith.constant 0 : i32
        %scan3A_148 = arith.constant 0 : i32
        %scan3A_149 = arith.constant 16 : i32
        %scan3A_150 = arith.addi %scan3A_148, %scan3A_149 : i32
        %scan3A_151 = arith.constant 1 : i32
        %scan3A_152 = scf.for %scan3A_155 = %scan3A_148 to %scan3A_150 step %scan3A_151 iter_args(%scan3A_156 = %scan3A_147) -> (i32)  : i32 {
          %mul3A_157 = arith.constant 16 : i32
          %mul3A_158 = arith.muli %scan3A_155, %mul3A_157 : i32
          %add3A_159 = arith.constant 0 : i32
          %add3A_160 = arith.addi %mul3A_158, %add3A_159 : i32
          %broadcast_in_dim3A_161 = vector.broadcast %add3A_160 : i32 to vector<16xi32>
          %gather3A = tpu.vector_load_idx %arg18[%iota3A, %broadcast_in_dim3A_161] : memref<16x256xf32, #tpu.memory_space<vmem>>[vector<16xi32>, vector<16xi32>], vector<16xf32>,
          %mul3A_162 = arith.mulf %get3A_141, %gather3A : vector<16xf32>
          tpu.vector_store_idx %arg19[%get3A_137, %broadcast_in_dim3A_161], %mul3A_162 masked %lt3A_146 {add = true} : memref<320x256xf32, #tpu.memory_space<vmem>>[vector<16xi32>, vector<16xi32>], vector<16xf32>, vector<16xi1>
          %mul3A_163 = arith.constant 16 : i32
          %mul3A_164 = arith.muli %scan3A_155, %mul3A_163 : i32
          %add3A_165 = arith.constant 1 : i32
          %add3A_166 = arith.addi %mul3A_164, %add3A_165 : i32
          %broadcast_in_dim3A_167 = vector.broadcast %add3A_166 : i32 to vector<16xi32>
          %gather3A_168 = tpu.vector_load_idx %arg18[%iota3A, %broadcast_in_dim3A_167] : memref<16x256xf32, #tpu.memory_space<vmem>>[vector<16xi32>, vector<16xi32>], vector<16xf32>,
          %mul3A_169 = arith.mulf %get3A_141, %gather3A_168 : vector<16xf32>
          tpu.vector_store_idx %arg19[%get3A_137, %broadcast_in_dim3A_167], %mul3A_169 masked %lt3A_146 {add = true} : memref<320x256xf32, #tpu.memory_space<vmem>>[vector<16xi32>, vector<16xi32>], vector<16xf32>, vector<16xi1>
          %mul3A_170 = arith.constant 16 : i32
          %mul3A_171 = arith.muli %scan3A_155, %mul3A_170 : i32
          %add3A_172 = arith.constant 2 : i32
          %add3A_173 = arith.addi %mul3A_171, %add3A_172 : i32
          %broadcast_in_dim3A_174 = vector.broadcast %add3A_173 : i32 to vector<16xi32>
          %gather3A_175 = tpu.vector_load_idx %arg18[%iota3A, %broadcast_in_dim3A_174] : memref<16x256xf32, #tpu.memory_space<vmem>>[vector<16xi32>, vector<16xi32>], vector<16xf32>,
          %mul3A_176 = arith.mulf %get3A_141, %gather3A_175 : vector<16xf32>
          tpu.vector_store_idx %arg19[%get3A_137, %broadcast_in_dim3A_174], %mul3A_176 masked %lt3A_146 {add = true} : memref<320x256xf32, #tpu.memory_space<vmem>>[vector<16xi32>, vector<16xi32>], vector<16xf32>, vector<16xi1>
          %mul3A_177 = arith.constant 16 : i32
          %mul3A_178 = arith.muli %scan3A_155, %mul3A_177 : i32
          %add3A_179 = arith.constant 3 : i32
          %add3A_180 = arith.addi %mul3A_178, %add3A_179 : i32
          %broadcast_in_dim3A_181 = vector.broadcast %add3A_180 : i32 to vector<16xi32>
          %gather3A_182 = tpu.vector_load_idx %arg18[%iota3A, %broadcast_in_dim3A_181] : memref<16x256xf32, #tpu.memory_space<vmem>>[vector<16xi32>, vector<16xi32>], vector<16xf32>,
          %mul3A_183 = arith.mulf %get3A_141, %gather3A_182 : vector<16xf32>
          tpu.vector_store_idx %arg19[%get3A_137, %broadcast_in_dim3A_181], %mul3A_183 masked %lt3A_146 {add = true} : memref<320x256xf32, #tpu.memory_space<vmem>>[vector<16xi32>, vector<16xi32>], vector<16xf32>, vector<16xi1>
          %mul3A_184 = arith.constant 16 : i32
          %mul3A_185 = arith.muli %scan3A_155, %mul3A_184 : i32
          %add3A_186 = arith.constant 4 : i32
          %add3A_187 = arith.addi %mul3A_185, %add3A_186 : i32
          %broadcast_in_dim3A_188 = vector.broadcast %add3A_187 : i32 to vector<16xi32>
          %gather3A_189 = tpu.vector_load_idx %arg18[%iota3A, %broadcast_in_dim3A_188] : memref<16x256xf32, #tpu.memory_space<vmem>>[vector<16xi32>, vector<16xi32>], vector<16xf32>,
          %mul3A_190 = arith.mulf %get3A_141, %gather3A_189 : vector<16xf32>
          tpu.vector_store_idx %arg19[%get3A_137, %broadcast_in_dim3A_188], %mul3A_190 masked %lt3A_146 {add = true} : memref<320x256xf32, #tpu.memory_space<vmem>>[vector<16xi32>, vector<16xi32>], vector<16xf32>, vector<16xi1>
          %mul3A_191 = arith.constant 16 : i32
          %mul3A_192 = arith.muli %scan3A_155, %mul3A_191 : i32
          %add3A_193 = arith.constant 5 : i32
          %add3A_194 = arith.addi %mul3A_192, %add3A_193 : i32
          %broadcast_in_dim3A_195 = vector.broadcast %add3A_194 : i32 to vector<16xi32>
          %gather3A_196 = tpu.vector_load_idx %arg18[%iota3A, %broadcast_in_dim3A_195] : memref<16x256xf32, #tpu.memory_space<vmem>>[vector<16xi32>, vector<16xi32>], vector<16xf32>,
          %mul3A_197 = arith.mulf %get3A_141, %gather3A_196 : vector<16xf32>
          tpu.vector_store_idx %arg19[%get3A_137, %broadcast_in_dim3A_195], %mul3A_197 masked %lt3A_146 {add = true} : memref<320x256xf32, #tpu.memory_space<vmem>>[vector<16xi32>, vector<16xi32>], vector<16xf32>, vector<16xi1>
          %mul3A_198 = arith.constant 16 : i32
          %mul3A_199 = arith.muli %scan3A_155, %mul3A_198 : i32
          %add3A_200 = arith.constant 6 : i32
          %add3A_201 = arith.addi %mul3A_199, %add3A_200 : i32
          %broadcast_in_dim3A_202 = vector.broadcast %add3A_201 : i32 to vector<16xi32>
          %gather3A_203 = tpu.vector_load_idx %arg18[%iota3A, %broadcast_in_dim3A_202] : memref<16x256xf32, #tpu.memory_space<vmem>>[vector<16xi32>, vector<16xi32>], vector<16xf32>,
          %mul3A_204 = arith.mulf %get3A_141, %gather3A_203 : vector<16xf32>
          tpu.vector_store_idx %arg19[%get3A_137, %broadcast_in_dim3A_202], %mul3A_204 masked %lt3A_146 {add = true} : memref<320x256xf32, #tpu.memory_space<vmem>>[vector<16xi32>, vector<16xi32>], vector<16xf32>, vector<16xi1>
          %mul3A_205 = arith.constant 16 : i32
          %mul3A_206 = arith.muli %scan3A_155, %mul3A_205 : i32
          %add3A_207 = arith.constant 7 : i32
          %add3A_208 = arith.addi %mul3A_206, %add3A_207 : i32
          %broadcast_in_dim3A_209 = vector.broadcast %add3A_208 : i32 to vector<16xi32>
          %gather3A_210 = tpu.vector_load_idx %arg18[%iota3A, %broadcast_in_dim3A_209] : memref<16x256xf32, #tpu.memory_space<vmem>>[vector<16xi32>, vector<16xi32>], vector<16xf32>,
          %mul3A_211 = arith.mulf %get3A_141, %gather3A_210 : vector<16xf32>
          tpu.vector_store_idx %arg19[%get3A_137, %broadcast_in_dim3A_209], %mul3A_211 masked %lt3A_146 {add = true} : memref<320x256xf32, #tpu.memory_space<vmem>>[vector<16xi32>, vector<16xi32>], vector<16xf32>, vector<16xi1>
          %mul3A_212 = arith.constant 16 : i32
          %mul3A_213 = arith.muli %scan3A_155, %mul3A_212 : i32
          %add3A_214 = arith.constant 8 : i32
          %add3A_215 = arith.addi %mul3A_213, %add3A_214 : i32
          %broadcast_in_dim3A_216 = vector.broadcast %add3A_215 : i32 to vector<16xi32>
          %gather3A_217 = tpu.vector_load_idx %arg18[%iota3A, %broadcast_in_dim3A_216] : memref<16x256xf32, #tpu.memory_space<vmem>>[vector<16xi32>, vector<16xi32>], vector<16xf32>,
          %mul3A_218 = arith.mulf %get3A_141, %gather3A_217 : vector<16xf32>
          tpu.vector_store_idx %arg19[%get3A_137, %broadcast_in_dim3A_216], %mul3A_218 masked %lt3A_146 {add = true} : memref<320x256xf32, #tpu.memory_space<vmem>>[vector<16xi32>, vector<16xi32>], vector<16xf32>, vector<16xi1>
          %mul3A_219 = arith.constant 16 : i32
          %mul3A_220 = arith.muli %scan3A_155, %mul3A_219 : i32
          %add3A_221 = arith.constant 9 : i32
          %add3A_222 = arith.addi %mul3A_220, %add3A_221 : i32
          %broadcast_in_dim3A_223 = vector.broadcast %add3A_222 : i32 to vector<16xi32>
          %gather3A_224 = tpu.vector_load_idx %arg18[%iota3A, %broadcast_in_dim3A_223] : memref<16x256xf32, #tpu.memory_space<vmem>>[vector<16xi32>, vector<16xi32>], vector<16xf32>,
          %mul3A_225 = arith.mulf %get3A_141, %gather3A_224 : vector<16xf32>
          tpu.vector_store_idx %arg19[%get3A_137, %broadcast_in_dim3A_223], %mul3A_225 masked %lt3A_146 {add = true} : memref<320x256xf32, #tpu.memory_space<vmem>>[vector<16xi32>, vector<16xi32>], vector<16xf32>, vector<16xi1>
          %mul3A_226 = arith.constant 16 : i32
          %mul3A_227 = arith.muli %scan3A_155, %mul3A_226 : i32
          %add3A_228 = arith.constant 10 : i32
          %add3A_229 = arith.addi %mul3A_227, %add3A_228 : i32
          %broadcast_in_dim3A_230 = vector.broadcast %add3A_229 : i32 to vector<16xi32>
          %gather3A_231 = tpu.vector_load_idx %arg18[%iota3A, %broadcast_in_dim3A_230] : memref<16x256xf32, #tpu.memory_space<vmem>>[vector<16xi32>, vector<16xi32>], vector<16xf32>,
          %mul3A_232 = arith.mulf %get3A_141, %gather3A_231 : vector<16xf32>
          tpu.vector_store_idx %arg19[%get3A_137, %broadcast_in_dim3A_230], %mul3A_232 masked %lt3A_146 {add = true} : memref<320x256xf32, #tpu.memory_space<vmem>>[vector<16xi32>, vector<16xi32>], vector<16xf32>, vector<16xi1>
          %mul3A_233 = arith.constant 16 : i32
          %mul3A_234 = arith.muli %scan3A_155, %mul3A_233 : i32
          %add3A_235 = arith.constant 11 : i32
          %add3A_236 = arith.addi %mul3A_234, %add3A_235 : i32
          %broadcast_in_dim3A_237 = vector.broadcast %add3A_236 : i32 to vector<16xi32>
          %gather3A_238 = tpu.vector_load_idx %arg18[%iota3A, %broadcast_in_dim3A_237] : memref<16x256xf32, #tpu.memory_space<vmem>>[vector<16xi32>, vector<16xi32>], vector<16xf32>,
          %mul3A_239 = arith.mulf %get3A_141, %gather3A_238 : vector<16xf32>
          tpu.vector_store_idx %arg19[%get3A_137, %broadcast_in_dim3A_237], %mul3A_239 masked %lt3A_146 {add = true} : memref<320x256xf32, #tpu.memory_space<vmem>>[vector<16xi32>, vector<16xi32>], vector<16xf32>, vector<16xi1>
          %mul3A_240 = arith.constant 16 : i32
          %mul3A_241 = arith.muli %scan3A_155, %mul3A_240 : i32
          %add3A_242 = arith.constant 12 : i32
          %add3A_243 = arith.addi %mul3A_241, %add3A_242 : i32
          %broadcast_in_dim3A_244 = vector.broadcast %add3A_243 : i32 to vector<16xi32>
          %gather3A_245 = tpu.vector_load_idx %arg18[%iota3A, %broadcast_in_dim3A_244] : memref<16x256xf32, #tpu.memory_space<vmem>>[vector<16xi32>, vector<16xi32>], vector<16xf32>,
          %mul3A_246 = arith.mulf %get3A_141, %gather3A_245 : vector<16xf32>
          tpu.vector_store_idx %arg19[%get3A_137, %broadcast_in_dim3A_244], %mul3A_246 masked %lt3A_146 {add = true} : memref<320x256xf32, #tpu.memory_space<vmem>>[vector<16xi32>, vector<16xi32>], vector<16xf32>, vector<16xi1>
          %mul3A_247 = arith.constant 16 : i32
          %mul3A_248 = arith.muli %scan3A_155, %mul3A_247 : i32
          %add3A_249 = arith.constant 13 : i32
          %add3A_250 = arith.addi %mul3A_248, %add3A_249 : i32
          %broadcast_in_dim3A_251 = vector.broadcast %add3A_250 : i32 to vector<16xi32>
          %gather3A_252 = tpu.vector_load_idx %arg18[%iota3A, %broadcast_in_dim3A_251] : memref<16x256xf32, #tpu.memory_space<vmem>>[vector<16xi32>, vector<16xi32>], vector<16xf32>,
          %mul3A_253 = arith.mulf %get3A_141, %gather3A_252 : vector<16xf32>
          tpu.vector_store_idx %arg19[%get3A_137, %broadcast_in_dim3A_251], %mul3A_253 masked %lt3A_146 {add = true} : memref<320x256xf32, #tpu.memory_space<vmem>>[vector<16xi32>, vector<16xi32>], vector<16xf32>, vector<16xi1>
          %mul3A_254 = arith.constant 16 : i32
          %mul3A_255 = arith.muli %scan3A_155, %mul3A_254 : i32
          %add3A_256 = arith.constant 14 : i32
          %add3A_257 = arith.addi %mul3A_255, %add3A_256 : i32
          %broadcast_in_dim3A_258 = vector.broadcast %add3A_257 : i32 to vector<16xi32>
          %gather3A_259 = tpu.vector_load_idx %arg18[%iota3A, %broadcast_in_dim3A_258] : memref<16x256xf32, #tpu.memory_space<vmem>>[vector<16xi32>, vector<16xi32>], vector<16xf32>,
          %mul3A_260 = arith.mulf %get3A_141, %gather3A_259 : vector<16xf32>
          tpu.vector_store_idx %arg19[%get3A_137, %broadcast_in_dim3A_258], %mul3A_260 masked %lt3A_146 {add = true} : memref<320x256xf32, #tpu.memory_space<vmem>>[vector<16xi32>, vector<16xi32>], vector<16xf32>, vector<16xi1>
          %mul3A_261 = arith.constant 16 : i32
          %mul3A_262 = arith.muli %scan3A_155, %mul3A_261 : i32
          %add3A_263 = arith.constant 15 : i32
          %add3A_264 = arith.addi %mul3A_262, %add3A_263 : i32
          %broadcast_in_dim3A_265 = vector.broadcast %add3A_264 : i32 to vector<16xi32>
          %gather3A_266 = tpu.vector_load_idx %arg18[%iota3A, %broadcast_in_dim3A_265] : memref<16x256xf32, #tpu.memory_space<vmem>>[vector<16xi32>, vector<16xi32>], vector<16xf32>,
          %mul3A_267 = arith.mulf %get3A_141, %gather3A_266 : vector<16xf32>
          tpu.vector_store_idx %arg19[%get3A_137, %broadcast_in_dim3A_265], %mul3A_267 masked %lt3A_146 {add = true} : memref<320x256xf32, #tpu.memory_space<vmem>>[vector<16xi32>, vector<16xi32>], vector<16xf32>, vector<16xi1>
          %scan3A_268 = arith.constant 0 : i32
          scf.yield %scan3A_268 : i32
        }
        %scan3A_153 = arith.constant 16 : i32
        %while3A_154 = arith.constant 0 : i32
        scf.yield %while3A_154 : i32
      }
      %while3A_122 = arith.constant 1 : i32
      %while3A_123 = scf.for %while3A_125 = %while3A_119 to %while3A_115 step %while3A_122 iter_args(%while3A_126 = %while3A_121) -> (i32)  : i32 {
        %mul3A_127 = arith.constant 16 : i32
        %mul3A_128 = arith.muli %while3A_125, %mul3A_127 : i32
        %dma_start3A = tpu.memref_slice %arg15[%mul3A_128] : memref<1616xi32, #tpu.memory_space<vmem>> -> memref<16xi32, #tpu.memory_space<vmem>>
        %dma_start3A_129 = arith.constant 0 : i32
        %dma_start3A_130 = arith.constant 0 : i32
        %dma_start3A_131 = tpu.memref_slice %arg6[%dma_start3A_129, %dma_start3A_130] : memref<20000x256xf32, #tpu.memory_space<hbm>> -> memref<20000x256xf32, #tpu.memory_space<hbm>>
        tpu.enqueue_indirect_dma source(%dma_start3A_131 : memref<20000x256xf32, #tpu.memory_space<hbm>>) target(%arg18 : memref<16x256xf32, #tpu.memory_space<vmem>>) offsets(%dma_start3A : memref<16xi32, #tpu.memory_space<vmem>>) semaphore(%arg20 : memref<!tpu.dma_semaphore, #tpu.memory_space<semaphore_mem>>)
        %dma_wait3A = tpu.memref_slice %arg15[%mul3A_128] : memref<1616xi32, #tpu.memory_space<vmem>> -> memref<16xi32, #tpu.memory_space<vmem>>
        %dma_wait3A_132 = arith.constant 0 : i32
        %dma_wait3A_133 = arith.constant 0 : i32
        %dma_wait3A_134 = tpu.memref_slice %arg6[%dma_wait3A_132, %dma_wait3A_133] : memref<20000x256xf32, #tpu.memory_space<hbm>> -> memref<20000x256xf32, #tpu.memory_space<hbm>>
        tpu.wait_indirect_dma semaphore(%arg20 : memref<!tpu.dma_semaphore, #tpu.memory_space<semaphore_mem>>) src(%dma_wait3A_134 : memref<20000x256xf32, #tpu.memory_space<hbm>>) dst(%arg18 : memref<16x256xf32, #tpu.memory_space<vmem>>)
        %mul3A_135 = arith.constant 16 : i32
        %mul3A_136 = arith.muli %while3A_125, %mul3A_135 : i32
        %get3A = arith.index_cast %mul3A_136 : i32 to index
        %get3A_137 = tpu.vector_load %arg16[%get3A] {strides = array<i32>} : memref<1616xi32, #tpu.memory_space<vmem>>, vector<16xi32>,
        %mul3A_138 = arith.constant 16 : i32
        %mul3A_139 = arith.muli %while3A_125, %mul3A_138 : i32
        %get3A_140 = arith.index_cast %mul3A_139 : i32 to index
        %get3A_141 = tpu.vector_load %arg17[%get3A_140] {strides = array<i32>} : memref<1616xf32, #tpu.memory_space<vmem>>, vector<16xf32>,
        %mul3A_142 = arith.constant 16 : i32
        %mul3A_143 = arith.muli %while3A_125, %mul3A_142 : i32
        %add3A_144 = vector.broadcast %mul3A_143 : i32 to vector<16xi32>
        %add3A_145 = arith.addi %add3A_144, %iota3A : vector<16xi32>
        %lt3A = vector.broadcast %scan3A_93 : i32 to vector<16xi32>
        %lt3A_146 = arith.cmpi slt, %add3A_145, %lt3A : vector<16xi32>
        %scan3A_147 = arith.constant 0 : i32
        %scan3A_148 = arith.constant 0 : i32
        %scan3A_149 = arith.constant 16 : i32
        %scan3A_150 = arith.addi %scan3A_148, %scan3A_149 : i32
        %scan3A_151 = arith.constant 1 : i32
        %scan3A_152 = scf.for %scan3A_155 = %scan3A_148 to %scan3A_150 step %scan3A_151 iter_args(%scan3A_156 = %scan3A_147) -> (i32)  : i32 {
          %mul3A_157 = arith.constant 16 : i32
          %mul3A_158 = arith.muli %scan3A_155, %mul3A_157 : i32
          %add3A_159 = arith.constant 0 : i32
          %add3A_160 = arith.addi %mul3A_158, %add3A_159 : i32
          %broadcast_in_dim3A_161 = vector.broadcast %add3A_160 : i32 to vector<16xi32>
          %gather3A = tpu.vector_load_idx %arg18[%iota3A, %broadcast_in_dim3A_161] : memref<16x256xf32, #tpu.memory_space<vmem>>[vector<16xi32>, vector<16xi32>], vector<16xf32>,
          %mul3A_162 = arith.mulf %get3A_141, %gather3A : vector<16xf32>
          tpu.vector_store_idx %arg19[%get3A_137, %broadcast_in_dim3A_161], %mul3A_162 masked %lt3A_146 {add = true} : memref<320x256xf32, #tpu.memory_space<vmem>>[vector<16xi32>, vector<16xi32>], vector<16xf32>, vector<16xi1>
          %mul3A_163 = arith.constant 16 : i32
          %mul3A_164 = arith.muli %scan3A_155, %mul3A_163 : i32
          %add3A_165 = arith.constant 1 : i32
          %add3A_166 = arith.addi %mul3A_164, %add3A_165 : i32
          %broadcast_in_dim3A_167 = vector.broadcast %add3A_166 : i32 to vector<16xi32>
          %gather3A_168 = tpu.vector_load_idx %arg18[%iota3A, %broadcast_in_dim3A_167] : memref<16x256xf32, #tpu.memory_space<vmem>>[vector<16xi32>, vector<16xi32>], vector<16xf32>,
          %mul3A_169 = arith.mulf %get3A_141, %gather3A_168 : vector<16xf32>
          tpu.vector_store_idx %arg19[%get3A_137, %broadcast_in_dim3A_167], %mul3A_169 masked %lt3A_146 {add = true} : memref<320x256xf32, #tpu.memory_space<vmem>>[vector<16xi32>, vector<16xi32>], vector<16xf32>, vector<16xi1>
          %mul3A_170 = arith.constant 16 : i32
          %mul3A_171 = arith.muli %scan3A_155, %mul3A_170 : i32
          %add3A_172 = arith.constant 2 : i32
          %add3A_173 = arith.addi %mul3A_171, %add3A_172 : i32
          %broadcast_in_dim3A_174 = vector.broadcast %add3A_173 : i32 to vector<16xi32>
          %gather3A_175 = tpu.vector_load_idx %arg18[%iota3A, %broadcast_in_dim3A_174] : memref<16x256xf32, #tpu.memory_space<vmem>>[vector<16xi32>, vector<16xi32>], vector<16xf32>,
          %mul3A_176 = arith.mulf %get3A_141, %gather3A_175 : vector<16xf32>
          tpu.vector_store_idx %arg19[%get3A_137, %broadcast_in_dim3A_174], %mul3A_176 masked %lt3A_146 {add = true} : memref<320x256xf32, #tpu.memory_space<vmem>>[vector<16xi32>, vector<16xi32>], vector<16xf32>, vector<16xi1>
          %mul3A_177 = arith.constant 16 : i32
          %mul3A_178 = arith.muli %scan3A_155, %mul3A_177 : i32
          %add3A_179 = arith.constant 3 : i32
          %add3A_180 = arith.addi %mul3A_178, %add3A_179 : i32
          %broadcast_in_dim3A_181 = vector.broadcast %add3A_180 : i32 to vector<16xi32>
          %gather3A_182 = tpu.vector_load_idx %arg18[%iota3A, %broadcast_in_dim3A_181] : memref<16x256xf32, #tpu.memory_space<vmem>>[vector<16xi32>, vector<16xi32>], vector<16xf32>,
          %mul3A_183 = arith.mulf %get3A_141, %gather3A_182 : vector<16xf32>
          tpu.vector_store_idx %arg19[%get3A_137, %broadcast_in_dim3A_181], %mul3A_183 masked %lt3A_146 {add = true} : memref<320x256xf32, #tpu.memory_space<vmem>>[vector<16xi32>, vector<16xi32>], vector<16xf32>, vector<16xi1>
          %mul3A_184 = arith.constant 16 : i32
          %mul3A_185 = arith.muli %scan3A_155, %mul3A_184 : i32
          %add3A_186 = arith.constant 4 : i32
          %add3A_187 = arith.addi %mul3A_185, %add3A_186 : i32
          %broadcast_in_dim3A_188 = vector.broadcast %add3A_187 : i32 to vector<16xi32>
          %gather3A_189 = tpu.vector_load_idx %arg18[%iota3A, %broadcast_in_dim3A_188] : memref<16x256xf32, #tpu.memory_space<vmem>>[vector<16xi32>, vector<16xi32>], vector<16xf32>,
          %mul3A_190 = arith.mulf %get3A_141, %gather3A_189 : vector<16xf32>
          tpu.vector_store_idx %arg19[%get3A_137, %broadcast_in_dim3A_188], %mul3A_190 masked %lt3A_146 {add = true} : memref<320x256xf32, #tpu.memory_space<vmem>>[vector<16xi32>, vector<16xi32>], vector<16xf32>, vector<16xi1>
          %mul3A_191 = arith.constant 16 : i32
          %mul3A_192 = arith.muli %scan3A_155, %mul3A_191 : i32
          %add3A_193 = arith.constant 5 : i32
          %add3A_194 = arith.addi %mul3A_192, %add3A_193 : i32
          %broadcast_in_dim3A_195 = vector.broadcast %add3A_194 : i32 to vector<16xi32>
          %gather3A_196 = tpu.vector_load_idx %arg18[%iota3A, %broadcast_in_dim3A_195] : memref<16x256xf32, #tpu.memory_space<vmem>>[vector<16xi32>, vector<16xi32>], vector<16xf32>,
          %mul3A_197 = arith.mulf %get3A_141, %gather3A_196 : vector<16xf32>
          tpu.vector_store_idx %arg19[%get3A_137, %broadcast_in_dim3A_195], %mul3A_197 masked %lt3A_146 {add = true} : memref<320x256xf32, #tpu.memory_space<vmem>>[vector<16xi32>, vector<16xi32>], vector<16xf32>, vector<16xi1>
          %mul3A_198 = arith.constant 16 : i32
          %mul3A_199 = arith.muli %scan3A_155, %mul3A_198 : i32
          %add3A_200 = arith.constant 6 : i32
          %add3A_201 = arith.addi %mul3A_199, %add3A_200 : i32
          %broadcast_in_dim3A_202 = vector.broadcast %add3A_201 : i32 to vector<16xi32>
          %gather3A_203 = tpu.vector_load_idx %arg18[%iota3A, %broadcast_in_dim3A_202] : memref<16x256xf32, #tpu.memory_space<vmem>>[vector<16xi32>, vector<16xi32>], vector<16xf32>,
          %mul3A_204 = arith.mulf %get3A_141, %gather3A_203 : vector<16xf32>
          tpu.vector_store_idx %arg19[%get3A_137, %broadcast_in_dim3A_202], %mul3A_204 masked %lt3A_146 {add = true} : memref<320x256xf32, #tpu.memory_space<vmem>>[vector<16xi32>, vector<16xi32>], vector<16xf32>, vector<16xi1>
          %mul3A_205 = arith.constant 16 : i32
          %mul3A_206 = arith.muli %scan3A_155, %mul3A_205 : i32
          %add3A_207 = arith.constant 7 : i32
          %add3A_208 = arith.addi %mul3A_206, %add3A_207 : i32
          %broadcast_in_dim3A_209 = vector.broadcast %add3A_208 : i32 to vector<16xi32>
          %gather3A_210 = tpu.vector_load_idx %arg18[%iota3A, %broadcast_in_dim3A_209] : memref<16x256xf32, #tpu.memory_space<vmem>>[vector<16xi32>, vector<16xi32>], vector<16xf32>,
          %mul3A_211 = arith.mulf %get3A_141, %gather3A_210 : vector<16xf32>
          tpu.vector_store_idx %arg19[%get3A_137, %broadcast_in_dim3A_209], %mul3A_211 masked %lt3A_146 {add = true} : memref<320x256xf32, #tpu.memory_space<vmem>>[vector<16xi32>, vector<16xi32>], vector<16xf32>, vector<16xi1>
          %mul3A_212 = arith.constant 16 : i32
          %mul3A_213 = arith.muli %scan3A_155, %mul3A_212 : i32
          %add3A_214 = arith.constant 8 : i32
          %add3A_215 = arith.addi %mul3A_213, %add3A_214 : i32
          %broadcast_in_dim3A_216 = vector.broadcast %add3A_215 : i32 to vector<16xi32>
          %gather3A_217 = tpu.vector_load_idx %arg18[%iota3A, %broadcast_in_dim3A_216] : memref<16x256xf32, #tpu.memory_space<vmem>>[vector<16xi32>, vector<16xi32>], vector<16xf32>,
          %mul3A_218 = arith.mulf %get3A_141, %gather3A_217 : vector<16xf32>
          tpu.vector_store_idx %arg19[%get3A_137, %broadcast_in_dim3A_216], %mul3A_218 masked %lt3A_146 {add = true} : memref<320x256xf32, #tpu.memory_space<vmem>>[vector<16xi32>, vector<16xi32>], vector<16xf32>, vector<16xi1>
          %mul3A_219 = arith.constant 16 : i32
          %mul3A_220 = arith.muli %scan3A_155, %mul3A_219 : i32
          %add3A_221 = arith.constant 9 : i32
          %add3A_222 = arith.addi %mul3A_220, %add3A_221 : i32
          %broadcast_in_dim3A_223 = vector.broadcast %add3A_222 : i32 to vector<16xi32>
          %gather3A_224 = tpu.vector_load_idx %arg18[%iota3A, %broadcast_in_dim3A_223] : memref<16x256xf32, #tpu.memory_space<vmem>>[vector<16xi32>, vector<16xi32>], vector<16xf32>,
          %mul3A_225 = arith.mulf %get3A_141, %gather3A_224 : vector<16xf32>
          tpu.vector_store_idx %arg19[%get3A_137, %broadcast_in_dim3A_223], %mul3A_225 masked %lt3A_146 {add = true} : memref<320x256xf32, #tpu.memory_space<vmem>>[vector<16xi32>, vector<16xi32>], vector<16xf32>, vector<16xi1>
          %mul3A_226 = arith.constant 16 : i32
          %mul3A_227 = arith.muli %scan3A_155, %mul3A_226 : i32
          %add3A_228 = arith.constant 10 : i32
          %add3A_229 = arith.addi %mul3A_227, %add3A_228 : i32
          %broadcast_in_dim3A_230 = vector.broadcast %add3A_229 : i32 to vector<16xi32>
          %gather3A_231 = tpu.vector_load_idx %arg18[%iota3A, %broadcast_in_dim3A_230] : memref<16x256xf32, #tpu.memory_space<vmem>>[vector<16xi32>, vector<16xi32>], vector<16xf32>,
          %mul3A_232 = arith.mulf %get3A_141, %gather3A_231 : vector<16xf32>
          tpu.vector_store_idx %arg19[%get3A_137, %broadcast_in_dim3A_230], %mul3A_232 masked %lt3A_146 {add = true} : memref<320x256xf32, #tpu.memory_space<vmem>>[vector<16xi32>, vector<16xi32>], vector<16xf32>, vector<16xi1>
          %mul3A_233 = arith.constant 16 : i32
          %mul3A_234 = arith.muli %scan3A_155, %mul3A_233 : i32
          %add3A_235 = arith.constant 11 : i32
          %add3A_236 = arith.addi %mul3A_234, %add3A_235 : i32
          %broadcast_in_dim3A_237 = vector.broadcast %add3A_236 : i32 to vector<16xi32>
          %gather3A_238 = tpu.vector_load_idx %arg18[%iota3A, %broadcast_in_dim3A_237] : memref<16x256xf32, #tpu.memory_space<vmem>>[vector<16xi32>, vector<16xi32>], vector<16xf32>,
          %mul3A_239 = arith.mulf %get3A_141, %gather3A_238 : vector<16xf32>
          tpu.vector_store_idx %arg19[%get3A_137, %broadcast_in_dim3A_237], %mul3A_239 masked %lt3A_146 {add = true} : memref<320x256xf32, #tpu.memory_space<vmem>>[vector<16xi32>, vector<16xi32>], vector<16xf32>, vector<16xi1>
          %mul3A_240 = arith.constant 16 : i32
          %mul3A_241 = arith.muli %scan3A_155, %mul3A_240 : i32
          %add3A_242 = arith.constant 12 : i32
          %add3A_243 = arith.addi %mul3A_241, %add3A_242 : i32
          %broadcast_in_dim3A_244 = vector.broadcast %add3A_243 : i32 to vector<16xi32>
          %gather3A_245 = tpu.vector_load_idx %arg18[%iota3A, %broadcast_in_dim3A_244] : memref<16x256xf32, #tpu.memory_space<vmem>>[vector<16xi32>, vector<16xi32>], vector<16xf32>,
          %mul3A_246 = arith.mulf %get3A_141, %gather3A_245 : vector<16xf32>
          tpu.vector_store_idx %arg19[%get3A_137, %broadcast_in_dim3A_244], %mul3A_246 masked %lt3A_146 {add = true} : memref<320x256xf32, #tpu.memory_space<vmem>>[vector<16xi32>, vector<16xi32>], vector<16xf32>, vector<16xi1>
          %mul3A_247 = arith.constant 16 : i32
          %mul3A_248 = arith.muli %scan3A_155, %mul3A_247 : i32
          %add3A_249 = arith.constant 13 : i32
          %add3A_250 = arith.addi %mul3A_248, %add3A_249 : i32
          %broadcast_in_dim3A_251 = vector.broadcast %add3A_250 : i32 to vector<16xi32>
          %gather3A_252 = tpu.vector_load_idx %arg18[%iota3A, %broadcast_in_dim3A_251] : memref<16x256xf32, #tpu.memory_space<vmem>>[vector<16xi32>, vector<16xi32>], vector<16xf32>,
          %mul3A_253 = arith.mulf %get3A_141, %gather3A_252 : vector<16xf32>
          tpu.vector_store_idx %arg19[%get3A_137, %broadcast_in_dim3A_251], %mul3A_253 masked %lt3A_146 {add = true} : memref<320x256xf32, #tpu.memory_space<vmem>>[vector<16xi32>, vector<16xi32>], vector<16xf32>, vector<16xi1>
          %mul3A_254 = arith.constant 16 : i32
          %mul3A_255 = arith.muli %scan3A_155, %mul3A_254 : i32
          %add3A_256 = arith.constant 14 : i32
          %add3A_257 = arith.addi %mul3A_255, %add3A_256 : i32
          %broadcast_in_dim3A_258 = vector.broadcast %add3A_257 : i32 to vector<16xi32>
          %gather3A_259 = tpu.vector_load_idx %arg18[%iota3A, %broadcast_in_dim3A_258] : memref<16x256xf32, #tpu.memory_space<vmem>>[vector<16xi32>, vector<16xi32>], vector<16xf32>,
          %mul3A_260 = arith.mulf %get3A_141, %gather3A_259 : vector<16xf32>
          tpu.vector_store_idx %arg19[%get3A_137, %broadcast_in_dim3A_258], %mul3A_260 masked %lt3A_146 {add = true} : memref<320x256xf32, #tpu.memory_space<vmem>>[vector<16xi32>, vector<16xi32>], vector<16xf32>, vector<16xi1>
          %mul3A_261 = arith.constant 16 : i32
          %mul3A_262 = arith.muli %scan3A_155, %mul3A_261 : i32
          %add3A_263 = arith.constant 15 : i32
          %add3A_264 = arith.addi %mul3A_262, %add3A_263 : i32
          %broadcast_in_dim3A_265 = vector.broadcast %add3A_264 : i32 to vector<16xi32>
          %gather3A_266 = tpu.vector_load_idx %arg18[%iota3A, %broadcast_in_dim3A_265] : memref<16x256xf32, #tpu.memory_space<vmem>>[vector<16xi32>, vector<16xi32>], vector<16xf32>,
          %mul3A_267 = arith.mulf %get3A_141, %gather3A_266 : vector<16xf32>
          tpu.vector_store_idx %arg19[%get3A_137, %broadcast_in_dim3A_265], %mul3A_267 masked %lt3A_146 {add = true} : memref<320x256xf32, #tpu.memory_space<vmem>>[vector<16xi32>, vector<16xi32>], vector<16xf32>, vector<16xi1>
          %scan3A_268 = arith.constant 0 : i32
          scf.yield %scan3A_268 : i32
        }
        %scan3A_153 = arith.constant 16 : i32
        %while3A_154 = arith.constant 0 : i32
        scf.yield %while3A_154 : i32
      }
      %scan3A_124 = arith.constant 0 : i32
      scf.yield %scan3A_124 : i32
    }
    %scan3A_46 = arith.constant 100 : i32
    "tpu.region"() ({
      %run_scoped3A = tpu.sem_alloc : memref<!tpu.dma_semaphore, #tpu.memory_space<semaphore_mem>>
      %dma_start3A = arith.constant 0 : i32
      %dma_start3A_82 = tpu.memref_slice %arg7[%mul3A_2, %dma_start3A] : memref<10240x256xf32, #tpu.memory_space<hbm>> -> memref<320x256xf32, #tpu.memory_space<hbm>>
      %dma_start3A_83 = arith.constant 0 : i32
      %dma_start3A_84 = tpu.memref_slice %arg7[%mul3A_2, %dma_start3A_83] : memref<10240x256xf32, #tpu.memory_space<hbm>> -> memref<320x256xf32, #tpu.memory_space<hbm>>
      tpu.enqueue_dma source(%arg19 : memref<320x256xf32, #tpu.memory_space<vmem>>) target(%dma_start3A_84 : memref<320x256xf32, #tpu.memory_space<hbm>>) target_semaphore(%run_scoped3A : memref<!tpu.dma_semaphore, #tpu.memory_space<semaphore_mem>>)
      %dma_wait3A = arith.constant 0 : i32
      %dma_wait3A_85 = tpu.memref_slice %arg7[%mul3A_2, %dma_wait3A] : memref<10240x256xf32, #tpu.memory_space<hbm>> -> memref<320x256xf32, #tpu.memory_space<hbm>>
      %dma_wait3A_86 = arith.constant 0 : i32
      %dma_wait3A_87 = tpu.memref_slice %arg7[%mul3A_2, %dma_wait3A_86] : memref<10240x256xf32, #tpu.memory_space<hbm>> -> memref<320x256xf32, #tpu.memory_space<hbm>>
      tpu.wait_dma2 semaphore(%run_scoped3A : memref<!tpu.dma_semaphore, #tpu.memory_space<semaphore_mem>>) src(%arg19 : memref<320x256xf32, #tpu.memory_space<vmem>>) dst(%dma_wait3A_87 : memref<320x256xf32, #tpu.memory_space<hbm>>)
      tpu.yield
    }) : () -> ()
    "tpu.region"() ({
      %run_scoped3A = tpu.sem_alloc : memref<!tpu.dma_semaphore, #tpu.memory_space<semaphore_mem>>
      %dma_start3A = arith.constant 10000 : i32
      %dma_start3A_82 = tpu.memref_slice %arg4[%dma_start3A] : memref<20000xf32, #tpu.memory_space<hbm>> -> memref<10000xf32, #tpu.memory_space<hbm>>
      %dma_start3A_83 = arith.constant 10000 : i32
      %dma_start3A_84 = tpu.memref_slice %arg4[%dma_start3A_83] : memref<20000xf32, #tpu.memory_space<hbm>> -> memref<10000xf32, #tpu.memory_space<hbm>>
      tpu.enqueue_dma source(%dma_start3A_84 : memref<10000xf32, #tpu.memory_space<hbm>>) target(%arg9 : memref<10000xf32, #tpu.memory_space<vmem>>) target_semaphore(%run_scoped3A : memref<!tpu.dma_semaphore, #tpu.memory_space<semaphore_mem>>)
      %dma_wait3A = arith.constant 10000 : i32
      %dma_wait3A_85 = tpu.memref_slice %arg4[%dma_wait3A] : memref<20000xf32, #tpu.memory_space<hbm>> -> memref<10000xf32, #tpu.memory_space<hbm>>
      %dma_wait3A_86 = arith.constant 10000 : i32
      %dma_wait3A_87 = tpu.memref_slice %arg4[%dma_wait3A_86] : memref<20000xf32, #tpu.memory_space<hbm>> -> memref<10000xf32, #tpu.memory_space<hbm>>
      tpu.wait_dma2 semaphore(%run_scoped3A : memref<!tpu.dma_semaphore, #tpu.memory_space<semaphore_mem>>) src(%dma_wait3A_87 : memref<10000xf32, #tpu.memory_space<hbm>>) dst(%arg9 : memref<10000xf32, #tpu.memory_space<vmem>>)
      tpu.yield
    }) : () -> ()
    "tpu.region"() ({
      %run_scoped3A = tpu.sem_alloc : memref<!tpu.dma_semaphore, #tpu.memory_space<semaphore_mem>>
      %dma_start3A = arith.constant 10000 : i32
      %dma_start3A_82 = tpu.memref_slice %arg5[%dma_start3A] : memref<20000xf32, #tpu.memory_space<hbm>> -> memref<10000xf32, #tpu.memory_space<hbm>>
      %dma_start3A_83 = arith.constant 10000 : i32
      %dma_start3A_84 = tpu.memref_slice %arg5[%dma_start3A_83] : memref<20000xf32, #tpu.memory_space<hbm>> -> memref<10000xf32, #tpu.memory_space<hbm>>
      tpu.enqueue_dma source(%dma_start3A_84 : memref<10000xf32, #tpu.memory_space<hbm>>) target(%arg10 : memref<10000xf32, #tpu.memory_space<vmem>>) target_semaphore(%run_scoped3A : memref<!tpu.dma_semaphore, #tpu.memory_space<semaphore_mem>>)
      %dma_wait3A = arith.constant 10000 : i32
      %dma_wait3A_85 = tpu.memref_slice %arg5[%dma_wait3A] : memref<20000xf32, #tpu.memory_space<hbm>> -> memref<10000xf32, #tpu.memory_space<hbm>>
      %dma_wait3A_86 = arith.constant 10000 : i32
      %dma_wait3A_87 = tpu.memref_slice %arg5[%dma_wait3A_86] : memref<20000xf32, #tpu.memory_space<hbm>> -> memref<10000xf32, #tpu.memory_space<hbm>>
      tpu.wait_dma2 semaphore(%run_scoped3A : memref<!tpu.dma_semaphore, #tpu.memory_space<semaphore_mem>>) src(%dma_wait3A_87 : memref<10000xf32, #tpu.memory_space<hbm>>) dst(%arg10 : memref<10000xf32, #tpu.memory_space<vmem>>)
      tpu.yield
    }) : () -> ()
    %scan3A_47 = arith.constant 0 : i32
    %scan3A_48 = arith.constant 0 : i32
    %scan3A_49 = arith.constant 20 : i32
    %scan3A_50 = arith.addi %scan3A_48, %scan3A_49 : i32
    %scan3A_51 = arith.constant 1 : i32
    %scan3A_52 = scf.for %scan3A_82 = %scan3A_48 to %scan3A_50 step %scan3A_51 iter_args(%scan3A_83 = %scan3A_47) -> (i32)  : i32 {
      %mul3A_84 = arith.constant 16 : i32
      %mul3A_85 = arith.muli %scan3A_82, %mul3A_84 : i32
      %swap3A = arith.index_cast %mul3A_85 : i32 to index
      %swap3A_86 = tpu.vector_load %arg13[%swap3A] {strides = array<i32>} : memref<320xf32, #tpu.memory_space<vmem>>, vector<16xf32>,
      tpu.vector_store %arg13[%swap3A], %broadcast_in_dim3A_3 {strides = array<i32>} : memref<320xf32, #tpu.memory_space<vmem>>, vector<16xf32>,
      %scan3A_87 = arith.constant 0 : i32
      scf.yield %scan3A_87 : i32
    }
    %scan3A_53 = arith.constant 20 : i32
    %scan3A_54 = arith.constant 0 : i32
    %scan3A_55 = arith.constant 0 : i32
    %scan3A_56 = arith.constant 5120 : i32
    %scan3A_57 = arith.addi %scan3A_55, %scan3A_56 : i32
    %scan3A_58 = arith.constant 1 : i32
    %scan3A_59 = scf.for %scan3A_82 = %scan3A_55 to %scan3A_57 step %scan3A_58 iter_args(%scan3A_83 = %scan3A_54) -> (i32)  : i32 {
      %jit3A = arith.constant 16 : i32
      %div3A = arith.divsi %scan3A_82, %jit3A : i32
      %sign3A = arith.constant 0 : i32
      %sign3A_84 = arith.cmpi sgt, %scan3A_82, %sign3A : i32
      %sign3A_85 = arith.extui %sign3A_84 : i1 to i32
      %sign3A_86 = arith.constant 0 : i32
      %sign3A_87 = arith.cmpi slt, %scan3A_82, %sign3A_86 : i32
      %sign3A_88 = arith.extui %sign3A_87 : i1 to i32
      %sign3A_89 = arith.subi %sign3A_85, %sign3A_88 : i32
      %sign3A_90 = arith.constant 0 : i32
      %sign3A_91 = arith.cmpi sgt, %jit3A, %sign3A_90 : i32
      %sign3A_92 = arith.extui %sign3A_91 : i1 to i32
      %sign3A_93 = arith.constant 0 : i32
      %sign3A_94 = arith.cmpi slt, %jit3A, %sign3A_93 : i32
      %sign3A_95 = arith.extui %sign3A_94 : i1 to i32
      %sign3A_96 = arith.subi %sign3A_92, %sign3A_95 : i32
      %ne3A = arith.cmpi ne, %sign3A_89, %sign3A_96 : i32
      %rem3A = arith.remsi %scan3A_82, %jit3A : i32
      %ne3A_97 = arith.constant 0 : i32
      %ne3A_98 = arith.cmpi ne, %rem3A, %ne3A_97 : i32
      %and3A = arith.andi %ne3A, %ne3A_98 : i1
      %sub3A = arith.constant 1 : i32
      %sub3A_99 = arith.subi %div3A, %sub3A : i32
      %select_n3A = arith.select %and3A, %sub3A_99, %div3A : i32
      %jit3A_100 = arith.constant 16 : i32
      %eq3A = arith.constant 0 : i32
      %eq3A_101 = arith.cmpi eq, %jit3A_100, %eq3A : i32
      %jit3A_102 = arith.constant 1 : i32
      %select_n3A_103 = arith.select %eq3A_101, %jit3A_102, %jit3A_100 : i32
      %rem3A_104 = arith.remsi %scan3A_82, %select_n3A_103 : i32
      %ne3A_105 = arith.constant 0 : i32
      %ne3A_106 = arith.cmpi ne, %rem3A_104, %ne3A_105 : i32
      %lt3A = arith.constant 0 : i32
      %lt3A_107 = arith.cmpi slt, %rem3A_104, %lt3A : i32
      %lt3A_108 = arith.constant 0 : i32
      %lt3A_109 = arith.cmpi slt, %select_n3A_103, %lt3A_108 : i32
      %ne3A_110 = arith.xori %lt3A_107, %lt3A_109 : i1
      %and3A_111 = arith.andi %ne3A_110, %ne3A_106 : i1
      %add3A_112 = arith.addi %rem3A_104, %select_n3A_103 : i32
      %select_n3A_113 = arith.select %and3A_111, %add3A_112, %rem3A_104 : i32
      %mul3A_114 = arith.constant 16 : i32
      %mul3A_115 = arith.muli %select_n3A_113, %mul3A_114 : i32
      %swap3A = arith.index_cast %select_n3A : i32 to index
      %swap3A_116 = arith.index_cast %mul3A_115 : i32 to index
      %swap3A_117 = tpu.vector_load %arg19[%swap3A, %swap3A_116] {strides = array<i32>} : memref<320x256xf32, #tpu.memory_space<vmem>>, vector<16xf32>,
      tpu.vector_store %arg19[%swap3A, %swap3A_116], %broadcast_in_dim3A_3 {strides = array<i32>} : memref<320x256xf32, #tpu.memory_space<vmem>>, vector<16xf32>,
      %scan3A_118 = arith.constant 0 : i32
      scf.yield %scan3A_118 : i32
    }
    %scan3A_60 = arith.constant 5120 : i32
    %scan3A_61 = arith.constant 0 : i32
    %scan3A_62 = arith.constant 0 : i32
    %scan3A_63 = arith.constant 100 : i32
    %scan3A_64 = arith.addi %scan3A_62, %scan3A_63 : i32
    %scan3A_65 = arith.constant 1 : i32
    %scan3A_66 = scf.for %scan3A_82 = %scan3A_62 to %scan3A_64 step %scan3A_65 iter_args(%scan3A_83 = %scan3A_61) -> (i32)  : i32 {
      %mul3A_84 = arith.constant 1600 : i32
      %mul3A_85 = arith.muli %scan3A_82, %mul3A_84 : i32
      "tpu.region"() ({
        %run_scoped3A = tpu.sem_alloc : memref<!tpu.dma_semaphore, #tpu.memory_space<semaphore_mem>>
        %dma_start3A = tpu.memref_slice %arg2[%mul3A_85] : memref<160000xi32, #tpu.memory_space<hbm>> -> memref<1600xi32, #tpu.memory_space<hbm>>
        %dma_start3A_95 = tpu.memref_slice %arg2[%mul3A_85] : memref<160000xi32, #tpu.memory_space<hbm>> -> memref<1600xi32, #tpu.memory_space<hbm>>
        tpu.enqueue_dma source(%dma_start3A_95 : memref<1600xi32, #tpu.memory_space<hbm>>) target(%arg11 : memref<1600xi32, #tpu.memory_space<vmem>>) target_semaphore(%run_scoped3A : memref<!tpu.dma_semaphore, #tpu.memory_space<semaphore_mem>>)
        %dma_wait3A = tpu.memref_slice %arg2[%mul3A_85] : memref<160000xi32, #tpu.memory_space<hbm>> -> memref<1600xi32, #tpu.memory_space<hbm>>
        %dma_wait3A_96 = tpu.memref_slice %arg2[%mul3A_85] : memref<160000xi32, #tpu.memory_space<hbm>> -> memref<1600xi32, #tpu.memory_space<hbm>>
        tpu.wait_dma2 semaphore(%run_scoped3A : memref<!tpu.dma_semaphore, #tpu.memory_space<semaphore_mem>>) src(%dma_wait3A_96 : memref<1600xi32, #tpu.memory_space<hbm>>) dst(%arg11 : memref<1600xi32, #tpu.memory_space<vmem>>)
        tpu.yield
      }) : () -> ()
      %mul3A_86 = arith.constant 1600 : i32
      %mul3A_87 = arith.muli %scan3A_82, %mul3A_86 : i32
      "tpu.region"() ({
        %run_scoped3A = tpu.sem_alloc : memref<!tpu.dma_semaphore, #tpu.memory_space<semaphore_mem>>
        %dma_start3A = tpu.memref_slice %arg3[%mul3A_87] : memref<160000xi32, #tpu.memory_space<hbm>> -> memref<1600xi32, #tpu.memory_space<hbm>>
        %dma_start3A_95 = tpu.memref_slice %arg3[%mul3A_87] : memref<160000xi32, #tpu.memory_space<hbm>> -> memref<1600xi32, #tpu.memory_space<hbm>>
        tpu.enqueue_dma source(%dma_start3A_95 : memref<1600xi32, #tpu.memory_space<hbm>>) target(%arg12 : memref<1600xi32, #tpu.memory_space<vmem>>) target_semaphore(%run_scoped3A : memref<!tpu.dma_semaphore, #tpu.memory_space<semaphore_mem>>)
        %dma_wait3A = tpu.memref_slice %arg3[%mul3A_87] : memref<160000xi32, #tpu.memory_space<hbm>> -> memref<1600xi32, #tpu.memory_space<hbm>>
        %dma_wait3A_96 = tpu.memref_slice %arg3[%mul3A_87] : memref<160000xi32, #tpu.memory_space<hbm>> -> memref<1600xi32, #tpu.memory_space<hbm>>
        tpu.wait_dma2 semaphore(%run_scoped3A : memref<!tpu.dma_semaphore, #tpu.memory_space<semaphore_mem>>) src(%dma_wait3A_96 : memref<1600xi32, #tpu.memory_space<hbm>>) dst(%arg12 : memref<1600xi32, #tpu.memory_space<vmem>>)
        tpu.yield
      }) : () -> ()
      %scan3A_88 = arith.constant 0 : i32
      %scan3A_89 = arith.constant 0 : i32
      %scan3A_90 = arith.constant 100 : i32
      %scan3A_91 = arith.addi %scan3A_89, %scan3A_90 : i32
      %scan3A_92 = arith.constant 1 : i32
      %scan3A_93 = scf.for %scan3A_95 = %scan3A_89 to %scan3A_91 step %scan3A_92 iter_args(%scan3A_96 = %scan3A_88) -> (i32)  : i32 {
        %mul3A_97 = arith.constant 16 : i32
        %mul3A_98 = arith.muli %scan3A_95, %mul3A_97 : i32
        %get3A = arith.index_cast %mul3A_98 : i32 to index
        %get3A_99 = tpu.vector_load %arg11[%get3A] {strides = array<i32>} : memref<1600xi32, #tpu.memory_space<vmem>>, vector<16xi32>,
        %mul3A_100 = arith.constant 16 : i32
        %mul3A_101 = arith.muli %scan3A_95, %mul3A_100 : i32
        %get3A_102 = arith.index_cast %mul3A_101 : i32 to index
        %get3A_103 = tpu.vector_load %arg12[%get3A_102] {strides = array<i32>} : memref<1600xi32, #tpu.memory_space<vmem>>, vector<16xi32>,
        %ge3A = vector.broadcast %mul3A_2 : i32 to vector<16xi32>
        %ge3A_104 = arith.cmpi sge, %get3A_103, %ge3A : vector<16xi32>
        %add3A_105 = arith.constant 320 : i32
        %add3A_106 = arith.addi %mul3A_2, %add3A_105 : i32
        %lt3A = vector.broadcast %add3A_106 : i32 to vector<16xi32>
        %lt3A_107 = arith.cmpi slt, %get3A_103, %lt3A : vector<16xi32>
        %and3A = arith.andi %ge3A_104, %lt3A_107 : vector<16xi1>
        %gather3A = tpu.vector_load_idx %arg9[%get3A_99] : memref<10000xf32, #tpu.memory_space<vmem>>[vector<16xi32>], vector<16xf32>,
        %gather3A_108 = tpu.vector_load_idx %arg10[%get3A_103] : memref<10000xf32, #tpu.memory_space<vmem>>[vector<16xi32>], vector<16xf32>,
        %add3A_109 = arith.addf %gather3A, %gather3A_108 : vector<16xf32>
        %neg3A = arith.constant 0.000000e+00 : f32
        %neg3A_110 = vector.broadcast %neg3A : f32 to vector<16xf32>
        %neg3A_111 = arith.subf %neg3A_110, %add3A_109 : vector<16xf32>
        %exp3A = math.exp %neg3A_111 : vector<16xf32>
        %add3A_112 = arith.constant 1.000000e+00 : f32
        %add3A_113 = vector.broadcast %add3A_112 : f32 to vector<16xf32>
        %add3A_114 = arith.addf %add3A_113, %exp3A : vector<16xf32>
        %div3A = arith.constant 1.000000e+00 : f32
        %div3A_115 = vector.broadcast %div3A : f32 to vector<16xf32>
        %div3A_116 = arith.divf %div3A_115, %add3A_114 : vector<16xf32>
        %exp3A_117 = math.exp %div3A_116 : vector<16xf32>
        %sub3A = vector.broadcast %mul3A_2 : i32 to vector<16xi32>
        %sub3A_118 = arith.subi %get3A_103, %sub3A : vector<16xi32>
        %jit3A = arith.constant 0 : i32
        %broadcast_in_dim3A_119 = vector.broadcast %jit3A : i32 to vector<16xi32>
        %select_n3A = arith.select %and3A, %sub3A_118, %broadcast_in_dim3A_119 : vector<16xi1>, vector<16xi32>
        tpu.vector_store_idx %arg13[%select_n3A], %exp3A_117 masked %and3A {add = true} : memref<320xf32, #tpu.memory_space<vmem>>[vector<16xi32>], vector<16xf32>, vector<16xi1>
        %scan3A_120 = arith.constant 0 : i32
        scf.yield %scan3A_120 : i32
      }
      %scan3A_94 = arith.constant 100 : i32
      scf.yield %scan3A_93 : i32
    }
    %scan3A_67 = arith.constant 100 : i32
    %scan3A_68 = arith.constant 0 : i32
    %scan3A_69 = arith.constant 0 : i32
    %scan3A_70 = arith.constant 20 : i32
    %scan3A_71 = arith.addi %scan3A_69, %scan3A_70 : i32
    %scan3A_72 = arith.constant 1 : i32
    %scan3A_73 = scf.for %scan3A_82 = %scan3A_69 to %scan3A_71 step %scan3A_72 iter_args(%scan3A_83 = %scan3A_68) -> (i32)  : i32 {
      %mul3A_84 = arith.constant 16 : i32
      %mul3A_85 = arith.muli %scan3A_82, %mul3A_84 : i32
      %get3A = arith.index_cast %mul3A_85 : i32 to index
      %get3A_86 = tpu.vector_load %arg13[%get3A] {strides = array<i32>} : memref<320xf32, #tpu.memory_space<vmem>>, vector<16xf32>,
      %add3A_87 = arith.constant 1.000000e-16 : f32
      %add3A_88 = vector.broadcast %add3A_87 : f32 to vector<16xf32>
      %add3A_89 = arith.addf %get3A_86, %add3A_88 : vector<16xf32>
      %div3A = arith.constant 1.000000e+00 : f32
      %div3A_90 = vector.broadcast %div3A : f32 to vector<16xf32>
      %div3A_91 = arith.divf %div3A_90, %add3A_89 : vector<16xf32>
      %mul3A_92 = arith.constant 16 : i32
      %mul3A_93 = arith.muli %scan3A_82, %mul3A_92 : i32
      %swap3A = arith.index_cast %mul3A_93 : i32 to index
      %swap3A_94 = tpu.vector_load %arg14[%swap3A] {strides = array<i32>} : memref<320xf32, #tpu.memory_space<vmem>>, vector<16xf32>,
      tpu.vector_store %arg14[%swap3A], %div3A_91 {strides = array<i32>} : memref<320xf32, #tpu.memory_space<vmem>>, vector<16xf32>,
      %scan3A_95 = arith.constant 0 : i32
      scf.yield %scan3A_95 : i32
    }
    %scan3A_74 = arith.constant 20 : i32
    %scan3A_75 = arith.constant 0 : i32
    %scan3A_76 = arith.constant 0 : i32
    %scan3A_77 = arith.constant 100 : i32
    %scan3A_78 = arith.addi %scan3A_76, %scan3A_77 : i32
    %scan3A_79 = arith.constant 1 : i32
    %scan3A_80 = scf.for %scan3A_82 = %scan3A_76 to %scan3A_78 step %scan3A_79 iter_args(%scan3A_83 = %scan3A_75) -> (i32)  : i32 {
      %mul3A_84 = arith.constant 1600 : i32
      %mul3A_85 = arith.muli %scan3A_82, %mul3A_84 : i32
      "tpu.region"() ({
        %run_scoped3A = tpu.sem_alloc : memref<!tpu.dma_semaphore, #tpu.memory_space<semaphore_mem>>
        %dma_start3A = tpu.memref_slice %arg2[%mul3A_85] : memref<160000xi32, #tpu.memory_space<hbm>> -> memref<1600xi32, #tpu.memory_space<hbm>>
        %dma_start3A_125 = tpu.memref_slice %arg2[%mul3A_85] : memref<160000xi32, #tpu.memory_space<hbm>> -> memref<1600xi32, #tpu.memory_space<hbm>>
        tpu.enqueue_dma source(%dma_start3A_125 : memref<1600xi32, #tpu.memory_space<hbm>>) target(%arg11 : memref<1600xi32, #tpu.memory_space<vmem>>) target_semaphore(%run_scoped3A : memref<!tpu.dma_semaphore, #tpu.memory_space<semaphore_mem>>)
        %dma_wait3A = tpu.memref_slice %arg2[%mul3A_85] : memref<160000xi32, #tpu.memory_space<hbm>> -> memref<1600xi32, #tpu.memory_space<hbm>>
        %dma_wait3A_126 = tpu.memref_slice %arg2[%mul3A_85] : memref<160000xi32, #tpu.memory_space<hbm>> -> memref<1600xi32, #tpu.memory_space<hbm>>
        tpu.wait_dma2 semaphore(%run_scoped3A : memref<!tpu.dma_semaphore, #tpu.memory_space<semaphore_mem>>) src(%dma_wait3A_126 : memref<1600xi32, #tpu.memory_space<hbm>>) dst(%arg11 : memref<1600xi32, #tpu.memory_space<vmem>>)
        tpu.yield
      }) : () -> ()
      %mul3A_86 = arith.constant 1600 : i32
      %mul3A_87 = arith.muli %scan3A_82, %mul3A_86 : i32
      "tpu.region"() ({
        %run_scoped3A = tpu.sem_alloc : memref<!tpu.dma_semaphore, #tpu.memory_space<semaphore_mem>>
        %dma_start3A = tpu.memref_slice %arg3[%mul3A_87] : memref<160000xi32, #tpu.memory_space<hbm>> -> memref<1600xi32, #tpu.memory_space<hbm>>
        %dma_start3A_125 = tpu.memref_slice %arg3[%mul3A_87] : memref<160000xi32, #tpu.memory_space<hbm>> -> memref<1600xi32, #tpu.memory_space<hbm>>
        tpu.enqueue_dma source(%dma_start3A_125 : memref<1600xi32, #tpu.memory_space<hbm>>) target(%arg12 : memref<1600xi32, #tpu.memory_space<vmem>>) target_semaphore(%run_scoped3A : memref<!tpu.dma_semaphore, #tpu.memory_space<semaphore_mem>>)
        %dma_wait3A = tpu.memref_slice %arg3[%mul3A_87] : memref<160000xi32, #tpu.memory_space<hbm>> -> memref<1600xi32, #tpu.memory_space<hbm>>
        %dma_wait3A_126 = tpu.memref_slice %arg3[%mul3A_87] : memref<160000xi32, #tpu.memory_space<hbm>> -> memref<1600xi32, #tpu.memory_space<hbm>>
        tpu.wait_dma2 semaphore(%run_scoped3A : memref<!tpu.dma_semaphore, #tpu.memory_space<semaphore_mem>>) src(%dma_wait3A_126 : memref<1600xi32, #tpu.memory_space<hbm>>) dst(%arg12 : memref<1600xi32, #tpu.memory_space<vmem>>)
        tpu.yield
      }) : () -> ()
      %scan3A_88 = arith.constant 0 : i32
      %scan3A_89 = arith.constant 0 : i32
      %scan3A_90 = arith.constant 100 : i32
      %scan3A_91 = arith.addi %scan3A_89, %scan3A_90 : i32
      %scan3A_92 = arith.constant 1 : i32
      %scan3A_93 = scf.for %scan3A_125 = %scan3A_89 to %scan3A_91 step %scan3A_92 iter_args(%scan3A_126 = %scan3A_88) -> (i32)  : i32 {
        %mul3A_127 = arith.constant 16 : i32
        %mul3A_128 = arith.muli %scan3A_125, %mul3A_127 : i32
        %get3A = arith.index_cast %mul3A_128 : i32 to index
        %get3A_129 = tpu.vector_load %arg11[%get3A] {strides = array<i32>} : memref<1600xi32, #tpu.memory_space<vmem>>, vector<16xi32>,
        %mul3A_130 = arith.constant 16 : i32
        %mul3A_131 = arith.muli %scan3A_125, %mul3A_130 : i32
        %get3A_132 = arith.index_cast %mul3A_131 : i32 to index
        %get3A_133 = tpu.vector_load %arg12[%get3A_132] {strides = array<i32>} : memref<1600xi32, #tpu.memory_space<vmem>>, vector<16xi32>,
        %ge3A = vector.broadcast %mul3A_2 : i32 to vector<16xi32>
        %ge3A_134 = arith.cmpi sge, %get3A_133, %ge3A : vector<16xi32>
        %add3A_135 = arith.constant 320 : i32
        %add3A_136 = arith.addi %mul3A_2, %add3A_135 : i32
        %lt3A = vector.broadcast %add3A_136 : i32 to vector<16xi32>
        %lt3A_137 = arith.cmpi slt, %get3A_133, %lt3A : vector<16xi32>
        %and3A_138 = arith.andi %ge3A_134, %lt3A_137 : vector<16xi1>
        %gather3A = tpu.vector_load_idx %arg9[%get3A_129] : memref<10000xf32, #tpu.memory_space<vmem>>[vector<16xi32>], vector<16xf32>,
        %gather3A_139 = tpu.vector_load_idx %arg10[%get3A_133] : memref<10000xf32, #tpu.memory_space<vmem>>[vector<16xi32>], vector<16xf32>,
        %add3A_140 = arith.addf %gather3A, %gather3A_139 : vector<16xf32>
        %neg3A = arith.constant 0.000000e+00 : f32
        %neg3A_141 = vector.broadcast %neg3A : f32 to vector<16xf32>
        %neg3A_142 = arith.subf %neg3A_141, %add3A_140 : vector<16xf32>
        %exp3A = math.exp %neg3A_142 : vector<16xf32>
        %add3A_143 = arith.constant 1.000000e+00 : f32
        %add3A_144 = vector.broadcast %add3A_143 : f32 to vector<16xf32>
        %add3A_145 = arith.addf %add3A_144, %exp3A : vector<16xf32>
        %div3A_146 = arith.constant 1.000000e+00 : f32
        %div3A_147 = vector.broadcast %div3A_146 : f32 to vector<16xf32>
        %div3A_148 = arith.divf %div3A_147, %add3A_145 : vector<16xf32>
        %exp3A_149 = math.exp %div3A_148 : vector<16xf32>
        %sub3A_150 = vector.broadcast %mul3A_2 : i32 to vector<16xi32>
        %sub3A_151 = arith.subi %get3A_133, %sub3A_150 : vector<16xi32>
        %jit3A_152 = arith.constant 0 : i32
        %broadcast_in_dim3A_153 = vector.broadcast %jit3A_152 : i32 to vector<16xi32>
        %select_n3A_154 = arith.select %and3A_138, %sub3A_151, %broadcast_in_dim3A_153 : vector<16xi1>, vector<16xi32>
        %gather3A_155 = tpu.vector_load_idx %arg14[%select_n3A_154] : memref<320xf32, #tpu.memory_space<vmem>>[vector<16xi32>], vector<16xf32>,
        %mul3A_156 = arith.mulf %exp3A_149, %gather3A_155 : vector<16xf32>
        %add3A_157 = arith.constant 10000 : i32
        %add3A_158 = vector.broadcast %add3A_157 : i32 to vector<16xi32>
        %add3A_159 = arith.addi %get3A_129, %add3A_158 : vector<16xi32>
        %swap3A = arith.index_cast %scan3A_126 : i32 to index
        %swap3A_160 = tpu.vector_load %arg15[%swap3A] masked %and3A_138 {strides = array<i32>} : memref<1616xi32, #tpu.memory_space<vmem>>, vector<16xi32>, vector<16xi1>
        tpu.vector_store %arg15[%swap3A], %add3A_159 masked %and3A_138 {strides = array<i32>} : memref<1616xi32, #tpu.memory_space<vmem>>, vector<16xi32>, vector<16xi1>
        %swap3A_161 = arith.index_cast %scan3A_126 : i32 to index
        %swap3A_162 = tpu.vector_load %arg16[%swap3A_161] masked %and3A_138 {strides = array<i32>} : memref<1616xi32, #tpu.memory_space<vmem>>, vector<16xi32>, vector<16xi1>
        tpu.vector_store %arg16[%swap3A_161], %select_n3A_154 masked %and3A_138 {strides = array<i32>} : memref<1616xi32, #tpu.memory_space<vmem>>, vector<16xi32>, vector<16xi1>
        %swap3A_163 = arith.index_cast %scan3A_126 : i32 to index
        %swap3A_164 = tpu.vector_load %arg17[%swap3A_163] masked %and3A_138 {strides = array<i32>} : memref<1616xf32, #tpu.memory_space<vmem>>, vector<16xf32>, vector<16xi1>
        tpu.vector_store %arg17[%swap3A_163], %mul3A_156 masked %and3A_138 {strides = array<i32>} : memref<1616xf32, #tpu.memory_space<vmem>>, vector<16xf32>, vector<16xi1>
        %convert_element_type3A = arith.extui %and3A_138 : vector<16xi1> to vector<16xi32>
        %reduce_sum3A = arith.constant true
        %reduce_sum3A_165 = vector.broadcast %reduce_sum3A : i1 to vector<16xi1>
        %reduce_sum3A_166 = tpu.scan <sum>, %convert_element_type3A masked %reduce_sum3A_165 : vector<16xi32>, vector<16xi1> -> vector<16xi32>
        %reduce_sum3A_167 = vector.extract %reduce_sum3A_166[15] : i32 from vector<16xi32>
        %add3A_168 = arith.addi %scan3A_126, %reduce_sum3A_167 : i32
        scf.yield %add3A_168 : i32
      }
      %scan3A_94 = arith.constant 100 : i32
      %add3A_95 = arith.constant 15 : i32
      %add3A_96 = arith.addi %scan3A_93, %add3A_95 : i32
      %jit3A = arith.constant 16 : i32
      %div3A = arith.divsi %add3A_96, %jit3A : i32
      %sign3A = arith.constant 0 : i32
      %sign3A_97 = arith.cmpi sgt, %add3A_96, %sign3A : i32
      %sign3A_98 = arith.extui %sign3A_97 : i1 to i32
      %sign3A_99 = arith.constant 0 : i32
      %sign3A_100 = arith.cmpi slt, %add3A_96, %sign3A_99 : i32
      %sign3A_101 = arith.extui %sign3A_100 : i1 to i32
      %sign3A_102 = arith.subi %sign3A_98, %sign3A_101 : i32
      %sign3A_103 = arith.constant 0 : i32
      %sign3A_104 = arith.cmpi sgt, %jit3A, %sign3A_103 : i32
      %sign3A_105 = arith.extui %sign3A_104 : i1 to i32
      %sign3A_106 = arith.constant 0 : i32
      %sign3A_107 = arith.cmpi slt, %jit3A, %sign3A_106 : i32
      %sign3A_108 = arith.extui %sign3A_107 : i1 to i32
      %sign3A_109 = arith.subi %sign3A_105, %sign3A_108 : i32
      %ne3A = arith.cmpi ne, %sign3A_102, %sign3A_109 : i32
      %rem3A = arith.remsi %add3A_96, %jit3A : i32
      %ne3A_110 = arith.constant 0 : i32
      %ne3A_111 = arith.cmpi ne, %rem3A, %ne3A_110 : i32
      %and3A = arith.andi %ne3A, %ne3A_111 : i1
      %sub3A = arith.constant 1 : i32
      %sub3A_112 = arith.subi %div3A, %sub3A : i32
      %select_n3A = arith.select %and3A, %sub3A_112, %div3A : i32
      %while3A = arith.constant 0 : i32
      %while3A_113 = arith.constant 0 : i32
      %while3A_114 = arith.subi %select_n3A, %while3A : i32
      %while3A_115 = arith.addi %while3A, %while3A_114 : i32
      %while3A_116 = arith.constant 1 : i32
      %while3A_117 = arith.divsi %while3A_114, %while3A_116 : i32
      %while3A_118 = arith.muli %while3A_117, %while3A_116 : i32
      %while3A_119 = arith.addi %while3A, %while3A_118 : i32
      %while3A_120 = arith.constant 1 : i32
      %while3A_121 = scf.for %while3A_125 = %while3A to %while3A_119 step %while3A_120 iter_args(%while3A_126 = %while3A_113) -> (i32)  : i32 {
        %mul3A_127 = arith.constant 16 : i32
        %mul3A_128 = arith.muli %while3A_125, %mul3A_127 : i32
        %dma_start3A = tpu.memref_slice %arg15[%mul3A_128] : memref<1616xi32, #tpu.memory_space<vmem>> -> memref<16xi32, #tpu.memory_space<vmem>>
        %dma_start3A_129 = arith.constant 0 : i32
        %dma_start3A_130 = arith.constant 0 : i32
        %dma_start3A_131 = tpu.memref_slice %arg6[%dma_start3A_129, %dma_start3A_130] : memref<20000x256xf32, #tpu.memory_space<hbm>> -> memref<20000x256xf32, #tpu.memory_space<hbm>>
        tpu.enqueue_indirect_dma source(%dma_start3A_131 : memref<20000x256xf32, #tpu.memory_space<hbm>>) target(%arg18 : memref<16x256xf32, #tpu.memory_space<vmem>>) offsets(%dma_start3A : memref<16xi32, #tpu.memory_space<vmem>>) semaphore(%arg20 : memref<!tpu.dma_semaphore, #tpu.memory_space<semaphore_mem>>)
        %dma_wait3A = tpu.memref_slice %arg15[%mul3A_128] : memref<1616xi32, #tpu.memory_space<vmem>> -> memref<16xi32, #tpu.memory_space<vmem>>
        %dma_wait3A_132 = arith.constant 0 : i32
        %dma_wait3A_133 = arith.constant 0 : i32
        %dma_wait3A_134 = tpu.memref_slice %arg6[%dma_wait3A_132, %dma_wait3A_133] : memref<20000x256xf32, #tpu.memory_space<hbm>> -> memref<20000x256xf32, #tpu.memory_space<hbm>>
        tpu.wait_indirect_dma semaphore(%arg20 : memref<!tpu.dma_semaphore, #tpu.memory_space<semaphore_mem>>) src(%dma_wait3A_134 : memref<20000x256xf32, #tpu.memory_space<hbm>>) dst(%arg18 : memref<16x256xf32, #tpu.memory_space<vmem>>)
        %mul3A_135 = arith.constant 16 : i32
        %mul3A_136 = arith.muli %while3A_125, %mul3A_135 : i32
        %get3A = arith.index_cast %mul3A_136 : i32 to index
        %get3A_137 = tpu.vector_load %arg16[%get3A] {strides = array<i32>} : memref<1616xi32, #tpu.memory_space<vmem>>, vector<16xi32>,
        %mul3A_138 = arith.constant 16 : i32
        %mul3A_139 = arith.muli %while3A_125, %mul3A_138 : i32
        %get3A_140 = arith.index_cast %mul3A_139 : i32 to index
        %get3A_141 = tpu.vector_load %arg17[%get3A_140] {strides = array<i32>} : memref<1616xf32, #tpu.memory_space<vmem>>, vector<16xf32>,
        %mul3A_142 = arith.constant 16 : i32
        %mul3A_143 = arith.muli %while3A_125, %mul3A_142 : i32
        %add3A_144 = vector.broadcast %mul3A_143 : i32 to vector<16xi32>
        %add3A_145 = arith.addi %add3A_144, %iota3A : vector<16xi32>
        %lt3A = vector.broadcast %scan3A_93 : i32 to vector<16xi32>
        %lt3A_146 = arith.cmpi slt, %add3A_145, %lt3A : vector<16xi32>
        %scan3A_147 = arith.constant 0 : i32
        %scan3A_148 = arith.constant 0 : i32
        %scan3A_149 = arith.constant 16 : i32
        %scan3A_150 = arith.addi %scan3A_148, %scan3A_149 : i32
        %scan3A_151 = arith.constant 1 : i32
        %scan3A_152 = scf.for %scan3A_155 = %scan3A_148 to %scan3A_150 step %scan3A_151 iter_args(%scan3A_156 = %scan3A_147) -> (i32)  : i32 {
          %mul3A_157 = arith.constant 16 : i32
          %mul3A_158 = arith.muli %scan3A_155, %mul3A_157 : i32
          %add3A_159 = arith.constant 0 : i32
          %add3A_160 = arith.addi %mul3A_158, %add3A_159 : i32
          %broadcast_in_dim3A_161 = vector.broadcast %add3A_160 : i32 to vector<16xi32>
          %gather3A = tpu.vector_load_idx %arg18[%iota3A, %broadcast_in_dim3A_161] : memref<16x256xf32, #tpu.memory_space<vmem>>[vector<16xi32>, vector<16xi32>], vector<16xf32>,
          %mul3A_162 = arith.mulf %get3A_141, %gather3A : vector<16xf32>
          tpu.vector_store_idx %arg19[%get3A_137, %broadcast_in_dim3A_161], %mul3A_162 masked %lt3A_146 {add = true} : memref<320x256xf32, #tpu.memory_space<vmem>>[vector<16xi32>, vector<16xi32>], vector<16xf32>, vector<16xi1>
          %mul3A_163 = arith.constant 16 : i32
          %mul3A_164 = arith.muli %scan3A_155, %mul3A_163 : i32
          %add3A_165 = arith.constant 1 : i32
          %add3A_166 = arith.addi %mul3A_164, %add3A_165 : i32
          %broadcast_in_dim3A_167 = vector.broadcast %add3A_166 : i32 to vector<16xi32>
          %gather3A_168 = tpu.vector_load_idx %arg18[%iota3A, %broadcast_in_dim3A_167] : memref<16x256xf32, #tpu.memory_space<vmem>>[vector<16xi32>, vector<16xi32>], vector<16xf32>,
          %mul3A_169 = arith.mulf %get3A_141, %gather3A_168 : vector<16xf32>
          tpu.vector_store_idx %arg19[%get3A_137, %broadcast_in_dim3A_167], %mul3A_169 masked %lt3A_146 {add = true} : memref<320x256xf32, #tpu.memory_space<vmem>>[vector<16xi32>, vector<16xi32>], vector<16xf32>, vector<16xi1>
          %mul3A_170 = arith.constant 16 : i32
          %mul3A_171 = arith.muli %scan3A_155, %mul3A_170 : i32
          %add3A_172 = arith.constant 2 : i32
          %add3A_173 = arith.addi %mul3A_171, %add3A_172 : i32
          %broadcast_in_dim3A_174 = vector.broadcast %add3A_173 : i32 to vector<16xi32>
          %gather3A_175 = tpu.vector_load_idx %arg18[%iota3A, %broadcast_in_dim3A_174] : memref<16x256xf32, #tpu.memory_space<vmem>>[vector<16xi32>, vector<16xi32>], vector<16xf32>,
          %mul3A_176 = arith.mulf %get3A_141, %gather3A_175 : vector<16xf32>
          tpu.vector_store_idx %arg19[%get3A_137, %broadcast_in_dim3A_174], %mul3A_176 masked %lt3A_146 {add = true} : memref<320x256xf32, #tpu.memory_space<vmem>>[vector<16xi32>, vector<16xi32>], vector<16xf32>, vector<16xi1>
          %mul3A_177 = arith.constant 16 : i32
          %mul3A_178 = arith.muli %scan3A_155, %mul3A_177 : i32
          %add3A_179 = arith.constant 3 : i32
          %add3A_180 = arith.addi %mul3A_178, %add3A_179 : i32
          %broadcast_in_dim3A_181 = vector.broadcast %add3A_180 : i32 to vector<16xi32>
          %gather3A_182 = tpu.vector_load_idx %arg18[%iota3A, %broadcast_in_dim3A_181] : memref<16x256xf32, #tpu.memory_space<vmem>>[vector<16xi32>, vector<16xi32>], vector<16xf32>,
          %mul3A_183 = arith.mulf %get3A_141, %gather3A_182 : vector<16xf32>
          tpu.vector_store_idx %arg19[%get3A_137, %broadcast_in_dim3A_181], %mul3A_183 masked %lt3A_146 {add = true} : memref<320x256xf32, #tpu.memory_space<vmem>>[vector<16xi32>, vector<16xi32>], vector<16xf32>, vector<16xi1>
          %mul3A_184 = arith.constant 16 : i32
          %mul3A_185 = arith.muli %scan3A_155, %mul3A_184 : i32
          %add3A_186 = arith.constant 4 : i32
          %add3A_187 = arith.addi %mul3A_185, %add3A_186 : i32
          %broadcast_in_dim3A_188 = vector.broadcast %add3A_187 : i32 to vector<16xi32>
          %gather3A_189 = tpu.vector_load_idx %arg18[%iota3A, %broadcast_in_dim3A_188] : memref<16x256xf32, #tpu.memory_space<vmem>>[vector<16xi32>, vector<16xi32>], vector<16xf32>,
          %mul3A_190 = arith.mulf %get3A_141, %gather3A_189 : vector<16xf32>
          tpu.vector_store_idx %arg19[%get3A_137, %broadcast_in_dim3A_188], %mul3A_190 masked %lt3A_146 {add = true} : memref<320x256xf32, #tpu.memory_space<vmem>>[vector<16xi32>, vector<16xi32>], vector<16xf32>, vector<16xi1>
          %mul3A_191 = arith.constant 16 : i32
          %mul3A_192 = arith.muli %scan3A_155, %mul3A_191 : i32
          %add3A_193 = arith.constant 5 : i32
          %add3A_194 = arith.addi %mul3A_192, %add3A_193 : i32
          %broadcast_in_dim3A_195 = vector.broadcast %add3A_194 : i32 to vector<16xi32>
          %gather3A_196 = tpu.vector_load_idx %arg18[%iota3A, %broadcast_in_dim3A_195] : memref<16x256xf32, #tpu.memory_space<vmem>>[vector<16xi32>, vector<16xi32>], vector<16xf32>,
          %mul3A_197 = arith.mulf %get3A_141, %gather3A_196 : vector<16xf32>
          tpu.vector_store_idx %arg19[%get3A_137, %broadcast_in_dim3A_195], %mul3A_197 masked %lt3A_146 {add = true} : memref<320x256xf32, #tpu.memory_space<vmem>>[vector<16xi32>, vector<16xi32>], vector<16xf32>, vector<16xi1>
          %mul3A_198 = arith.constant 16 : i32
          %mul3A_199 = arith.muli %scan3A_155, %mul3A_198 : i32
          %add3A_200 = arith.constant 6 : i32
          %add3A_201 = arith.addi %mul3A_199, %add3A_200 : i32
          %broadcast_in_dim3A_202 = vector.broadcast %add3A_201 : i32 to vector<16xi32>
          %gather3A_203 = tpu.vector_load_idx %arg18[%iota3A, %broadcast_in_dim3A_202] : memref<16x256xf32, #tpu.memory_space<vmem>>[vector<16xi32>, vector<16xi32>], vector<16xf32>,
          %mul3A_204 = arith.mulf %get3A_141, %gather3A_203 : vector<16xf32>
          tpu.vector_store_idx %arg19[%get3A_137, %broadcast_in_dim3A_202], %mul3A_204 masked %lt3A_146 {add = true} : memref<320x256xf32, #tpu.memory_space<vmem>>[vector<16xi32>, vector<16xi32>], vector<16xf32>, vector<16xi1>
          %mul3A_205 = arith.constant 16 : i32
          %mul3A_206 = arith.muli %scan3A_155, %mul3A_205 : i32
          %add3A_207 = arith.constant 7 : i32
          %add3A_208 = arith.addi %mul3A_206, %add3A_207 : i32
          %broadcast_in_dim3A_209 = vector.broadcast %add3A_208 : i32 to vector<16xi32>
          %gather3A_210 = tpu.vector_load_idx %arg18[%iota3A, %broadcast_in_dim3A_209] : memref<16x256xf32, #tpu.memory_space<vmem>>[vector<16xi32>, vector<16xi32>], vector<16xf32>,
          %mul3A_211 = arith.mulf %get3A_141, %gather3A_210 : vector<16xf32>
          tpu.vector_store_idx %arg19[%get3A_137, %broadcast_in_dim3A_209], %mul3A_211 masked %lt3A_146 {add = true} : memref<320x256xf32, #tpu.memory_space<vmem>>[vector<16xi32>, vector<16xi32>], vector<16xf32>, vector<16xi1>
          %mul3A_212 = arith.constant 16 : i32
          %mul3A_213 = arith.muli %scan3A_155, %mul3A_212 : i32
          %add3A_214 = arith.constant 8 : i32
          %add3A_215 = arith.addi %mul3A_213, %add3A_214 : i32
          %broadcast_in_dim3A_216 = vector.broadcast %add3A_215 : i32 to vector<16xi32>
          %gather3A_217 = tpu.vector_load_idx %arg18[%iota3A, %broadcast_in_dim3A_216] : memref<16x256xf32, #tpu.memory_space<vmem>>[vector<16xi32>, vector<16xi32>], vector<16xf32>,
          %mul3A_218 = arith.mulf %get3A_141, %gather3A_217 : vector<16xf32>
          tpu.vector_store_idx %arg19[%get3A_137, %broadcast_in_dim3A_216], %mul3A_218 masked %lt3A_146 {add = true} : memref<320x256xf32, #tpu.memory_space<vmem>>[vector<16xi32>, vector<16xi32>], vector<16xf32>, vector<16xi1>
          %mul3A_219 = arith.constant 16 : i32
          %mul3A_220 = arith.muli %scan3A_155, %mul3A_219 : i32
          %add3A_221 = arith.constant 9 : i32
          %add3A_222 = arith.addi %mul3A_220, %add3A_221 : i32
          %broadcast_in_dim3A_223 = vector.broadcast %add3A_222 : i32 to vector<16xi32>
          %gather3A_224 = tpu.vector_load_idx %arg18[%iota3A, %broadcast_in_dim3A_223] : memref<16x256xf32, #tpu.memory_space<vmem>>[vector<16xi32>, vector<16xi32>], vector<16xf32>,
          %mul3A_225 = arith.mulf %get3A_141, %gather3A_224 : vector<16xf32>
          tpu.vector_store_idx %arg19[%get3A_137, %broadcast_in_dim3A_223], %mul3A_225 masked %lt3A_146 {add = true} : memref<320x256xf32, #tpu.memory_space<vmem>>[vector<16xi32>, vector<16xi32>], vector<16xf32>, vector<16xi1>
          %mul3A_226 = arith.constant 16 : i32
          %mul3A_227 = arith.muli %scan3A_155, %mul3A_226 : i32
          %add3A_228 = arith.constant 10 : i32
          %add3A_229 = arith.addi %mul3A_227, %add3A_228 : i32
          %broadcast_in_dim3A_230 = vector.broadcast %add3A_229 : i32 to vector<16xi32>
          %gather3A_231 = tpu.vector_load_idx %arg18[%iota3A, %broadcast_in_dim3A_230] : memref<16x256xf32, #tpu.memory_space<vmem>>[vector<16xi32>, vector<16xi32>], vector<16xf32>,
          %mul3A_232 = arith.mulf %get3A_141, %gather3A_231 : vector<16xf32>
          tpu.vector_store_idx %arg19[%get3A_137, %broadcast_in_dim3A_230], %mul3A_232 masked %lt3A_146 {add = true} : memref<320x256xf32, #tpu.memory_space<vmem>>[vector<16xi32>, vector<16xi32>], vector<16xf32>, vector<16xi1>
          %mul3A_233 = arith.constant 16 : i32
          %mul3A_234 = arith.muli %scan3A_155, %mul3A_233 : i32
          %add3A_235 = arith.constant 11 : i32
          %add3A_236 = arith.addi %mul3A_234, %add3A_235 : i32
          %broadcast_in_dim3A_237 = vector.broadcast %add3A_236 : i32 to vector<16xi32>
          %gather3A_238 = tpu.vector_load_idx %arg18[%iota3A, %broadcast_in_dim3A_237] : memref<16x256xf32, #tpu.memory_space<vmem>>[vector<16xi32>, vector<16xi32>], vector<16xf32>,
          %mul3A_239 = arith.mulf %get3A_141, %gather3A_238 : vector<16xf32>
          tpu.vector_store_idx %arg19[%get3A_137, %broadcast_in_dim3A_237], %mul3A_239 masked %lt3A_146 {add = true} : memref<320x256xf32, #tpu.memory_space<vmem>>[vector<16xi32>, vector<16xi32>], vector<16xf32>, vector<16xi1>
          %mul3A_240 = arith.constant 16 : i32
          %mul3A_241 = arith.muli %scan3A_155, %mul3A_240 : i32
          %add3A_242 = arith.constant 12 : i32
          %add3A_243 = arith.addi %mul3A_241, %add3A_242 : i32
          %broadcast_in_dim3A_244 = vector.broadcast %add3A_243 : i32 to vector<16xi32>
          %gather3A_245 = tpu.vector_load_idx %arg18[%iota3A, %broadcast_in_dim3A_244] : memref<16x256xf32, #tpu.memory_space<vmem>>[vector<16xi32>, vector<16xi32>], vector<16xf32>,
          %mul3A_246 = arith.mulf %get3A_141, %gather3A_245 : vector<16xf32>
          tpu.vector_store_idx %arg19[%get3A_137, %broadcast_in_dim3A_244], %mul3A_246 masked %lt3A_146 {add = true} : memref<320x256xf32, #tpu.memory_space<vmem>>[vector<16xi32>, vector<16xi32>], vector<16xf32>, vector<16xi1>
          %mul3A_247 = arith.constant 16 : i32
          %mul3A_248 = arith.muli %scan3A_155, %mul3A_247 : i32
          %add3A_249 = arith.constant 13 : i32
          %add3A_250 = arith.addi %mul3A_248, %add3A_249 : i32
          %broadcast_in_dim3A_251 = vector.broadcast %add3A_250 : i32 to vector<16xi32>
          %gather3A_252 = tpu.vector_load_idx %arg18[%iota3A, %broadcast_in_dim3A_251] : memref<16x256xf32, #tpu.memory_space<vmem>>[vector<16xi32>, vector<16xi32>], vector<16xf32>,
          %mul3A_253 = arith.mulf %get3A_141, %gather3A_252 : vector<16xf32>
          tpu.vector_store_idx %arg19[%get3A_137, %broadcast_in_dim3A_251], %mul3A_253 masked %lt3A_146 {add = true} : memref<320x256xf32, #tpu.memory_space<vmem>>[vector<16xi32>, vector<16xi32>], vector<16xf32>, vector<16xi1>
          %mul3A_254 = arith.constant 16 : i32
          %mul3A_255 = arith.muli %scan3A_155, %mul3A_254 : i32
          %add3A_256 = arith.constant 14 : i32
          %add3A_257 = arith.addi %mul3A_255, %add3A_256 : i32
          %broadcast_in_dim3A_258 = vector.broadcast %add3A_257 : i32 to vector<16xi32>
          %gather3A_259 = tpu.vector_load_idx %arg18[%iota3A, %broadcast_in_dim3A_258] : memref<16x256xf32, #tpu.memory_space<vmem>>[vector<16xi32>, vector<16xi32>], vector<16xf32>,
          %mul3A_260 = arith.mulf %get3A_141, %gather3A_259 : vector<16xf32>
          tpu.vector_store_idx %arg19[%get3A_137, %broadcast_in_dim3A_258], %mul3A_260 masked %lt3A_146 {add = true} : memref<320x256xf32, #tpu.memory_space<vmem>>[vector<16xi32>, vector<16xi32>], vector<16xf32>, vector<16xi1>
          %mul3A_261 = arith.constant 16 : i32
          %mul3A_262 = arith.muli %scan3A_155, %mul3A_261 : i32
          %add3A_263 = arith.constant 15 : i32
          %add3A_264 = arith.addi %mul3A_262, %add3A_263 : i32
          %broadcast_in_dim3A_265 = vector.broadcast %add3A_264 : i32 to vector<16xi32>
          %gather3A_266 = tpu.vector_load_idx %arg18[%iota3A, %broadcast_in_dim3A_265] : memref<16x256xf32, #tpu.memory_space<vmem>>[vector<16xi32>, vector<16xi32>], vector<16xf32>,
          %mul3A_267 = arith.mulf %get3A_141, %gather3A_266 : vector<16xf32>
          tpu.vector_store_idx %arg19[%get3A_137, %broadcast_in_dim3A_265], %mul3A_267 masked %lt3A_146 {add = true} : memref<320x256xf32, #tpu.memory_space<vmem>>[vector<16xi32>, vector<16xi32>], vector<16xf32>, vector<16xi1>
          %scan3A_268 = arith.constant 0 : i32
          scf.yield %scan3A_268 : i32
        }
        %scan3A_153 = arith.constant 16 : i32
        %while3A_154 = arith.constant 0 : i32
        scf.yield %while3A_154 : i32
      }
      %while3A_122 = arith.constant 1 : i32
      %while3A_123 = scf.for %while3A_125 = %while3A_119 to %while3A_115 step %while3A_122 iter_args(%while3A_126 = %while3A_121) -> (i32)  : i32 {
        %mul3A_127 = arith.constant 16 : i32
        %mul3A_128 = arith.muli %while3A_125, %mul3A_127 : i32
        %dma_start3A = tpu.memref_slice %arg15[%mul3A_128] : memref<1616xi32, #tpu.memory_space<vmem>> -> memref<16xi32, #tpu.memory_space<vmem>>
        %dma_start3A_129 = arith.constant 0 : i32
        %dma_start3A_130 = arith.constant 0 : i32
        %dma_start3A_131 = tpu.memref_slice %arg6[%dma_start3A_129, %dma_start3A_130] : memref<20000x256xf32, #tpu.memory_space<hbm>> -> memref<20000x256xf32, #tpu.memory_space<hbm>>
        tpu.enqueue_indirect_dma source(%dma_start3A_131 : memref<20000x256xf32, #tpu.memory_space<hbm>>) target(%arg18 : memref<16x256xf32, #tpu.memory_space<vmem>>) offsets(%dma_start3A : memref<16xi32, #tpu.memory_space<vmem>>) semaphore(%arg20 : memref<!tpu.dma_semaphore, #tpu.memory_space<semaphore_mem>>)
        %dma_wait3A = tpu.memref_slice %arg15[%mul3A_128] : memref<1616xi32, #tpu.memory_space<vmem>> -> memref<16xi32, #tpu.memory_space<vmem>>
        %dma_wait3A_132 = arith.constant 0 : i32
        %dma_wait3A_133 = arith.constant 0 : i32
        %dma_wait3A_134 = tpu.memref_slice %arg6[%dma_wait3A_132, %dma_wait3A_133] : memref<20000x256xf32, #tpu.memory_space<hbm>> -> memref<20000x256xf32, #tpu.memory_space<hbm>>
        tpu.wait_indirect_dma semaphore(%arg20 : memref<!tpu.dma_semaphore, #tpu.memory_space<semaphore_mem>>) src(%dma_wait3A_134 : memref<20000x256xf32, #tpu.memory_space<hbm>>) dst(%arg18 : memref<16x256xf32, #tpu.memory_space<vmem>>)
        %mul3A_135 = arith.constant 16 : i32
        %mul3A_136 = arith.muli %while3A_125, %mul3A_135 : i32
        %get3A = arith.index_cast %mul3A_136 : i32 to index
        %get3A_137 = tpu.vector_load %arg16[%get3A] {strides = array<i32>} : memref<1616xi32, #tpu.memory_space<vmem>>, vector<16xi32>,
        %mul3A_138 = arith.constant 16 : i32
        %mul3A_139 = arith.muli %while3A_125, %mul3A_138 : i32
        %get3A_140 = arith.index_cast %mul3A_139 : i32 to index
        %get3A_141 = tpu.vector_load %arg17[%get3A_140] {strides = array<i32>} : memref<1616xf32, #tpu.memory_space<vmem>>, vector<16xf32>,
        %mul3A_142 = arith.constant 16 : i32
        %mul3A_143 = arith.muli %while3A_125, %mul3A_142 : i32
        %add3A_144 = vector.broadcast %mul3A_143 : i32 to vector<16xi32>
        %add3A_145 = arith.addi %add3A_144, %iota3A : vector<16xi32>
        %lt3A = vector.broadcast %scan3A_93 : i32 to vector<16xi32>
        %lt3A_146 = arith.cmpi slt, %add3A_145, %lt3A : vector<16xi32>
        %scan3A_147 = arith.constant 0 : i32
        %scan3A_148 = arith.constant 0 : i32
        %scan3A_149 = arith.constant 16 : i32
        %scan3A_150 = arith.addi %scan3A_148, %scan3A_149 : i32
        %scan3A_151 = arith.constant 1 : i32
        %scan3A_152 = scf.for %scan3A_155 = %scan3A_148 to %scan3A_150 step %scan3A_151 iter_args(%scan3A_156 = %scan3A_147) -> (i32)  : i32 {
          %mul3A_157 = arith.constant 16 : i32
          %mul3A_158 = arith.muli %scan3A_155, %mul3A_157 : i32
          %add3A_159 = arith.constant 0 : i32
          %add3A_160 = arith.addi %mul3A_158, %add3A_159 : i32
          %broadcast_in_dim3A_161 = vector.broadcast %add3A_160 : i32 to vector<16xi32>
          %gather3A = tpu.vector_load_idx %arg18[%iota3A, %broadcast_in_dim3A_161] : memref<16x256xf32, #tpu.memory_space<vmem>>[vector<16xi32>, vector<16xi32>], vector<16xf32>,
          %mul3A_162 = arith.mulf %get3A_141, %gather3A : vector<16xf32>
          tpu.vector_store_idx %arg19[%get3A_137, %broadcast_in_dim3A_161], %mul3A_162 masked %lt3A_146 {add = true} : memref<320x256xf32, #tpu.memory_space<vmem>>[vector<16xi32>, vector<16xi32>], vector<16xf32>, vector<16xi1>
          %mul3A_163 = arith.constant 16 : i32
          %mul3A_164 = arith.muli %scan3A_155, %mul3A_163 : i32
          %add3A_165 = arith.constant 1 : i32
          %add3A_166 = arith.addi %mul3A_164, %add3A_165 : i32
          %broadcast_in_dim3A_167 = vector.broadcast %add3A_166 : i32 to vector<16xi32>
          %gather3A_168 = tpu.vector_load_idx %arg18[%iota3A, %broadcast_in_dim3A_167] : memref<16x256xf32, #tpu.memory_space<vmem>>[vector<16xi32>, vector<16xi32>], vector<16xf32>,
          %mul3A_169 = arith.mulf %get3A_141, %gather3A_168 : vector<16xf32>
          tpu.vector_store_idx %arg19[%get3A_137, %broadcast_in_dim3A_167], %mul3A_169 masked %lt3A_146 {add = true} : memref<320x256xf32, #tpu.memory_space<vmem>>[vector<16xi32>, vector<16xi32>], vector<16xf32>, vector<16xi1>
          %mul3A_170 = arith.constant 16 : i32
          %mul3A_171 = arith.muli %scan3A_155, %mul3A_170 : i32
          %add3A_172 = arith.constant 2 : i32
          %add3A_173 = arith.addi %mul3A_171, %add3A_172 : i32
          %broadcast_in_dim3A_174 = vector.broadcast %add3A_173 : i32 to vector<16xi32>
          %gather3A_175 = tpu.vector_load_idx %arg18[%iota3A, %broadcast_in_dim3A_174] : memref<16x256xf32, #tpu.memory_space<vmem>>[vector<16xi32>, vector<16xi32>], vector<16xf32>,
          %mul3A_176 = arith.mulf %get3A_141, %gather3A_175 : vector<16xf32>
          tpu.vector_store_idx %arg19[%get3A_137, %broadcast_in_dim3A_174], %mul3A_176 masked %lt3A_146 {add = true} : memref<320x256xf32, #tpu.memory_space<vmem>>[vector<16xi32>, vector<16xi32>], vector<16xf32>, vector<16xi1>
          %mul3A_177 = arith.constant 16 : i32
          %mul3A_178 = arith.muli %scan3A_155, %mul3A_177 : i32
          %add3A_179 = arith.constant 3 : i32
          %add3A_180 = arith.addi %mul3A_178, %add3A_179 : i32
          %broadcast_in_dim3A_181 = vector.broadcast %add3A_180 : i32 to vector<16xi32>
          %gather3A_182 = tpu.vector_load_idx %arg18[%iota3A, %broadcast_in_dim3A_181] : memref<16x256xf32, #tpu.memory_space<vmem>>[vector<16xi32>, vector<16xi32>], vector<16xf32>,
          %mul3A_183 = arith.mulf %get3A_141, %gather3A_182 : vector<16xf32>
          tpu.vector_store_idx %arg19[%get3A_137, %broadcast_in_dim3A_181], %mul3A_183 masked %lt3A_146 {add = true} : memref<320x256xf32, #tpu.memory_space<vmem>>[vector<16xi32>, vector<16xi32>], vector<16xf32>, vector<16xi1>
          %mul3A_184 = arith.constant 16 : i32
          %mul3A_185 = arith.muli %scan3A_155, %mul3A_184 : i32
          %add3A_186 = arith.constant 4 : i32
          %add3A_187 = arith.addi %mul3A_185, %add3A_186 : i32
          %broadcast_in_dim3A_188 = vector.broadcast %add3A_187 : i32 to vector<16xi32>
          %gather3A_189 = tpu.vector_load_idx %arg18[%iota3A, %broadcast_in_dim3A_188] : memref<16x256xf32, #tpu.memory_space<vmem>>[vector<16xi32>, vector<16xi32>], vector<16xf32>,
          %mul3A_190 = arith.mulf %get3A_141, %gather3A_189 : vector<16xf32>
          tpu.vector_store_idx %arg19[%get3A_137, %broadcast_in_dim3A_188], %mul3A_190 masked %lt3A_146 {add = true} : memref<320x256xf32, #tpu.memory_space<vmem>>[vector<16xi32>, vector<16xi32>], vector<16xf32>, vector<16xi1>
          %mul3A_191 = arith.constant 16 : i32
          %mul3A_192 = arith.muli %scan3A_155, %mul3A_191 : i32
          %add3A_193 = arith.constant 5 : i32
          %add3A_194 = arith.addi %mul3A_192, %add3A_193 : i32
          %broadcast_in_dim3A_195 = vector.broadcast %add3A_194 : i32 to vector<16xi32>
          %gather3A_196 = tpu.vector_load_idx %arg18[%iota3A, %broadcast_in_dim3A_195] : memref<16x256xf32, #tpu.memory_space<vmem>>[vector<16xi32>, vector<16xi32>], vector<16xf32>,
          %mul3A_197 = arith.mulf %get3A_141, %gather3A_196 : vector<16xf32>
          tpu.vector_store_idx %arg19[%get3A_137, %broadcast_in_dim3A_195], %mul3A_197 masked %lt3A_146 {add = true} : memref<320x256xf32, #tpu.memory_space<vmem>>[vector<16xi32>, vector<16xi32>], vector<16xf32>, vector<16xi1>
          %mul3A_198 = arith.constant 16 : i32
          %mul3A_199 = arith.muli %scan3A_155, %mul3A_198 : i32
          %add3A_200 = arith.constant 6 : i32
          %add3A_201 = arith.addi %mul3A_199, %add3A_200 : i32
          %broadcast_in_dim3A_202 = vector.broadcast %add3A_201 : i32 to vector<16xi32>
          %gather3A_203 = tpu.vector_load_idx %arg18[%iota3A, %broadcast_in_dim3A_202] : memref<16x256xf32, #tpu.memory_space<vmem>>[vector<16xi32>, vector<16xi32>], vector<16xf32>,
          %mul3A_204 = arith.mulf %get3A_141, %gather3A_203 : vector<16xf32>
          tpu.vector_store_idx %arg19[%get3A_137, %broadcast_in_dim3A_202], %mul3A_204 masked %lt3A_146 {add = true} : memref<320x256xf32, #tpu.memory_space<vmem>>[vector<16xi32>, vector<16xi32>], vector<16xf32>, vector<16xi1>
          %mul3A_205 = arith.constant 16 : i32
          %mul3A_206 = arith.muli %scan3A_155, %mul3A_205 : i32
          %add3A_207 = arith.constant 7 : i32
          %add3A_208 = arith.addi %mul3A_206, %add3A_207 : i32
          %broadcast_in_dim3A_209 = vector.broadcast %add3A_208 : i32 to vector<16xi32>
          %gather3A_210 = tpu.vector_load_idx %arg18[%iota3A, %broadcast_in_dim3A_209] : memref<16x256xf32, #tpu.memory_space<vmem>>[vector<16xi32>, vector<16xi32>], vector<16xf32>,
          %mul3A_211 = arith.mulf %get3A_141, %gather3A_210 : vector<16xf32>
          tpu.vector_store_idx %arg19[%get3A_137, %broadcast_in_dim3A_209], %mul3A_211 masked %lt3A_146 {add = true} : memref<320x256xf32, #tpu.memory_space<vmem>>[vector<16xi32>, vector<16xi32>], vector<16xf32>, vector<16xi1>
          %mul3A_212 = arith.constant 16 : i32
          %mul3A_213 = arith.muli %scan3A_155, %mul3A_212 : i32
          %add3A_214 = arith.constant 8 : i32
          %add3A_215 = arith.addi %mul3A_213, %add3A_214 : i32
          %broadcast_in_dim3A_216 = vector.broadcast %add3A_215 : i32 to vector<16xi32>
          %gather3A_217 = tpu.vector_load_idx %arg18[%iota3A, %broadcast_in_dim3A_216] : memref<16x256xf32, #tpu.memory_space<vmem>>[vector<16xi32>, vector<16xi32>], vector<16xf32>,
          %mul3A_218 = arith.mulf %get3A_141, %gather3A_217 : vector<16xf32>
          tpu.vector_store_idx %arg19[%get3A_137, %broadcast_in_dim3A_216], %mul3A_218 masked %lt3A_146 {add = true} : memref<320x256xf32, #tpu.memory_space<vmem>>[vector<16xi32>, vector<16xi32>], vector<16xf32>, vector<16xi1>
          %mul3A_219 = arith.constant 16 : i32
          %mul3A_220 = arith.muli %scan3A_155, %mul3A_219 : i32
          %add3A_221 = arith.constant 9 : i32
          %add3A_222 = arith.addi %mul3A_220, %add3A_221 : i32
          %broadcast_in_dim3A_223 = vector.broadcast %add3A_222 : i32 to vector<16xi32>
          %gather3A_224 = tpu.vector_load_idx %arg18[%iota3A, %broadcast_in_dim3A_223] : memref<16x256xf32, #tpu.memory_space<vmem>>[vector<16xi32>, vector<16xi32>], vector<16xf32>,
          %mul3A_225 = arith.mulf %get3A_141, %gather3A_224 : vector<16xf32>
          tpu.vector_store_idx %arg19[%get3A_137, %broadcast_in_dim3A_223], %mul3A_225 masked %lt3A_146 {add = true} : memref<320x256xf32, #tpu.memory_space<vmem>>[vector<16xi32>, vector<16xi32>], vector<16xf32>, vector<16xi1>
          %mul3A_226 = arith.constant 16 : i32
          %mul3A_227 = arith.muli %scan3A_155, %mul3A_226 : i32
          %add3A_228 = arith.constant 10 : i32
          %add3A_229 = arith.addi %mul3A_227, %add3A_228 : i32
          %broadcast_in_dim3A_230 = vector.broadcast %add3A_229 : i32 to vector<16xi32>
          %gather3A_231 = tpu.vector_load_idx %arg18[%iota3A, %broadcast_in_dim3A_230] : memref<16x256xf32, #tpu.memory_space<vmem>>[vector<16xi32>, vector<16xi32>], vector<16xf32>,
          %mul3A_232 = arith.mulf %get3A_141, %gather3A_231 : vector<16xf32>
          tpu.vector_store_idx %arg19[%get3A_137, %broadcast_in_dim3A_230], %mul3A_232 masked %lt3A_146 {add = true} : memref<320x256xf32, #tpu.memory_space<vmem>>[vector<16xi32>, vector<16xi32>], vector<16xf32>, vector<16xi1>
          %mul3A_233 = arith.constant 16 : i32
          %mul3A_234 = arith.muli %scan3A_155, %mul3A_233 : i32
          %add3A_235 = arith.constant 11 : i32
          %add3A_236 = arith.addi %mul3A_234, %add3A_235 : i32
          %broadcast_in_dim3A_237 = vector.broadcast %add3A_236 : i32 to vector<16xi32>
          %gather3A_238 = tpu.vector_load_idx %arg18[%iota3A, %broadcast_in_dim3A_237] : memref<16x256xf32, #tpu.memory_space<vmem>>[vector<16xi32>, vector<16xi32>], vector<16xf32>,
          %mul3A_239 = arith.mulf %get3A_141, %gather3A_238 : vector<16xf32>
          tpu.vector_store_idx %arg19[%get3A_137, %broadcast_in_dim3A_237], %mul3A_239 masked %lt3A_146 {add = true} : memref<320x256xf32, #tpu.memory_space<vmem>>[vector<16xi32>, vector<16xi32>], vector<16xf32>, vector<16xi1>
          %mul3A_240 = arith.constant 16 : i32
          %mul3A_241 = arith.muli %scan3A_155, %mul3A_240 : i32
          %add3A_242 = arith.constant 12 : i32
          %add3A_243 = arith.addi %mul3A_241, %add3A_242 : i32
          %broadcast_in_dim3A_244 = vector.broadcast %add3A_243 : i32 to vector<16xi32>
          %gather3A_245 = tpu.vector_load_idx %arg18[%iota3A, %broadcast_in_dim3A_244] : memref<16x256xf32, #tpu.memory_space<vmem>>[vector<16xi32>, vector<16xi32>], vector<16xf32>,
          %mul3A_246 = arith.mulf %get3A_141, %gather3A_245 : vector<16xf32>
          tpu.vector_store_idx %arg19[%get3A_137, %broadcast_in_dim3A_244], %mul3A_246 masked %lt3A_146 {add = true} : memref<320x256xf32, #tpu.memory_space<vmem>>[vector<16xi32>, vector<16xi32>], vector<16xf32>, vector<16xi1>
          %mul3A_247 = arith.constant 16 : i32
          %mul3A_248 = arith.muli %scan3A_155, %mul3A_247 : i32
          %add3A_249 = arith.constant 13 : i32
          %add3A_250 = arith.addi %mul3A_248, %add3A_249 : i32
          %broadcast_in_dim3A_251 = vector.broadcast %add3A_250 : i32 to vector<16xi32>
          %gather3A_252 = tpu.vector_load_idx %arg18[%iota3A, %broadcast_in_dim3A_251] : memref<16x256xf32, #tpu.memory_space<vmem>>[vector<16xi32>, vector<16xi32>], vector<16xf32>,
          %mul3A_253 = arith.mulf %get3A_141, %gather3A_252 : vector<16xf32>
          tpu.vector_store_idx %arg19[%get3A_137, %broadcast_in_dim3A_251], %mul3A_253 masked %lt3A_146 {add = true} : memref<320x256xf32, #tpu.memory_space<vmem>>[vector<16xi32>, vector<16xi32>], vector<16xf32>, vector<16xi1>
          %mul3A_254 = arith.constant 16 : i32
          %mul3A_255 = arith.muli %scan3A_155, %mul3A_254 : i32
          %add3A_256 = arith.constant 14 : i32
          %add3A_257 = arith.addi %mul3A_255, %add3A_256 : i32
          %broadcast_in_dim3A_258 = vector.broadcast %add3A_257 : i32 to vector<16xi32>
          %gather3A_259 = tpu.vector_load_idx %arg18[%iota3A, %broadcast_in_dim3A_258] : memref<16x256xf32, #tpu.memory_space<vmem>>[vector<16xi32>, vector<16xi32>], vector<16xf32>,
          %mul3A_260 = arith.mulf %get3A_141, %gather3A_259 : vector<16xf32>
          tpu.vector_store_idx %arg19[%get3A_137, %broadcast_in_dim3A_258], %mul3A_260 masked %lt3A_146 {add = true} : memref<320x256xf32, #tpu.memory_space<vmem>>[vector<16xi32>, vector<16xi32>], vector<16xf32>, vector<16xi1>
          %mul3A_261 = arith.constant 16 : i32
          %mul3A_262 = arith.muli %scan3A_155, %mul3A_261 : i32
          %add3A_263 = arith.constant 15 : i32
          %add3A_264 = arith.addi %mul3A_262, %add3A_263 : i32
          %broadcast_in_dim3A_265 = vector.broadcast %add3A_264 : i32 to vector<16xi32>
          %gather3A_266 = tpu.vector_load_idx %arg18[%iota3A, %broadcast_in_dim3A_265] : memref<16x256xf32, #tpu.memory_space<vmem>>[vector<16xi32>, vector<16xi32>], vector<16xf32>,
          %mul3A_267 = arith.mulf %get3A_141, %gather3A_266 : vector<16xf32>
          tpu.vector_store_idx %arg19[%get3A_137, %broadcast_in_dim3A_265], %mul3A_267 masked %lt3A_146 {add = true} : memref<320x256xf32, #tpu.memory_space<vmem>>[vector<16xi32>, vector<16xi32>], vector<16xf32>, vector<16xi1>
          %scan3A_268 = arith.constant 0 : i32
          scf.yield %scan3A_268 : i32
        }
        %scan3A_153 = arith.constant 16 : i32
        %while3A_154 = arith.constant 0 : i32
        scf.yield %while3A_154 : i32
      }
      %scan3A_124 = arith.constant 0 : i32
      scf.yield %scan3A_124 : i32
    }
    %scan3A_81 = arith.constant 100 : i32
    "tpu.region"() ({
      %run_scoped3A = tpu.sem_alloc : memref<!tpu.dma_semaphore, #tpu.memory_space<semaphore_mem>>
      %dma_start3A = arith.constant 0 : i32
      %dma_start3A_82 = tpu.memref_slice %arg8[%mul3A_2, %dma_start3A] : memref<10240x256xf32, #tpu.memory_space<hbm>> -> memref<320x256xf32, #tpu.memory_space<hbm>>
      %dma_start3A_83 = arith.constant 0 : i32
      %dma_start3A_84 = tpu.memref_slice %arg8[%mul3A_2, %dma_start3A_83] : memref<10240x256xf32, #tpu.memory_space<hbm>> -> memref<320x256xf32, #tpu.memory_space<hbm>>
      tpu.enqueue_dma source(%arg19 : memref<320x256xf32, #tpu.memory_space<vmem>>) target(%dma_start3A_84 : memref<320x256xf32, #tpu.memory_space<hbm>>) target_semaphore(%run_scoped3A : memref<!tpu.dma_semaphore, #tpu.memory_space<semaphore_mem>>)
      %dma_wait3A = arith.constant 0 : i32
      %dma_wait3A_85 = tpu.memref_slice %arg8[%mul3A_2, %dma_wait3A] : memref<10240x256xf32, #tpu.memory_space<hbm>> -> memref<320x256xf32, #tpu.memory_space<hbm>>
      %dma_wait3A_86 = arith.constant 0 : i32
      %dma_wait3A_87 = tpu.memref_slice %arg8[%mul3A_2, %dma_wait3A_86] : memref<10240x256xf32, #tpu.memory_space<hbm>> -> memref<320x256xf32, #tpu.memory_space<hbm>>
      tpu.wait_dma2 semaphore(%run_scoped3A : memref<!tpu.dma_semaphore, #tpu.memory_space<semaphore_mem>>) src(%arg19 : memref<320x256xf32, #tpu.memory_space<vmem>>) dst(%dma_wait3A_87 : memref<320x256xf32, #tpu.memory_space<hbm>>)
      tpu.yield
    }) : () -> ()
    return
  }
}

module attributes {stable_mosaic.version = 14 : i64} {
  func.func @_mm1_body(%arg0: i32, %arg1: memref<1000x512xf32, #tpu.memory_space<vmem>>, %arg2: memref<512x256xf32, #tpu.memory_space<vmem>>, %arg3: memref<256x128xf32, #tpu.memory_space<vmem>>, %arg4: memref<1000x256xf32, #tpu.memory_space<vmem>>, %arg5: memref<1000x128xf32, #tpu.memory_space<vmem>>) attributes {dimension_semantics = [#tpu.dimension_semantics<arbitrary>], iteration_bounds = array<i64: 20>, scalar_prefetch = 0 : i64, scratch_operands = 0 : i64, tpu.core_type = #tpu.core_type<tc>, window_params = [{transform_indices = @transform_0, window_bounds = array<i64: 1000, 512>}, {pipeline_mode = #tpu.pipeline_mode<synchronous>, transform_indices = @transform_1, window_bounds = array<i64: 512, 256>}, {pipeline_mode = #tpu.pipeline_mode<synchronous>, transform_indices = @transform_2, window_bounds = array<i64: 256, 128>}, {transform_indices = @transform_3, window_bounds = array<i64: 1000, 256>}, {transform_indices = @transform_4, window_bounds = array<i64: 1000, 128>}]} {
    %get3A = arith.constant 0 : index
    %get3A_0 = arith.constant 0 : index
    %get3A_1 = vector.load %arg1[%get3A, %get3A_0] : memref<1000x512xf32, #tpu.memory_space<vmem>>, vector<1000x512xf32>
    %get3A_2 = arith.constant 0 : index
    %get3A_3 = arith.constant 0 : index
    %get3A_4 = vector.load %arg2[%get3A_2, %get3A_3] : memref<512x256xf32, #tpu.memory_space<vmem>>, vector<512x256xf32>
    %dot_general3A = arith.constant dense<0.000000e+00> : vector<1000x256xf32>
    %dot_general3A_5 = tpu.matmul %get3A_1, %get3A_4, %dot_general3A {dimension_numbers = #tpu.dot_dimension_numbers<[1], [0], [0], [1], [0, 0, 1, 1], [], []>, transpose_lhs_hint = false} : vector<1000x512xf32>, vector<512x256xf32>, vector<1000x256xf32> -> vector<1000x256xf32>
    %swap3A = arith.constant 0 : index
    %swap3A_6 = arith.constant 0 : index
    %swap3A_7 = vector.load %arg4[%swap3A, %swap3A_6] : memref<1000x256xf32, #tpu.memory_space<vmem>>, vector<1000x256xf32>
    tpu.vector_store %arg4[%swap3A, %swap3A_6], %dot_general3A_5 {strides = array<i32>} : memref<1000x256xf32, #tpu.memory_space<vmem>>, vector<1000x256xf32>,
    %get3A_8 = arith.constant 0 : index
    %get3A_9 = arith.constant 0 : index
    %get3A_10 = vector.load %arg3[%get3A_8, %get3A_9] : memref<256x128xf32, #tpu.memory_space<vmem>>, vector<256x128xf32>
    %dot_general3A_11 = arith.constant dense<0.000000e+00> : vector<1000x128xf32>
    %dot_general3A_12 = tpu.matmul %dot_general3A_5, %get3A_10, %dot_general3A_11 {dimension_numbers = #tpu.dot_dimension_numbers<[1], [0], [0], [1], [0, 0, 1, 1], [], []>, transpose_lhs_hint = false} : vector<1000x256xf32>, vector<256x128xf32>, vector<1000x128xf32> -> vector<1000x128xf32>
    %swap3A_13 = arith.constant 0 : index
    %swap3A_14 = arith.constant 0 : index
    %swap3A_15 = vector.load %arg5[%swap3A_13, %swap3A_14] : memref<1000x128xf32, #tpu.memory_space<vmem>>, vector<1000x128xf32>
    tpu.vector_store %arg5[%swap3A_13, %swap3A_14], %dot_general3A_12 {strides = array<i32>} : memref<1000x128xf32, #tpu.memory_space<vmem>>, vector<1000x128xf32>,
    return
  }
  func.func @transform_0(%arg0: i32) -> (i32, i32) {
    %c0_i32 = arith.constant 0 : i32
    %c0_i32_0 = arith.constant 0 : i32
    return %arg0, %c0_i32 : i32, i32
  }
  func.func @transform_1(%arg0: i32) -> (i32, i32) {
    %c0_i32 = arith.constant 0 : i32
    %c0_i32_0 = arith.constant 0 : i32
    %c0_i32_1 = arith.constant 0 : i32
    return %c0_i32, %c0_i32_0 : i32, i32
  }
  func.func @transform_2(%arg0: i32) -> (i32, i32) {
    %c0_i32 = arith.constant 0 : i32
    %c0_i32_0 = arith.constant 0 : i32
    %c0_i32_1 = arith.constant 0 : i32
    return %c0_i32, %c0_i32_0 : i32, i32
  }
  func.func @transform_3(%arg0: i32) -> (i32, i32) {
    %c0_i32 = arith.constant 0 : i32
    %c0_i32_0 = arith.constant 0 : i32
    return %arg0, %c0_i32 : i32, i32
  }
  func.func @transform_4(%arg0: i32) -> (i32, i32) {
    %c0_i32 = arith.constant 0 : i32
    %c0_i32_0 = arith.constant 0 : i32
    return %arg0, %c0_i32 : i32, i32
  }
}

module attributes {stable_mosaic.version = 14 : i64} {
  func.func @_readout_body(%arg0: i32, %arg1: memref<200x10000xf32, #tpu.memory_space<vmem>>, %arg2: memref<10000x128xf32, #tpu.memory_space<vmem>>, %arg3: memref<200x128xf32, #tpu.memory_space<vmem>>, %arg4: memref<200x128xf32, #tpu.memory_space<vmem>>) attributes {dimension_semantics = [#tpu.dimension_semantics<arbitrary>], iteration_bounds = array<i64: 50>, scalar_prefetch = 0 : i64, scratch_operands = 0 : i64, tpu.core_type = #tpu.core_type<tc>, window_params = [{transform_indices = @transform_0, window_bounds = array<i64: 200, 10000>}, {pipeline_mode = #tpu.pipeline_mode<synchronous>, transform_indices = @transform_1, window_bounds = array<i64: 10000, 128>}, {transform_indices = @transform_2, window_bounds = array<i64: 200, 128>}, {transform_indices = @transform_3, window_bounds = array<i64: 200, 128>}]} {
    %get3A = arith.constant 0 : index
    %get3A_0 = arith.constant 0 : index
    %get3A_1 = vector.load %arg1[%get3A, %get3A_0] : memref<200x10000xf32, #tpu.memory_space<vmem>>, vector<200x10000xf32>
    %get3A_2 = arith.constant 0 : index
    %get3A_3 = arith.constant 0 : index
    %get3A_4 = vector.load %arg2[%get3A_2, %get3A_3] : memref<10000x128xf32, #tpu.memory_space<vmem>>, vector<10000x128xf32>
    %dot_general3A = arith.constant dense<0.000000e+00> : vector<200x128xf32>
    %dot_general3A_5 = tpu.matmul %get3A_1, %get3A_4, %dot_general3A {dimension_numbers = #tpu.dot_dimension_numbers<[1], [0], [0], [1], [0, 0, 1, 1], [], []>, transpose_lhs_hint = false} : vector<200x10000xf32>, vector<10000x128xf32>, vector<200x128xf32> -> vector<200x128xf32>
    %swap3A = arith.constant 0 : index
    %swap3A_6 = arith.constant 0 : index
    %swap3A_7 = vector.load %arg3[%swap3A, %swap3A_6] : memref<200x128xf32, #tpu.memory_space<vmem>>, vector<200x128xf32>
    tpu.vector_store %arg3[%swap3A, %swap3A_6], %dot_general3A_5 {strides = array<i32>} : memref<200x128xf32, #tpu.memory_space<vmem>>, vector<200x128xf32>,
    %reduce_sum3A = arith.constant dense<0.000000e+00> : vector<200xf32>
    %reduce_sum3A_8 = vector.multi_reduction <add>, %get3A_1, %reduce_sum3A [1] : vector<200x10000xf32> to vector<200xf32>
    %broadcast_in_dim3A = vector.shape_cast %reduce_sum3A_8 : vector<200xf32> to vector<200x1xf32>
    %broadcast_in_dim3A_9 = vector.shape_cast %broadcast_in_dim3A : vector<200x1xf32> to vector<200x1xf32>
    %broadcast_in_dim3A_10 = vector.broadcast %broadcast_in_dim3A_9 : vector<200x1xf32> to vector<200x128xf32>
    %swap3A_11 = arith.constant 0 : index
    %swap3A_12 = arith.constant 0 : index
    %swap3A_13 = vector.load %arg4[%swap3A_11, %swap3A_12] : memref<200x128xf32, #tpu.memory_space<vmem>>, vector<200x128xf32>
    tpu.vector_store %arg4[%swap3A_11, %swap3A_12], %broadcast_in_dim3A_10 {strides = array<i32>} : memref<200x128xf32, #tpu.memory_space<vmem>>, vector<200x128xf32>,
    return
  }
  func.func @transform_0(%arg0: i32) -> (i32, i32) {
    %c0_i32 = arith.constant 0 : i32
    %c0_i32_0 = arith.constant 0 : i32
    return %arg0, %c0_i32 : i32, i32
  }
  func.func @transform_1(%arg0: i32) -> (i32, i32) {
    %c0_i32 = arith.constant 0 : i32
    %c0_i32_0 = arith.constant 0 : i32
    %c0_i32_1 = arith.constant 0 : i32
    return %c0_i32, %c0_i32_0 : i32, i32
  }
  func.func @transform_2(%arg0: i32) -> (i32, i32) {
    %c0_i32 = arith.constant 0 : i32
    %c0_i32_0 = arith.constant 0 : i32
    return %arg0, %c0_i32 : i32, i32
  }
  func.func @transform_3(%arg0: i32) -> (i32, i32) {
    %c0_i32 = arith.constant 0 : i32
    %c0_i32_0 = arith.constant 0 : i32
    return %arg0, %c0_i32 : i32, i32
  }
}

</mosaic_0001>

<sc_bundles>
// kernel: kernel.5.cloned.1.call-start
scs
__scs_entry_jumppad:
0x0: {  	(pc) =	sbr.rel $0x88, $3  }
0x1: {  	(tag) =	ssettag $0x0;
	lr =	simm.s32 $0x1  }
0x2: {  	[smem:$0x3F91] =	sst lr;
	_ =	strace $0xD0000000  }
0x3: {  	_ = 	snop  }
0x4: {  	_ = 	snop  }
0x5: {  	_ = 	snop  }
0x6: {  	_ = 	snop  }
0x7: {  	_ = 	snop  }
__scs_overlays_trampoline_lowered:
0x8: {  	[smem:$0x3FA0] =	sst s0  }
0x9: {  	[smem:$0x3FA1] =	sst s1  }
0xa: {  	[smem:$0x3FA2] =	sst s2  }
0xb: {  	[smem:$0x3FA3] =	sst s3  }
0xc: {  	[smem:$0x3FA4] =	sst s4  }
0xd: {  	[smem:$0x3FA5] =	sst s5  }
0xe: {  	[smem:$0x3FA6] =	sst s6  }
0xf: {  	[smem:$0x3FA7] =	sst s7  }
0x10: {  	[smem:$0x3FA8] =	sst s8  }
0x11: {  	[smem:$0x3FA9] =	sst s9;
	s0 =	simm.s32 @!p0 $0x0  }
0x12: {  	s1 =	sld [smem:$0x3F8F];
	s0 =	simm.s32 @p0 $0x1  }
0x13: {  	[smem:$0x3FAA] =	sst s0;
	s0 =	simm.s32 @!p1 $0x0  }
0x14: {  	s2 =	sld [smem:$0x3F8E];
	s0 =	simm.s32 @p1 $0x1  }
0x15: {  	[smem:$0x3FAB] =	sst s0;
	s0 =	simm.s32 @!p2 $0x0  }
0x16: {  	s3 =	sld [smem:$0x3FDB];
	s0 =	simm.s32 @p2 $0x1  }
0x17: {  	s4 =	simm.s32 $0x1BF5;
	[smem:$0x3FAD] =	sst s0  }
0x18: {  	s0 =	sld [smem:$0x3F90];
	_ =	swait.ge [sflag:s4], $0x0  }
0x19: {  	s7 =	sld [smem:$0x3F91]  }
0x1a: {  	s8 =	sadd.s32 $0xFFFFE003, lr  }
0x1b: {  	s9 =	sadd.s32 $0xFFFFFEF7, lr;
	s5 =	simm.s32 $0xFFFFFFFF;
	p2 =	slt.u32 s8, $0xFFFFF086  }
0x1c: {  	p1 =	slt.u32 s9, $0xF7A;
	s5 =	simm.s32 @!p2 $0x0  }
0x1d: {  	s5 =	simm.s32 @p1 $0x1;
	p0 =	seq.s32 s7, s2  }
0x1e: {  	s7 =	smul.u32 @!p0 $0xF7A, s2;
	p2 =	seq.s32 @!p0 s5, $0x0  }
0x1f: {  	s9 =	smul.u32 $0xF7A, s1;
	s8 =	simm.s32 @!p0 $0x1BF5;
	p2 =	por !p2, p0  }
0x20: {  	[sflag:s8] =	ssyncset.s32 @!p0 $0xFFFFF086;
	s6 =	sadd.s32 @!p0 s3, s7;
	s7 =	simm.s32 @!p0 $0x108  }
0x21: {  	s3 =	sadd.s32 s3, s9;
	s6 =	sadd.s32 @!p0 $0x88, s6;
	s7 =	simm.s32 @p2 $0x1082  }
0x22: {  	[simem:s7], [sflag:s8] =	dma.local @!p0 [hbm:s6], $0xF7A  }
0x23: {  	s9 =	sor.u32 $0xD0000000, s2;
	s6 =	simm.s32 $0x108;
	_ =	swait.ge @!p0 [sflag:s8], $0x0  }
0x24: {  	s3 =	sadd.s32 $0x88, s3;
	s6 =	simm.s32 @!p1 $0x1082;
	[sflag:s4] =	ssyncset.s32 $0xFFFFF086  }
0x25: {  	[simem:s6], [sflag:s4] =	dma.local [hbm:s3], $0xF7A  }
0x26: {  	[smem:$0x3F91] =	sst s1;
	(tag) =	ssettag s2;
	_ =	strace s9  }
0x27: {  	s1 =	sld [smem:$0x3FA1]  }
0x28: {  	s2 =	sld [smem:$0x3FA2]  }
0x29: {  	s4 =	sld [smem:$0x3FA4]  }
0x2a: {  	p0 =	seq.s32 s5, $0x0;
	s5 =	sld [smem:$0x3FA5]  }
0x2b: {  	s6 =	sld [smem:$0x3FA6]  }
0x2c: {  	s7 =	sld [smem:$0x3FA7]  }
0x2d: {  	s3 =	simm.s32 $0x108;
	s8 =	sld [smem:$0x3FA8]  }
0x2e: {  	s3 =	simm.s32 @!p0 $0x1082;
	s9 =	sld [smem:$0x3FA9]  }
0x2f: {  	lr =	sadd.s32 s0, s3;
	s0 =	sld [smem:$0x3FA0]  }
0x30: {  	s3 =	sld [smem:$0x3FA3]  }
0x31: {  	[smem:$0x3FAC] =	sst s10  }
0x32: {  	s10 =	sld [smem:$0x3FAA];
	_ =	sdelay $0x3  }
0x33: {  	p0 =	seq.s32 s10, $0x1;
	s10 =	sld [smem:$0x3FAC];
	_ =	sdelay $0x3  }
0x34: {  	[smem:$0x3FAC] =	sst s10  }
0x35: {  	s10 =	sld [smem:$0x3FAB];
	_ =	sdelay $0x3  }
0x36: {  	p1 =	seq.s32 s10, $0x1;
	s10 =	sld [smem:$0x3FAC];
	_ =	sdelay $0x3  }
0x37: {  	[smem:$0x3FAC] =	sst s10  }
0x38: {  	s10 =	sld [smem:$0x3FAD]  }
0x39: {  	_ = 	snop;
	(pc) =	sbr.ind lr, $3  }
0x3a: {  	_ = 	snop  }
0x3b: {  	_ = 	snop  }
0x3c: {  	p2 =	seq.s32 s10, $0x1;
	s10 =	sld [smem:$0x3FAC]  }
0x3d: {  	_ =	shalt  }
0x3e: {  	_ =	shalt  }
0x3f: {  	_ =	shalt  }
0x40: {  	_ =	shalt  }
0x41: {  	_ =	shalt  }
0x42: {  	_ =	shalt  }
0x43: {  	_ =	shalt  }
0x44: {  	_ =	shalt  }
0x45: {  	_ =	shalt  }
0x46: {  	_ =	shalt  }
0x47: {  	_ =	shalt  }
0x48: {  	_ =	shalt  }
0x49: {  	_ =	shalt  }
0x4a: {  	_ =	shalt  }
0x4b: {  	_ =	shalt  }
0x4c: {  	_ =	shalt  }
0x4d: {  	_ =	shalt  }
0x4e: {  	_ =	shalt  }
0x4f: {  	_ =	shalt  }
0x50: {  	_ =	shalt  }
0x51: {  	_ =	shalt  }
0x52: {  	_ =	shalt  }
0x53: {  	_ =	shalt  }
0x54: {  	_ =	shalt  }
0x55: {  	_ =	shalt  }
0x56: {  	_ =	shalt  }
0x57: {  	_ =	shalt  }
0x58: {  	_ =	shalt  }
0x59: {  	_ =	shalt  }
0x5a: {  	_ =	shalt  }
0x5b: {  	_ =	shalt  }
0x5c: {  	_ =	shalt  }
0x5d: {  	_ =	shalt  }
0x5e: {  	_ =	shalt  }
0x5f: {  	_ =	shalt  }
0x60: {  	_ =	shalt  }
0x61: {  	_ =	shalt  }
0x62: {  	_ =	shalt  }
0x63: {  	_ =	shalt  }
0x64: {  	_ =	shalt  }
0x65: {  	_ =	shalt  }
0x66: {  	_ =	shalt  }
0x67: {  	_ =	shalt  }
0x68: {  	_ =	shalt  }
0x69: {  	_ =	shalt  }
0x6a: {  	_ =	shalt  }
0x6b: {  	_ =	shalt  }
0x6c: {  	_ =	shalt  }
0x6d: {  	_ =	shalt  }
0x6e: {  	_ =	shalt  }
0x6f: {  	_ =	shalt  }
0x70: {  	_ =	shalt  }
0x71: {  	_ =	shalt  }
0x72: {  	_ =	shalt  }
0x73: {  	_ =	shalt  }
0x74: {  	_ =	shalt  }
0x75: {  	_ =	shalt  }
0x76: {  	_ =	shalt  }
0x77: {  	_ =	shalt  }
0x78: {  	_ =	shalt  }
0x79: {  	_ =	shalt  }
0x7a: {  	_ =	shalt  }
0x7b: {  	_ =	shalt  }
0x7c: {  	_ =	shalt  }
0x7d: {  	_ =	shalt  }
0x7e: {  	_ =	shalt  }
0x7f: {  	_ =	shalt  }
0x80: {  	_ =	shalt  }
0x81: {  	_ =	shalt  }
0x82: {  	_ =	shalt  }
0x83: {  	_ =	shalt  }
0x84: {  	_ =	shalt  }
0x85: {  	_ =	shalt  }
0x86: {  	_ =	shalt  }
0x87: {  	_ =	shalt  }
.Lfunc_end0:
.L_simem_size_0:
called_computation_lowered:
.L_overlay_start_0:
0x88: {  	s2 =	sld [smem:$0x3FD9]  }
0x89: {  	s3 =	sld [smem:$0x3FFE];
	_ =	sdelay $0x1  }
0x8a: {  	s1 =	srdreg.scid  }
0x8b: {  	s0 =	sand.u32 $0x1, s1  }
0x8c: {  	s14 =	sshll.u32 s0, $0xA;
	s2 =	sadd.s32 s3, s2  }
0x8d: {  	s2 =	sadd.s32 s2, s14  }
0x8e: {  	[smem:$0x3FB8] =	sst s2  }
0x8f: {  	_ = 	snop  }
0x90: {  	s2 =	sld [smem:$0x3FD0];
	_ =	sdelay $0x2  }
0x91: {  	s15 =	simm.s32 $0xA;
	s4 =	simm.s32 $0x10  }
0x92: {  	[smem:s4], [sflag:s15] =	dma.local [hbm:s2], $0x1  }
0x93: {  	_ =	swait.eq [sflag:s15], $0x1  }
0x94: {  	s16 =	sld [smem:$0x10]  }
0x95: {  	s17 =	sld [smem:$0x11];
	[sflag:s15] =	ssyncset.done $0x0  }
0x96: {  	s5 =	sld [smem:$0x14];
	[sflag:s15] =	ssyncadd.s32 $0xFFFFFFFF  }
0x97: {  	s18 =	sld [smem:$0x15];
	(tm) =	ssettm $0x1  }
0x98: {  	s6 =	sld [smem:$0x3FFB];
	_ =	sdelay $0x3  }
0x99: {  	_ =	strace s6  }
0x9a: {  	s6 =	sld [smem:$0x3FFC];
	_ =	sdelay $0x3  }
0x9b: {  	_ =	strace s6  }
0x9c: {  	s6 =	sld [smem:$0x3FFD];
	_ =	sdelay $0x3  }
0x9d: {  	_ =	strace s6  }
0x9e: {  	_ =	strace $0x8FFFFFFF  }
0x9f: {  	s19 =	sld [smem:$0x3FDB];
	_ =	sdelay $0x1  }
0xa0: {  	s7 =	simm.s32 $_scs_section_size  }
0xa1: {  	s8 =	simm.s32 $_size__tile_overlayer_lowered;
	s9 =	simm.s32 $_tile_overlayer_lowered  }
0xa2: {  	s22 =	simm.s32 $0x1BFF;
	s21 =	sshll.u32 s9, $0x1;
	s6 =	sadd.s32 s7, s19  }
0xa3: {  	s10 =	simm.s32 $0x0;
	s20 =	sshll.u32 s8, $0x1;
	s8 =	sadd.s32 s21, s6  }
0xa4: {  	[timem:s10], [sflag:s22] =	dma.local [hbm:s8], s20  }
0xa5: {  	_ =	swait.ge [sflag:s22], s20  }
0xa6: {  	s7 =	ssub.s32 $0x0, s20;
	[sflag:s22] =	ssyncset.done $0x0  }
0xa7: {  	[sflag:s22] =	ssyncadd.s32 s7;
	_ =	sdelay $0x1  }
0xa8: {  	s23 =	simm.s32 $0x1B8B  }
0xa9: {  	_ =	swait.ge [sflag:s23], $0x1  }
0xaa: {  	[sflag:s23] =	ssyncset.done $0x0  }
0xab: {  	s25 =	simm.s32 $0x1B8E;
	s24 =	sld [smem:$0x3FFE];
	[sflag:s23] =	ssyncadd.s32 $0xFFFFFFFF  }
0xac: {  	s26 =	simm.s32 $execute0_lowered;
	[smem:$0x3FD2] =	sst s25  }
0xad: {  	s8 =	sshll.u32 s26, $0x1;
	_ =	strace $0x80000046;
	[dreg:$0x1] =	wrdreg $0xFFFFFFFF  }
0xae: {  	s28 =	simm.s32 $_size_execute0_lowered;
	s6 =	sadd.s32 s6, s8;
	[dreg:$0x0] =	wrdreg $0x0  }
0xaf: {  	s8 =	sshll.u32 s28, $0x1;
	[dreg:$0x2] =	wrdreg s6  }
0xb0: {  	[dreg:$0x3] =	wrdreg s8  }
0xb1: {  	[dreg:$0x4] =	wrdreg $0xC0  }
0xb2: {  	_ =	task [dreg:s10], $0x5FFFF  }
0xb3: {  	[dreg:$0x1] =	wrdreg $0xFFFFFFFF  }
0xb4: {  	[dreg:$0x0] =	wrdreg $0x60  }
0xb5: {  	[dreg:$0x2] =	wrdreg s5  }
0xb6: {  	[dreg:$0x3] =	wrdreg s18  }
0xb7: {  	[dreg:$0x4] =	wrdreg s24  }
0xb8: {  	[dreg:$0x5] =	wrdreg s16  }
0xb9: {  	[dreg:$0x6] =	wrdreg s17  }
0xba: {  	[dreg:$0x7] =	wrdreg $0x9  }
0xbb: {  	_ =	task.clear_ibuf [dreg:s10], $0x8FFFF;
	_ =	strace $0x90000046  }
0xbc: {  	s29 =	simm.s32 $0x9;
	_ =	strace $0x80000048  }
0xbd: {  	_ =	swait.ge [sflag:s29], $0x1  }
0xbe: {  	[sflag:s29] =	ssyncadd.s32 $0xFFFFFFFF  }
0xbf: {  	_ =	strace $0x90000048  }
0xc0: {  	_ =	sfence  }
0xc1: {  	s30 =	sld [smem:$0x0];
	_ =	sdelay $0x2  }
0xc2: {  	s31 =	sshll.u32 s1, $0xD;
	s1 =	sshrl.u32 s1, $0x2  }
0xc3: {  	s3 =	sand.u32 $0x4000, s31;
	s1 =	sadd.s32 s1, s30  }
0xc4: {  	s0 =	sor.u32 s3, s0;
	s1 =	sshll.u32 s1, $0x11  }
0xc5: {  	s0 =	sor.u32 s1, s0  }
0xc6: {  	s0 =	sadd.s32 $0x8F2B, s0  }
0xc7: {  	[sflag:s0] =	ssyncadd.remote.s32 $0x1  }
0xc8: {  	_ =	sfence.sel $0xFFFF  }
0xc9: {  	[dreg:$0x0] =	wrdreg $0xFFFFFFFF;
	(pc) =	sbr.abs _section_cstart, $3  }
0xca: {  	[dreg:$0x1] =	wrdreg $0xFFFFFFFF  }
0xcb: {  	_ =	task.clear_ibuf [dreg:s10], $0x2FFFF;
	_ =	strace $0x9FFFFFFF  }
0xcc: {  	(tm) =	ssettm $0x7FFFFFFF  }
0xcd: {  	_ =	shalt  }
tec
execute0_lowered:
.L_overlay_start_1:
0x0: {  	(tag) =	ssettag $0x1  }
0x1: {  	s1 =	rddreg [dreg:$0x0]  }
0x2: {  	s2 =	rddreg [dreg:$0x1]  }
0x3: {  	s3 =	rddreg [dreg:$0x2]  }
0x4: {  	s4 =	srdreg.scid;
	s5 =	rddreg [dreg:$0x3]  }
0x5: {  	s0 =	stileid.u32;
	s6 =	rddreg [dreg:$0x4];
	s7 =	simm.s32 $0x0  }
0x6: {  	s14 =	simm.s32 $0x2710;
	s15 =	simm.s32 $0x4E20;
	s16 =	simm.s32 $0x5460  }
0x7: {  	s17 =	simm.s32 $0x5AA0;
	s8 =	sand.u32 $0x1, s4;
	s30 =	sshll.u32 s0, $0x1  }
0x8: {  	s18 =	simm.s32 $0x5BE0;
	s19 =	simm.s32 $0x1;
	s9 =	sor.u32 s8, s30  }
0x9: {  	s20 =	simm.s32 $0x10;
	s21 =	simm.s32 $0x7010;
	s10 =	smul.u32 $0x2800, s9  }
0xa: {  	v0 =	vlaneseq.u32;
	s22 =	simm.s32 $0x8010;
	s23 =	simm.s32 $0x0;
	s9 =	smul.u32 $0x140, s9  }
.Ltmp0:
0xb: {  	v4 =	vimm.s32 $0x0;
	vm0 =	vcmask $0x300;
	[smem:$0x7FF] =	sst s7;
	v2 =	vmul.u32 $0x100, v0;
	s8 =	ssub.s32 $0x2, s8;
	(pc) =	sbr.rel .LBB2_1-.Ltmp0, $4  }
0xc: {  	v5 =	vimm.f32 $0.0e+00;
	s4 =	rddreg [dreg:$0x5];
	v6 =	vsel vm0, $0x3, v4;
	_ =	strace $0x80000047;
	s31 =	sshrl.u32 s8, $0x1  }
0xd: {  	v7 =	vor.u32 $0x1, v2;
	v8 =	vor.u32 $0x2, v2;
	v9 =	vor.u32 $0x3, v2;
	s12 =	ssub.s32 s8, s31;
	s11 =	sadd.s32 s10, s3;
	s13 =	sadd.s32 $0x140, s9  }
0xe: {  	v10 =	vor.u32 $0x4, v2;
	v11 =	vor.u32 $0x5, v2;
	v1 =	vmov s9;
	s9 =	sadd.s32 $0x4E2, s3;
	s10 =	sadd.s32 $0x4E2, s5;
	s12 =	smax.u32 s12, $0x1  }
0xf: {  	v12 =	vor.u32 $0x6, v2;
	v13 =	vor.u32 $0x7, v2;
	s8 =	sadd.s32 $0xA00, s11;
	s11 =	sadd.s32 $0x50A00, s11;
	v3 =	vmov s13;
	s13 =	simm.s32 $0x2  }
.LBB2_37:
0x10: {  	s23 =	sadd.s32 $0x1, s23  }
0x11: {  	p0 =	sne.s32 s23, s12  }
.Ltmp1:
0x12: {  	_ = 	snop;
	(pc) =	sbr.rel @!p0 .LBB2_38-.Ltmp1, $4  }
0x13: {  	[hbm4b:s11+s7] =	stream.linear.scatter [tilespmem:s22], [sflag:$0x2], $0x14000, $0x38;
	[tilespmem:$0x1C010] =	vst v63  }
0x14: {  	_ =	swait.ge [sflag:s13], $0x14000  }
0x15: {  	[sflag:s13] =	ssyncset.done $0x0  }
0x16: {  	[sflag:s13] =	ssyncadd.s32 $0xFFFEC000  }
.LBB2_1:
0x17: {  	s24 =	simm.s32 $0x40;
	s25 =	simm.s32 $0x0  }
.LBB2_2:
0x18: {  	p0 =	sne.s32 s24, $0x1900;
	[tilespmem:s25+$0x5D20] =	vst v4;
	s25 =	smov.u32 s24;
	s24 =	sadd.s32 $0x40, s24  }
.Ltmp2:
0x19: {  	(pc) =	sbr.rel @p0 .LBB2_2-.Ltmp2, $2  }
0x1a: {  	_ =	sdelay $0x2  }
0x1b: {  	s25 =	sshra.s32 s25, $0x2  }
0x1c: {  	[tilespmem:s25+$0x5D20] =	vst v4;
	s25 =	simm.s32 $0x0  }
0x1d: {  	[tilespmem:s25], [sflag:$0x2] =	stream.linear.gather [hbm4b:s3+s25], $0x2710, $0x38;
	[tilespmem:$0x1C010] =	vst v63  }
0x1e: {  	_ =	swait.ge [sflag:s13], $0x2710  }
0x1f: {  	[sflag:s13] =	ssyncset.done $0x0  }
0x20: {  	[sflag:s13] =	ssyncadd.s32 $0xFFFFD8F0  }
0x21: {  	[tilespmem:s14], [sflag:$0x2] =	stream.linear.gather [hbm4b:s5+s25], $0x2710, $0x38;
	[tilespmem:$0x1C010] =	vst v63  }
0x22: {  	_ =	swait.ge [sflag:s13], $0x2710  }
0x23: {  	[sflag:s13] =	ssyncset.done $0x0  }
0x24: {  	[sflag:s13] =	ssyncadd.s32 $0xFFFFD8F0  }
0x25: {  	[tilespmem:$0x5AA0] =	vst v5  }
0x26: {  	[tilespmem:$0x5AB0] =	vst v5  }
0x27: {  	[tilespmem:$0x5AC0] =	vst v5  }
0x28: {  	[tilespmem:$0x5AD0] =	vst v5  }
0x29: {  	[tilespmem:$0x5AE0] =	vst v5  }
0x2a: {  	[tilespmem:$0x5AF0] =	vst v5  }
0x2b: {  	[tilespmem:$0x5B00] =	vst v5  }
0x2c: {  	[tilespmem:$0x5B10] =	vst v5  }
0x2d: {  	[tilespmem:$0x5B20] =	vst v5  }
0x2e: {  	[tilespmem:$0x5B30] =	vst v5  }
0x2f: {  	[tilespmem:$0x5B40] =	vst v5  }
0x30: {  	[tilespmem:$0x5B50] =	vst v5  }
0x31: {  	[tilespmem:$0x5B60] =	vst v5  }
0x32: {  	[tilespmem:$0x5B70] =	vst v5  }
0x33: {  	[tilespmem:$0x5B80] =	vst v5  }
0x34: {  	[tilespmem:$0x5B90] =	vst v5  }
0x35: {  	[tilespmem:$0x5BA0] =	vst v5  }
0x36: {  	s24 =	sand.u32 $0x7FC00, s25;
	[tilespmem:$0x5BB0] =	vst v5  }
0x37: {  	s26 =	sand.u32 $0xF0, s25;
	s28 =	sshrl.u32 s24, $0x2;
	[tilespmem:$0x5BC0] =	vst v5  }
0x38: {  	s24 =	simm.s32 $0x40;
	s28 =	sor.u32 s26, s28;
	s26 =	simm.s32 $0x0;
	[tilespmem:$0x5BD0] =	vst v5  }
.LBB2_4:
0x39: {  	p0 =	sne.s32 s24, $0x4FFC0  }
0x3a: {  	[tilespmem:s28+$0x8010] =	vst v5;
	s26 =	sadd.s32 $0x10, s26;
	s28 =	smov.u32 s24;
	s24 =	sadd.s32 $0x40, s24  }
.Ltmp3:
0x3b: {  	(pc) =	sbr.rel @p0 .LBB2_4-.Ltmp3, $4  }
0x3c: {  	_ = 	snop  }
0x3d: {  	s28 =	sand.u32 $0x7FC00, s28  }
0x3e: {  	s29 =	sand.u32 $0xF0, s26;
	s28 =	sshrl.u32 s28, $0x2  }
0x3f: {  	s28 =	sor.u32 s29, s28  }
0x40: {  	[tilespmem:s28+$0x8010] =	vst v5  }
.LBB2_6:
0x41: {  	s24 =	smul.u32 $0xC8, s25;
	_ =	sdelay $0x1  }
0x42: {  	s28 =	simm.s32 $0x0;
	s26 =	sadd.s32 s1, s24  }
0x43: {  	[tilespmem:s15], [sflag:$0x2] =	stream.linear.gather [hbm4b:s26+s28], $0x640, $0x38;
	[tilespmem:$0x1C010] =	vst v63  }
0x44: {  	_ =	swait.ge [sflag:s13], $0x640  }
0x45: {  	[sflag:s13] =	ssyncset.done $0x0  }
0x46: {  	s24 =	sadd.s32 s2, s24;
	[sflag:s13] =	ssyncadd.s32 $0xFFFFF9C0  }
0x47: {  	[tilespmem:s16], [sflag:$0x2] =	stream.linear.gather [hbm4b:s24+s28], $0x640, $0x38;
	[tilespmem:$0x1C010] =	vst v63  }
0x48: {  	_ =	swait.ge [sflag:s13], $0x640  }
0x49: {  	[sflag:s13] =	ssyncset.done $0x0  }
0x4a: {  	s26 =	simm.s32 $0x0;
	[sflag:s13] =	ssyncadd.s32 $0xFFFFF9C0  }
0x4b: {  	s24 =	simm.s32 $0x40;
	v14 =	vld [tilespmem:s26+$0x4E20]  }
.LBB2_7:
0x4c: {  	p0 =	sne.s32 s24, $0x18C0;
	v15 =	vld [tilespmem:s26+$0x5460];
	_ =	sdelay $0x6  }
0x4d: {  	v14 =	vld.idx.msk [tilespmem:v14+s7+$0x0], $0xffff  }
0x4e: {  	v16 =	vld.idx.msk [tilespmem:v15+s14+$0x0], $0xffff;
	_ =	sdelay $0x5  }
0x4f: {  	v14 =	vadd.f32 v16, v14;
	_ =	sdelay $0x1  }
0x50: {  	v14 =	vsub.f32 $0.0e+00, v14;
	_ =	sdelay $0x1  }
0x51: {  	v14 =	vmul.f32 $1.442695020e+00, v14;
	_ =	sdelay $0x1  }
0x52: {  	(erf) = vpow2.f32 v14;
	_ =	sdelay $0x8  }
0x53: {  	v14 =	vpop (erf)  }
0x54: {  	v14 =	vadd.f32 $1.000000000e+00, v14;
	_ =	sdelay $0x1  }
0x55: {  	(erf) = vrcp.f32 v14;
	_ =	sdelay $0x8  }
0x56: {  	v14 =	vpop (erf)  }
0x57: {  	v14 =	vmul.f32 $1.442695020e+00, v14;
	_ =	sdelay $0x1  }
0x58: {  	(erf) = vpow2.f32 v14;
	_ =	sdelay $0x2  }
0x59: {  	vm0 =	vge.s32 v15, v1;
	vm1 =	vlt.s32 v15, v3  }
0x5a: {  	vm0 =	vmand vm0, vm1;
	v14 =	vsub.s32 v15, v1  }
0x5b: {  	v14 =	vnsel vm0, $0x0, v14;
	_ =	sdelay $0x1  }
.Ltmp4:
0x5c: {  	(pc) =	sbr.rel @p0 .LBB2_7-.Ltmp4, $4  }
0x5d: {  	_ = 	snop  }
0x5e: {  	v15 =	vpop (erf)  }
0x5f: {  	s26 =	sshra.s32 s24, $0x2;
	[tilespmem:v14+s17+$0x0] =	vst.idx.add.f32.msk vm0, v15  }
0x60: {  	s24 =	sadd.s32 $0x40, s24;
	v14 =	vld [tilespmem:s26+$0x4E20]  }
0x61: {  	_ = 	snop  }
0x62: {  	v15 =	vld [tilespmem:s26+$0x5460];
	_ =	sdelay $0x6  }
0x63: {  	v14 =	vld.idx.msk [tilespmem:v14+s7+$0x0], $0xffff  }
0x64: {  	v16 =	vld.idx.msk [tilespmem:v15+s14+$0x0], $0xffff;
	_ =	sdelay $0x4  }
0x65: {  	v14 =	vadd.f32 v16, v14;
	_ =	sdelay $0x1  }
0x66: {  	v14 =	vsub.f32 $0.0e+00, v14;
	_ =	sdelay $0x1  }
0x67: {  	v14 =	vmul.f32 $1.442695020e+00, v14;
	_ =	sdelay $0x1  }
0x68: {  	(erf) = vpow2.f32 v14;
	_ =	sdelay $0x8  }
0x69: {  	v14 =	vpop (erf)  }
0x6a: {  	v14 =	vadd.f32 $1.000000000e+00, v14;
	_ =	sdelay $0x1  }
0x6b: {  	(erf) = vrcp.f32 v14;
	_ =	sdelay $0x8  }
0x6c: {  	v14 =	vpop (erf)  }
0x6d: {  	v14 =	vmul.f32 $1.442695020e+00, v14;
	_ =	sdelay $0x1  }
0x6e: {  	(erf) = vpow2.f32 v14;
	_ =	sdelay $0x2  }
0x6f: {  	vm0 =	vge.s32 v15, v1;
	vm1 =	vlt.s32 v15, v3  }
0x70: {  	s25 =	sadd.s32 $0x1, s25;
	vm0 =	vmand vm0, vm1;
	v14 =	vsub.s32 v15, v1  }
0x71: {  	p0 =	sne.s32 s25, $0x64;
	v14 =	vnsel vm0, $0x0, v14  }
.Ltmp5:
0x72: {  	_ = 	snop;
	(pc) =	sbr.rel @p0 .LBB2_6-.Ltmp5, $3  }
0x73: {  	_ =	sdelay $0x1  }
0x74: {  	v15 =	vpop (erf)  }
0x75: {  	s24 =	simm.s32 $0x0;
	[tilespmem:v14+s17+$0x0] =	vst.idx.add.f32.msk vm0, v15  }
0x76: {  	s25 =	simm.s32 $0x0  }
0x77: {  	v14 =	vld [tilespmem:s25+$0x5AA0];
	_ =	sdelay $0x4  }
0x78: {  	v14 =	vadd.f32 $1.000000020e-16, v14  }
0x79: {  	s26 =	simm.s32 $0x10  }
0x7a: {  	(erf) = vrcp.f32 v14;
	v14 =	vld [tilespmem:s26+$0x5AA0];
	_ =	sdelay $0x4  }
0x7b: {  	s28 =	simm.s32 $0x20;
	v15 =	vadd.f32 $1.000000020e-16, v14  }
0x7c: {  	v14 =	vld [tilespmem:s28+$0x5AA0]  }
0x7d: {  	(erf) = vrcp.f32 v15;
	_ =	sdelay $0x2  }
0x7e: {  	s29 =	simm.s32 $0xC0;
	v15 =	vpop (erf)  }
.LBB2_10:
0x7f: {  	s30 =	sshra.s32 s29, $0x2;
	p0 =	sne.s32 s29, $0x4C0;
	s29 =	sadd.s32 $0x40, s29;
	v16 =	vadd.f32 $1.000000020e-16, v14;
	[tilespmem:s25+$0x5BE0] =	vst v15  }
.Ltmp6:
0x80: {  	s25 =	smov.u32 s26;
	s26 =	smov.u32 s28;
	v14 =	vld [tilespmem:s30+$0x5AA0];
	(pc) =	sbr.rel @p0 .LBB2_10-.Ltmp6, $2  }
0x81: {  	s28 =	smov.u32 s30;
	(erf) = vrcp.f32 v16;
	_ =	sdelay $0x2  }
0x82: {  	v15 =	vpop (erf)  }
0x83: {  	v14 =	vadd.f32 $1.000000020e-16, v14;
	_ =	sdelay $0x1  }
0x84: {  	(erf) = vrcp.f32 v14;
	_ =	sdelay $0x5  }
.Ltmp7:
0x85: {  	_ = 	snop;
	(pc) =	sbr.rel .LBB2_12-.Ltmp7, $4  }
0x86: {  	_ = 	snop  }
0x87: {  	[tilespmem:s25+$0x5BE0] =	vst v15;
	v14 =	vpop (erf)  }
0x88: {  	[tilespmem:s26+$0x5BE0] =	vst v14;
	v14 =	vpop (erf)  }
0x89: {  	[tilespmem:s28+$0x5BE0] =	vst v14  }
.LBB2_19:
0x8a: {  	s24 =	sadd.s32 $0x1, s24  }
0x8b: {  	p0 =	sne.s32 s24, $0x64  }
.Ltmp8:
0x8c: {  	_ = 	snop;
	(pc) =	sbr.rel @!p0 .LBB2_20-.Ltmp8, $1  }
0x8d: {  	_ =	sdelay $0x3  }
.LBB2_12:
0x8e: {  	s25 =	smul.u32 $0xC8, s24;
	_ =	sdelay $0x1  }
0x8f: {  	s26 =	simm.s32 $0x0;
	s28 =	sadd.s32 s1, s25  }
0x90: {  	[tilespmem:s15], [sflag:$0x2] =	stream.linear.gather [hbm4b:s28+s26], $0x640, $0x38;
	[tilespmem:$0x1C010] =	vst v63  }
0x91: {  	_ =	swait.ge [sflag:s13], $0x640  }
0x92: {  	[sflag:s13] =	ssyncset.done $0x0  }
0x93: {  	s25 =	sadd.s32 s2, s25;
	[sflag:s13] =	ssyncadd.s32 $0xFFFFF9C0  }
0x94: {  	[tilespmem:s16], [sflag:$0x2] =	stream.linear.gather [hbm4b:s25+s26], $0x640, $0x38;
	[tilespmem:$0x1C010] =	vst v63  }
0x95: {  	_ =	swait.ge [sflag:s13], $0x640  }
0x96: {  	[sflag:s13] =	ssyncset.done $0x0  }
0x97: {  	s31 =	simm.s32 $0x0;
	[sflag:s13] =	ssyncadd.s32 $0xFFFFF9C0  }
0x98: {  	v14 =	vld [tilespmem:s31+$0x4E20]  }
0x99: {  	v15 =	vld [tilespmem:s31+$0x5460];
	_ =	sdelay $0x6  }
0x9a: {  	v16 =	vld.idx.msk [tilespmem:v14+s7+$0x0], $0xffff  }
0x9b: {  	v17 =	vld.idx.msk [tilespmem:v15+s14+$0x0], $0xffff;
	_ =	sdelay $0x4  }
0x9c: {  	v16 =	vadd.f32 v17, v16;
	_ =	sdelay $0x1  }
0x9d: {  	v16 =	vsub.f32 $0.0e+00, v16;
	_ =	sdelay $0x1  }
0x9e: {  	v16 =	vmul.f32 $1.442695020e+00, v16;
	_ =	sdelay $0x1  }
0x9f: {  	(erf) = vpow2.f32 v16;
	_ =	sdelay $0x7  }
0xa0: {  	vm0 =	vge.s32 v15, v1;
	vm1 =	vlt.s32 v15, v3  }
0xa1: {  	vm0 =	vmand vm0, vm1;
	v16 =	vpop (erf)  }
0xa2: {  	v60 =	vsel vm0, $0x1, v4;
	v16 =	vadd.f32 $1.000000000e+00, v16  }
0xa3: {  	(xrf0) =	vadd.scan.msk.s32 $0xffff, v60  }
0xa4: {  	(erf) = vrcp.f32 v16;
	_ =	sdelay $0x4  }
0xa5: {  	v61, _, _ =	vpop (xrf0)  }
0xa6: {  	(v2sf) =	vpush v61, $0xF;
	_ =	sdelay $0x2  }
0xa7: {  	v62 =	vpop (erf)  }
0xa8: {  	v16 =	vmul.f32 $1.442695020e+00, v62  }
0xa9: {  	v15 =	vsub.s32 v15, v1  }
0xaa: {  	v15 =	vnsel vm0, $0x0, v15;
	(erf) = vpow2.f32 v16;
	_ =	sdelay $0x4  }
0xab: {  	v63 =	vld.idx.msk [tilespmem:v15+s18+$0x0], $0xffff;
	_ =	sdelay $0x3  }
0xac: {  	[tilespmem:s26+$0x5D20] =	vst.msk vm0, v14;
	s28 =	spop (v2sf);
	v14 =	vpop (erf)  }
0xad: {  	s25 =	simm.s32 $0x40;
	[tilespmem:s26+$0x6370] =	vst.msk vm0, v15;
	s28 =	sadd.s32 $0x0, s28;
	v14 =	vmul.f32 v14, v63  }
.LBB2_13:
0xae: {  	p0 =	sne.s32 s25, $0x18C0;
	s29 =	smov.u32 s25;
	s25 =	sadd.s32 $0x40, s25  }
0xaf: {  	s29 =	sshra.s32 s29, $0x2;
	[tilespmem:s26+$0x69C0] =	vst.msk vm0, v14;
	s26 =	smov.u32 s28  }
0xb0: {  	v14 =	vld [tilespmem:s29+$0x4E20]  }
0xb1: {  	v15 =	vld [tilespmem:s29+$0x5460];
	_ =	sdelay $0x4  }
0xb2: {  	vm0 =	vge.s32 v15, v1;
	vm1 =	vlt.s32 v15, v3  }
0xb3: {  	v16 =	vsub.s32 v15, v1;
	vm0 =	vmand vm0, vm1  }
0xb4: {  	v17 =	vld.idx.msk [tilespmem:v14+s7+$0x0], $0xffff;
	v16 =	vnsel vm0, $0x0, v16;
	v18 =	vsel vm0, $0x1, v4  }
0xb5: {  	v15 =	vld.idx.msk [tilespmem:v15+s14+$0x0], $0xffff;
	(xrf0) =	vadd.scan.msk.s32 $0xffff, v18;
	_ =	sdelay $0x5  }
0xb6: {  	v15 =	vadd.f32 v15, v17;
	v17, _, _ =	vpop (xrf0)  }
0xb7: {  	(v2sf) =	vpush v17, $0xF  }
0xb8: {  	v15 =	vsub.f32 $0.0e+00, v15;
	_ =	sdelay $0x1  }
0xb9: {  	v15 =	vmul.f32 $1.442695020e+00, v15;
	_ =	sdelay $0x1  }
0xba: {  	(erf) = vpow2.f32 v15;
	_ =	sdelay $0x8  }
0xbb: {  	v15 =	vpop (erf)  }
0xbc: {  	v15 =	vadd.f32 $1.000000000e+00, v15;
	s29 =	spop (v2sf)  }
0xbd: {  	s28 =	sadd.s32 s28, s29  }
0xbe: {  	(erf) = vrcp.f32 v15;
	_ =	sdelay $0x8  }
0xbf: {  	v15 =	vpop (erf)  }
0xc0: {  	v15 =	vmul.f32 $1.442695020e+00, v15;
	_ =	sdelay $0x1  }
0xc1: {  	(erf) = vpow2.f32 v15;
	_ =	sdelay $0x2  }
0xc2: {  	v15 =	vld.idx.msk [tilespmem:v16+s18+$0x0], $0xffff  }
0xc3: {  	[tilespmem:s26+$0x5D20] =	vst.msk vm0, v14  }
0xc4: {  	[tilespmem:s26+$0x6370] =	vst.msk vm0, v16  }
.Ltmp9:
0xc5: {  	(pc) =	sbr.rel @p0 .LBB2_13-.Ltmp9, $3  }
0xc6: {  	_ =	sdelay $0x1  }
0xc7: {  	v14 =	vpop (erf)  }
0xc8: {  	v14 =	vmul.f32 v14, v15  }
0xc9: {  	s25 =	sadd.s32 $0xF, s28  }
0xca: {  	s29 =	sand.u32 $0xF, s25  }
0xcb: {  	s30 =	sshra.s32 s25, $0x1F;
	p0 =	slt.s32 s25, $0x1;
	p1 =	sne.s32 s29, $0x0  }
0xcc: {  	s31 =	sshrl.u32 s30, $0x1C;
	p0 =	por !p0, !p1  }
0xcd: {  	s29 =	simm.s32 $0x1;
	s25 =	sadd.s32 s31, s25;
	p0 =	por !p0, !p0  }
0xce: {  	s25 =	sshra.s32 s25, $0x4;
	s29 =	simm.s32 @!p0 $0x0  }
0xcf: {  	s25 =	ssub.s32 s25, s29  }
0xd0: {  	p0 =	slt.s32 s25, $0x1  }
.Ltmp10:
0xd1: {  	_ = 	snop;
	(pc) =	sbr.rel @p0 .LBB2_19-.Ltmp10, $2  }
0xd2: {  	_ =	sdelay $0x2  }
0xd3: {  	[tilespmem:s26+$0x69C0] =	vst.msk vm0, v14  }
0xd4: {  	v14 =	vmov s28;
	s26 =	simm.s32 $0x0  }
.LBB2_16:
0xd5: {  	s28 =	simm.s32 $0x0  }
0xd6: {  	s29 =	sshll.u32 s26, $0x4;
	v15 =	vmov s28  }
0xd7: {  	s28 =	sadd.s32 $0x5D20, s29;
	v15 =	vshrl.u32 v15, $0x3  }
0xd8: {  	[tilespmem:s21], [sflag:$0x1] =	stream.indirect.gather [hbm4b:s6+s20], $0x100, s28, s20, $0xb8;
	v15 =	vshll.u32 v15, v6;
	[tilespmem:$0x1C010] =	vst v63  }
0xd9: {  	_ =	swait.ge [sflag:s19], $0x1000;
	v24 =	vbroadcast v15, $0x0  }
0xda: {  	[sflag:s19] =	ssyncset.done $0x0  }
0xdb: {  	[sflag:s19] =	ssyncadd.s32 $0xFFFFF000;
	v16 =	vor.u32 v2, v24  }
0xdc: {  	v17 =	vld [tilespmem:s29+$0x6370];
	_ =	sdelay $0x2  }
0xdd: {  	v15 =	vld [tilespmem:s29+$0x69C0]  }
0xde: {  	v18 =	vor.u32 s29, v0;
	v16 =	vld.idx.msk [tilespmem:v16+s21+$0x0], $0xffff  }
0xdf: {  	vm0 =	vlt.s32 v18, v14;
	v23 =	vshll.u32 v17, $0x8  }
0xe0: {  	v17 =	vor.u32 v23, v24  }
0xe1: {  	v18 =	vadd.s32 v7, v24;
	_ =	sdelay $0x1  }
0xe2: {  	v16 =	vmul.f32 v16, v15;
	_ =	sdelay $0x1  }
0xe3: {  	[tilespmem:v17+s22+$0x0] =	vst.idx.add.f32.msk vm0, v16  }
0xe4: {  	v16 =	vld.idx.msk [tilespmem:v18+s21+$0x0], $0xffff  }
0xe5: {  	v22 =	vor.u32 $0x1, v23  }
0xe6: {  	v17 =	vadd.s32 v22, v24  }
0xe7: {  	v18 =	vadd.s32 v8, v24;
	_ =	sdelay $0x1  }
0xe8: {  	v16 =	vmul.f32 v16, v15;
	_ =	sdelay $0x1  }
0xe9: {  	[tilespmem:v17+s22+$0x0] =	vst.idx.add.f32.msk vm0, v16  }
0xea: {  	v16 =	vld.idx.msk [tilespmem:v18+s21+$0x0], $0xffff  }
0xeb: {  	v21 =	vor.u32 $0x2, v23  }
0xec: {  	v17 =	vadd.s32 v21, v24  }
0xed: {  	v18 =	vadd.s32 v9, v24;
	_ =	sdelay $0x1  }
0xee: {  	v16 =	vmul.f32 v16, v15;
	_ =	sdelay $0x1  }
0xef: {  	[tilespmem:v17+s22+$0x0] =	vst.idx.add.f32.msk vm0, v16  }
0xf0: {  	v16 =	vld.idx.msk [tilespmem:v18+s21+$0x0], $0xffff  }
0xf1: {  	v20 =	vor.u32 $0x3, v23  }
0xf2: {  	v17 =	vadd.s32 v20, v24  }
0xf3: {  	v18 =	vadd.s32 v10, v24;
	_ =	sdelay $0x1  }
0xf4: {  	v16 =	vmul.f32 v16, v15;
	_ =	sdelay $0x1  }
0xf5: {  	[tilespmem:v17+s22+$0x0] =	vst.idx.add.f32.msk vm0, v16  }
0xf6: {  	v16 =	vld.idx.msk [tilespmem:v18+s21+$0x0], $0xffff  }
0xf7: {  	v19 =	vor.u32 $0x4, v23  }
0xf8: {  	v17 =	vadd.s32 v19, v24  }
0xf9: {  	v18 =	vadd.s32 v11, v24;
	_ =	sdelay $0x1  }
0xfa: {  	v16 =	vmul.f32 v16, v15;
	_ =	sdelay $0x1  }
0xfb: {  	[tilespmem:v17+s22+$0x0] =	vst.idx.add.f32.msk vm0, v16  }
0xfc: {  	v16 =	vld.idx.msk [tilespmem:v18+s21+$0x0], $0xffff  }
0xfd: {  	v17 =	vor.u32 $0x5, v23  }
0xfe: {  	v18 =	vadd.s32 v17, v24  }
0xff: {  	v25 =	vadd.s32 v12, v24;
	_ =	sdelay $0x1  }
0x100: {  	v16 =	vmul.f32 v16, v15;
	_ =	sdelay $0x1  }
0x101: {  	[tilespmem:v18+s22+$0x0] =	vst.idx.add.f32.msk vm0, v16  }
0x102: {  	v18 =	vld.idx.msk [tilespmem:v25+s21+$0x0], $0xffff  }
0x103: {  	v16 =	vor.u32 $0x6, v23  }
0x104: {  	v25 =	vadd.s32 v16, v24  }
0x105: {  	v26 =	vadd.s32 v13, v24;
	_ =	sdelay $0x1  }
0x106: {  	s28 =	simm.s32 $0x8;
	v18 =	vmul.f32 v18, v15  }
0x107: {  	v27 =	vmov s28  }
0x108: {  	[tilespmem:v25+s22+$0x0] =	vst.idx.add.f32.msk vm0, v18;
	v18 =	vshrl.u32 v27, $0x3  }
0x109: {  	v25 =	vld.idx.msk [tilespmem:v26+s21+$0x0], $0xffff;
	v26 =	vshll.u32 v18, v6  }
0x10a: {  	v18 =	vor.u32 $0x7, v23;
	v26 =	vbroadcast v26, $0x0  }
0x10b: {  	v24 =	vadd.s32 v18, v24  }
0x10c: {  	v27 =	vadd.s32 v2, v26;
	_ =	sdelay $0x1  }
0x10d: {  	s28 =	simm.s32 $0x9;
	v25 =	vmul.f32 v25, v15  }
0x10e: {  	v28 =	vmov s28  }
0x10f: {  	[tilespmem:v24+s22+$0x0] =	vst.idx.add.f32.msk vm0, v25;
	v24 =	vshrl.u32 v28, $0x3  }
0x110: {  	v25 =	vld.idx.msk [tilespmem:v27+s21+$0x0], $0xffff;
	v24 =	vshll.u32 v24, v6  }
0x111: {  	v24 =	vbroadcast v24, $0x0  }
0x112: {  	v26 =	vadd.s32 v23, v26  }
0x113: {  	v27 =	vadd.s32 v7, v24;
	_ =	sdelay $0x1  }
0x114: {  	s28 =	simm.s32 $0xA;
	v25 =	vmul.f32 v25, v15  }
0x115: {  	v28 =	vmov s28  }
0x116: {  	[tilespmem:v26+s22+$0x0] =	vst.idx.add.f32.msk vm0, v25;
	v25 =	vshrl.u32 v28, $0x3  }
0x117: {  	v26 =	vld.idx.msk [tilespmem:v27+s21+$0x0], $0xffff;
	v25 =	vshll.u32 v25, v6  }
0x118: {  	v25 =	vbroadcast v25, $0x0  }
0x119: {  	v24 =	vadd.s32 v22, v24  }
0x11a: {  	v27 =	vadd.s32 v8, v25;
	_ =	sdelay $0x1  }
0x11b: {  	s28 =	simm.s32 $0xB;
	v26 =	vmul.f32 v26, v15  }
0x11c: {  	v28 =	vmov s28  }
0x11d: {  	[tilespmem:v24+s22+$0x0] =	vst.idx.add.f32.msk vm0, v26;
	v24 =	vshrl.u32 v28, $0x3  }
0x11e: {  	v26 =	vld.idx.msk [tilespmem:v27+s21+$0x0], $0xffff;
	v24 =	vshll.u32 v24, v6  }
0x11f: {  	v24 =	vbroadcast v24, $0x0  }
0x120: {  	v25 =	vadd.s32 v21, v25  }
0x121: {  	v27 =	vadd.s32 v9, v24;
	_ =	sdelay $0x1  }
0x122: {  	s28 =	simm.s32 $0xC;
	v26 =	vmul.f32 v26, v15  }
0x123: {  	v28 =	vmov s28  }
0x124: {  	[tilespmem:v25+s22+$0x0] =	vst.idx.add.f32.msk vm0, v26;
	v25 =	vshrl.u32 v28, $0x3  }
0x125: {  	v26 =	vld.idx.msk [tilespmem:v27+s21+$0x0], $0xffff;
	v25 =	vshll.u32 v25, v6  }
0x126: {  	v25 =	vbroadcast v25, $0x0  }
0x127: {  	v24 =	vadd.s32 v20, v24  }
0x128: {  	v27 =	vadd.s32 v10, v25;
	_ =	sdelay $0x1  }
0x129: {  	s28 =	simm.s32 $0xD;
	v26 =	vmul.f32 v26, v15  }
0x12a: {  	v28 =	vmov s28  }
0x12b: {  	[tilespmem:v24+s22+$0x0] =	vst.idx.add.f32.msk vm0, v26;
	v24 =	vshrl.u32 v28, $0x3  }
0x12c: {  	v26 =	vld.idx.msk [tilespmem:v27+s21+$0x0], $0xffff;
	v24 =	vshll.u32 v24, v6  }
0x12d: {  	v24 =	vbroadcast v24, $0x0  }
0x12e: {  	v25 =	vadd.s32 v19, v25  }
0x12f: {  	v27 =	vadd.s32 v11, v24;
	_ =	sdelay $0x1  }
0x130: {  	s28 =	simm.s32 $0xE;
	v26 =	vmul.f32 v26, v15  }
0x131: {  	v28 =	vmov s28  }
0x132: {  	[tilespmem:v25+s22+$0x0] =	vst.idx.add.f32.msk vm0, v26;
	v25 =	vshrl.u32 v28, $0x3  }
0x133: {  	v26 =	vld.idx.msk [tilespmem:v27+s21+$0x0], $0xffff;
	v25 =	vshll.u32 v25, v6  }
0x134: {  	v25 =	vbroadcast v25, $0x0  }
0x135: {  	v24 =	vadd.s32 v17, v24  }
0x136: {  	v27 =	vadd.s32 v12, v25;
	_ =	sdelay $0x1  }
0x137: {  	v26 =	vmul.f32 v26, v15  }
0x138: {  	s28 =	simm.s32 $0xF  }
0x139: {  	v28 =	vmov s28;
	[tilespmem:v24+s22+$0x0] =	vst.idx.add.f32.msk vm0, v26  }
0x13a: {  	v24 =	vshrl.u32 v28, $0x3;
	v26 =	vld.idx.msk [tilespmem:v27+s21+$0x0], $0xffff  }
0x13b: {  	v24 =	vshll.u32 v24, v6  }
0x13c: {  	v27 =	vbroadcast v24, $0x0;
	v24 =	vadd.s32 v16, v25;
	_ =	sdelay $0x1  }
0x13d: {  	v25 =	vadd.s32 v13, v27  }
0x13e: {  	v26 =	vmul.f32 v26, v15  }
0x13f: {  	s28 =	simm.s32 $0x10  }
0x140: {  	[tilespmem:v24+s22+$0x0] =	vst.idx.add.f32.msk vm0, v26;
	v24 =	vmov s28  }
0x141: {  	v24 =	vshrl.u32 v24, $0x3  }
0x142: {  	v28 =	vld.idx.msk [tilespmem:v25+s21+$0x0], $0xffff;
	v24 =	vshll.u32 v24, v6  }
0x143: {  	v24 =	vbroadcast v24, $0x0  }
0x144: {  	v26 =	vadd.s32 v18, v27  }
0x145: {  	v25 =	vor.u32 v2, v24;
	_ =	sdelay $0x1  }
0x146: {  	s29 =	simm.s32 $0x2F;
	s28 =	simm.s32 $0x1F;
	v27 =	vmul.f32 v28, v15  }
.LBB2_17:
0x147: {  	_ = 	snop  }
0x148: {  	p0 =	sne.s32 s29, $0xFF;
	s30 =	smov.u32 s29;
	s29 =	sadd.s32 $0x10, s29;
	[tilespmem:v26+s22+$0x0] =	vst.idx.add.f32.msk vm0, v27  }
0x149: {  	v25 =	vld.idx.msk [tilespmem:v25+s21+$0x0], $0xffff;
	_ =	sdelay $0x2  }
0x14a: {  	v26 =	vor.u32 v23, v24  }
0x14b: {  	v27 =	vadd.s32 v7, v24;
	_ =	sdelay $0x1  }
0x14c: {  	v25 =	vmul.f32 v25, v15;
	_ =	sdelay $0x1  }
0x14d: {  	[tilespmem:v26+s22+$0x0] =	vst.idx.add.f32.msk vm0, v25  }
0x14e: {  	v25 =	vld.idx.msk [tilespmem:v27+s21+$0x0], $0xffff;
	_ =	sdelay $0x2  }
0x14f: {  	v26 =	vadd.s32 v22, v24  }
0x150: {  	v27 =	vadd.s32 v8, v24;
	_ =	sdelay $0x1  }
0x151: {  	v25 =	vmul.f32 v25, v15;
	_ =	sdelay $0x1  }
0x152: {  	[tilespmem:v26+s22+$0x0] =	vst.idx.add.f32.msk vm0, v25  }
0x153: {  	v25 =	vld.idx.msk [tilespmem:v27+s21+$0x0], $0xffff;
	_ =	sdelay $0x2  }
0x154: {  	v26 =	vadd.s32 v21, v24  }
0x155: {  	v27 =	vadd.s32 v9, v24;
	_ =	sdelay $0x1  }
0x156: {  	v25 =	vmul.f32 v25, v15;
	_ =	sdelay $0x1  }
0x157: {  	[tilespmem:v26+s22+$0x0] =	vst.idx.add.f32.msk vm0, v25  }
0x158: {  	v25 =	vld.idx.msk [tilespmem:v27+s21+$0x0], $0xffff;
	_ =	sdelay $0x2  }
0x159: {  	v26 =	vadd.s32 v20, v24  }
0x15a: {  	v27 =	vadd.s32 v10, v24;
	_ =	sdelay $0x1  }
0x15b: {  	v25 =	vmul.f32 v25, v15;
	_ =	sdelay $0x1  }
0x15c: {  	[tilespmem:v26+s22+$0x0] =	vst.idx.add.f32.msk vm0, v25  }
0x15d: {  	v25 =	vld.idx.msk [tilespmem:v27+s21+$0x0], $0xffff;
	_ =	sdelay $0x2  }
0x15e: {  	v26 =	vadd.s32 v19, v24  }
0x15f: {  	v27 =	vadd.s32 v11, v24;
	_ =	sdelay $0x1  }
0x160: {  	v25 =	vmul.f32 v25, v15;
	_ =	sdelay $0x1  }
0x161: {  	[tilespmem:v26+s22+$0x0] =	vst.idx.add.f32.msk vm0, v25  }
0x162: {  	v25 =	vld.idx.msk [tilespmem:v27+s21+$0x0], $0xffff;
	_ =	sdelay $0x2  }
0x163: {  	v26 =	vadd.s32 v17, v24  }
0x164: {  	v27 =	vadd.s32 v12, v24;
	_ =	sdelay $0x1  }
0x165: {  	v25 =	vmul.f32 v25, v15;
	_ =	sdelay $0x1  }
0x166: {  	[tilespmem:v26+s22+$0x0] =	vst.idx.add.f32.msk vm0, v25  }
0x167: {  	v25 =	vld.idx.msk [tilespmem:v27+s21+$0x0], $0xffff;
	_ =	sdelay $0x2  }
0x168: {  	v26 =	vadd.s32 v16, v24  }
0x169: {  	v27 =	vadd.s32 v13, v24;
	_ =	sdelay $0x1  }
0x16a: {  	v25 =	vmul.f32 v25, v15  }
0x16b: {  	s31 =	sadd.s32 $0xFFFFFFF9, s28  }
0x16c: {  	[tilespmem:v26+s22+$0x0] =	vst.idx.add.f32.msk vm0, v25;
	v25 =	vmov s31  }
0x16d: {  	v26 =	vld.idx.msk [tilespmem:v27+s21+$0x0], $0xffff;
	v25 =	vshrl.u32 v25, $0x3  }
0x16e: {  	v25 =	vshll.u32 v25, v6  }
0x16f: {  	v25 =	vbroadcast v25, $0x0  }
0x170: {  	v24 =	vadd.s32 v18, v24  }
0x171: {  	v27 =	vadd.s32 v2, v25;
	_ =	sdelay $0x1  }
0x172: {  	v26 =	vmul.f32 v26, v15  }
0x173: {  	s31 =	sadd.s32 $0xFFFFFFFA, s28  }
0x174: {  	[tilespmem:v24+s22+$0x0] =	vst.idx.add.f32.msk vm0, v26;
	v24 =	vmov s31  }
0x175: {  	v26 =	vld.idx.msk [tilespmem:v27+s21+$0x0], $0xffff;
	v24 =	vshrl.u32 v24, $0x3  }
0x176: {  	v24 =	vshll.u32 v24, v6  }
0x177: {  	v24 =	vbroadcast v24, $0x0  }
0x178: {  	v25 =	vadd.s32 v23, v25  }
0x179: {  	v27 =	vadd.s32 v7, v24;
	_ =	sdelay $0x1  }
0x17a: {  	v26 =	vmul.f32 v26, v15  }
0x17b: {  	s31 =	sadd.s32 $0xFFFFFFFB, s28  }
0x17c: {  	[tilespmem:v25+s22+$0x0] =	vst.idx.add.f32.msk vm0, v26;
	v25 =	vmov s31  }
0x17d: {  	v26 =	vld.idx.msk [tilespmem:v27+s21+$0x0], $0xffff;
	v25 =	vshrl.u32 v25, $0x3  }
0x17e: {  	v25 =	vshll.u32 v25, v6  }
0x17f: {  	v25 =	vbroadcast v25, $0x0  }
0x180: {  	v24 =	vadd.s32 v22, v24  }
0x181: {  	v27 =	vadd.s32 v8, v25;
	_ =	sdelay $0x1  }
0x182: {  	v26 =	vmul.f32 v26, v15  }
0x183: {  	s31 =	sadd.s32 $0xFFFFFFFC, s28  }
0x184: {  	[tilespmem:v24+s22+$0x0] =	vst.idx.add.f32.msk vm0, v26;
	v24 =	vmov s31  }
0x185: {  	v26 =	vld.idx.msk [tilespmem:v27+s21+$0x0], $0xffff;
	v24 =	vshrl.u32 v24, $0x3  }
0x186: {  	v24 =	vshll.u32 v24, v6  }
0x187: {  	v24 =	vbroadcast v24, $0x0  }
0x188: {  	v25 =	vadd.s32 v21, v25  }
0x189: {  	v27 =	vadd.s32 v9, v24;
	_ =	sdelay $0x1  }
0x18a: {  	v26 =	vmul.f32 v26, v15  }
0x18b: {  	s31 =	sadd.s32 $0xFFFFFFFD, s28  }
0x18c: {  	[tilespmem:v25+s22+$0x0] =	vst.idx.add.f32.msk vm0, v26;
	v25 =	vmov s31  }
0x18d: {  	v26 =	vld.idx.msk [tilespmem:v27+s21+$0x0], $0xffff;
	v25 =	vshrl.u32 v25, $0x3  }
0x18e: {  	v25 =	vshll.u32 v25, v6  }
0x18f: {  	v25 =	vbroadcast v25, $0x0  }
0x190: {  	v24 =	vadd.s32 v20, v24  }
0x191: {  	v27 =	vadd.s32 v10, v25;
	_ =	sdelay $0x1  }
0x192: {  	v26 =	vmul.f32 v26, v15  }
0x193: {  	s31 =	sadd.s32 $0xFFFFFFFE, s28  }
0x194: {  	[tilespmem:v24+s22+$0x0] =	vst.idx.add.f32.msk vm0, v26;
	v24 =	vmov s31  }
0x195: {  	v26 =	vld.idx.msk [tilespmem:v27+s21+$0x0], $0xffff;
	v24 =	vshrl.u32 v24, $0x3  }
0x196: {  	v24 =	vshll.u32 v24, v6  }
0x197: {  	v24 =	vbroadcast v24, $0x0  }
0x198: {  	v25 =	vadd.s32 v19, v25  }
0x199: {  	v27 =	vadd.s32 v11, v24;
	_ =	sdelay $0x1  }
0x19a: {  	v26 =	vmul.f32 v26, v15  }
0x19b: {  	s31 =	sadd.s32 $0xFFFFFFFF, s28  }
0x19c: {  	[tilespmem:v25+s22+$0x0] =	vst.idx.add.f32.msk vm0, v26;
	v25 =	vmov s31  }
0x19d: {  	v26 =	vld.idx.msk [tilespmem:v27+s21+$0x0], $0xffff;
	v25 =	vshrl.u32 v25, $0x3  }
0x19e: {  	v25 =	vshll.u32 v25, v6  }
0x19f: {  	v25 =	vbroadcast v25, $0x0  }
0x1a0: {  	v24 =	vadd.s32 v17, v24  }
0x1a1: {  	v27 =	vadd.s32 v12, v25;
	_ =	sdelay $0x1  }
0x1a2: {  	v26 =	vmul.f32 v26, v15;
	_ =	sdelay $0x1  }
0x1a3: {  	[tilespmem:v24+s22+$0x0] =	vst.idx.add.f32.msk vm0, v26;
	v24 =	vmov s28;
	s28 =	smov.u32 s30  }
0x1a4: {  	v26 =	vld.idx.msk [tilespmem:v27+s21+$0x0], $0xffff;
	v24 =	vshrl.u32 v24, $0x3  }
0x1a5: {  	v24 =	vshll.u32 v24, v6  }
0x1a6: {  	v27 =	vbroadcast v24, $0x0  }
0x1a7: {  	v24 =	vadd.s32 v16, v25  }
0x1a8: {  	v25 =	vadd.s32 v13, v27;
	_ =	sdelay $0x1  }
0x1a9: {  	v26 =	vmul.f32 v26, v15  }
0x1aa: {  	s30 =	sadd.s32 $0xFFFFFFF1, s28  }
0x1ab: {  	v28 =	vmov s30;
	[tilespmem:v24+s22+$0x0] =	vst.idx.add.f32.msk vm0, v26  }
0x1ac: {  	v24 =	vshrl.u32 v28, $0x3;
	v28 =	vld.idx.msk [tilespmem:v25+s21+$0x0], $0xffff  }
0x1ad: {  	v24 =	vshll.u32 v24, v6  }
.Ltmp11:
0x1ae: {  	v24 =	vbroadcast v24, $0x0;
	(pc) =	sbr.rel @p0 .LBB2_17-.Ltmp11, $3  }
0x1af: {  	v26 =	vadd.s32 v18, v27  }
0x1b0: {  	v25 =	vor.u32 v2, v24;
	_ =	sdelay $0x1  }
0x1b1: {  	v27 =	vmul.f32 v28, v15  }
0x1b2: {  	_ =	sdelay $0x4  }
0x1b3: {  	[tilespmem:v26+s22+$0x0] =	vst.idx.add.f32.msk vm0, v27  }
0x1b4: {  	v25 =	vld.idx.msk [tilespmem:v25+s21+$0x0], $0xffff;
	_ =	sdelay $0x1  }
0x1b5: {  	v51 =	vor.u32 v23, v24  }
0x1b6: {  	v52 =	vadd.s32 v7, v24;
	_ =	sdelay $0x1  }
0x1b7: {  	v25 =	vmul.f32 v25, v15;
	_ =	sdelay $0x1  }
0x1b8: {  	[tilespmem:v51+s22+$0x0] =	vst.idx.add.f32.msk vm0, v25  }
0x1b9: {  	v25 =	vld.idx.msk [tilespmem:v52+s21+$0x0], $0xffff;
	_ =	sdelay $0x1  }
0x1ba: {  	v53 =	vadd.s32 v22, v24  }
0x1bb: {  	v54 =	vadd.s32 v8, v24;
	_ =	sdelay $0x1  }
0x1bc: {  	v25 =	vmul.f32 v25, v15;
	_ =	sdelay $0x1  }
0x1bd: {  	[tilespmem:v53+s22+$0x0] =	vst.idx.add.f32.msk vm0, v25  }
0x1be: {  	v25 =	vld.idx.msk [tilespmem:v54+s21+$0x0], $0xffff;
	_ =	sdelay $0x1  }
0x1bf: {  	v55 =	vadd.s32 v21, v24  }
0x1c0: {  	v56 =	vadd.s32 v9, v24;
	_ =	sdelay $0x1  }
0x1c1: {  	v25 =	vmul.f32 v25, v15;
	_ =	sdelay $0x1  }
0x1c2: {  	[tilespmem:v55+s22+$0x0] =	vst.idx.add.f32.msk vm0, v25  }
0x1c3: {  	v25 =	vld.idx.msk [tilespmem:v56+s21+$0x0], $0xffff;
	_ =	sdelay $0x1  }
0x1c4: {  	v57 =	vadd.s32 v20, v24  }
0x1c5: {  	v58 =	vadd.s32 v10, v24;
	_ =	sdelay $0x1  }
0x1c6: {  	v25 =	vmul.f32 v25, v15;
	_ =	sdelay $0x1  }
0x1c7: {  	[tilespmem:v57+s22+$0x0] =	vst.idx.add.f32.msk vm0, v25  }
0x1c8: {  	v25 =	vld.idx.msk [tilespmem:v58+s21+$0x0], $0xffff;
	_ =	sdelay $0x1  }
0x1c9: {  	v59 =	vadd.s32 v19, v24  }
0x1ca: {  	v60 =	vadd.s32 v11, v24;
	_ =	sdelay $0x1  }
0x1cb: {  	v25 =	vmul.f32 v25, v15;
	_ =	sdelay $0x1  }
0x1cc: {  	[tilespmem:v59+s22+$0x0] =	vst.idx.add.f32.msk vm0, v25  }
0x1cd: {  	v25 =	vld.idx.msk [tilespmem:v60+s21+$0x0], $0xffff;
	_ =	sdelay $0x1  }
0x1ce: {  	v61 =	vadd.s32 v17, v24  }
0x1cf: {  	v62 =	vadd.s32 v12, v24;
	_ =	sdelay $0x1  }
0x1d0: {  	v25 =	vmul.f32 v25, v15;
	_ =	sdelay $0x1  }
0x1d1: {  	[tilespmem:v61+s22+$0x0] =	vst.idx.add.f32.msk vm0, v25  }
0x1d2: {  	v25 =	vld.idx.msk [tilespmem:v62+s21+$0x0], $0xffff;
	_ =	sdelay $0x1  }
0x1d3: {  	v63 =	vadd.s32 v16, v24  }
0x1d4: {  	v32 =	vadd.s32 v13, v24;
	_ =	sdelay $0x1  }
0x1d5: {  	s29 =	sadd.s32 $0xFFFFFFF9, s28;
	v25 =	vmul.f32 v25, v15  }
0x1d6: {  	v28 =	vmov s29  }
0x1d7: {  	v33 =	vshrl.u32 v28, $0x3;
	[tilespmem:v63+s22+$0x0] =	vst.idx.add.f32.msk vm0, v25  }
0x1d8: {  	v25 =	vshll.u32 v33, v6;
	v26 =	vld.idx.msk [tilespmem:v32+s21+$0x0], $0xffff  }
0x1d9: {  	v25 =	vbroadcast v25, $0x0  }
0x1da: {  	v34 =	vadd.s32 v18, v24  }
0x1db: {  	v35 =	vadd.s32 v2, v25;
	_ =	sdelay $0x1  }
0x1dc: {  	s30 =	sadd.s32 $0xFFFFFFFA, s28;
	v26 =	vmul.f32 v26, v15  }
0x1dd: {  	v36 =	vmov s30  }
0x1de: {  	v37 =	vshrl.u32 v36, $0x3;
	[tilespmem:v34+s22+$0x0] =	vst.idx.add.f32.msk vm0, v26  }
0x1df: {  	v24 =	vshll.u32 v37, v6;
	v26 =	vld.idx.msk [tilespmem:v35+s21+$0x0], $0xffff  }
0x1e0: {  	v24 =	vbroadcast v24, $0x0  }
0x1e1: {  	v38 =	vadd.s32 v23, v25  }
0x1e2: {  	v39 =	vadd.s32 v7, v24;
	_ =	sdelay $0x1  }
0x1e3: {  	s31 =	sadd.s32 $0xFFFFFFFB, s28;
	v26 =	vmul.f32 v26, v15  }
0x1e4: {  	v40 =	vmov s31  }
0x1e5: {  	v41 =	vshrl.u32 v40, $0x3;
	[tilespmem:v38+s22+$0x0] =	vst.idx.add.f32.msk vm0, v26  }
0x1e6: {  	v23 =	vshll.u32 v41, v6;
	v25 =	vld.idx.msk [tilespmem:v39+s21+$0x0], $0xffff  }
0x1e7: {  	v23 =	vbroadcast v23, $0x0  }
0x1e8: {  	v42 =	vadd.s32 v22, v24  }
0x1e9: {  	v43 =	vadd.s32 v8, v23;
	_ =	sdelay $0x1  }
0x1ea: {  	s30 =	sadd.s32 $0xFFFFFFFC, s28;
	v25 =	vmul.f32 v25, v15  }
0x1eb: {  	v44 =	vmov s30  }
0x1ec: {  	v45 =	vshrl.u32 v44, $0x3;
	[tilespmem:v42+s22+$0x0] =	vst.idx.add.f32.msk vm0, v25  }
0x1ed: {  	v22 =	vshll.u32 v45, v6;
	v24 =	vld.idx.msk [tilespmem:v43+s21+$0x0], $0xffff  }
0x1ee: {  	v22 =	vbroadcast v22, $0x0  }
0x1ef: {  	v46 =	vadd.s32 v21, v23  }
0x1f0: {  	v47 =	vadd.s32 v9, v22;
	_ =	sdelay $0x1  }
0x1f1: {  	s31 =	sadd.s32 $0xFFFFFFFD, s28;
	v24 =	vmul.f32 v24, v15  }
0x1f2: {  	v48 =	vmov s31  }
0x1f3: {  	v49 =	vshrl.u32 v48, $0x3;
	[tilespmem:v46+s22+$0x0] =	vst.idx.add.f32.msk vm0, v24  }
0x1f4: {  	v21 =	vshll.u32 v49, v6;
	v23 =	vld.idx.msk [tilespmem:v47+s21+$0x0], $0xffff  }
0x1f5: {  	v21 =	vbroadcast v21, $0x0  }
0x1f6: {  	v50 =	vadd.s32 v20, v22  }
0x1f7: {  	v51 =	vadd.s32 v10, v21;
	_ =	sdelay $0x1  }
0x1f8: {  	s30 =	sadd.s32 $0xFFFFFFFE, s28;
	v23 =	vmul.f32 v23, v15  }
0x1f9: {  	v52 =	vmov s30  }
0x1fa: {  	v53 =	vshrl.u32 v52, $0x3;
	[tilespmem:v50+s22+$0x0] =	vst.idx.add.f32.msk vm0, v23  }
0x1fb: {  	v20 =	vshll.u32 v53, v6;
	v22 =	vld.idx.msk [tilespmem:v51+s21+$0x0], $0xffff  }
0x1fc: {  	v20 =	vbroadcast v20, $0x0  }
0x1fd: {  	v54 =	vadd.s32 v19, v21  }
0x1fe: {  	v55 =	vadd.s32 v11, v20;
	_ =	sdelay $0x1  }
0x1ff: {  	s31 =	sadd.s32 $0xFFFFFFFF, s28;
	v22 =	vmul.f32 v22, v15  }
0x200: {  	v56 =	vmov s31  }
0x201: {  	v57 =	vshrl.u32 v56, $0x3;
	[tilespmem:v54+s22+$0x0] =	vst.idx.add.f32.msk vm0, v22  }
0x202: {  	v19 =	vshll.u32 v57, v6;
	v21 =	vld.idx.msk [tilespmem:v55+s21+$0x0], $0xffff  }
0x203: {  	v19 =	vbroadcast v19, $0x0  }
0x204: {  	v58 =	vadd.s32 v17, v20  }
0x205: {  	v59 =	vadd.s32 v12, v19;
	_ =	sdelay $0x1  }
0x206: {  	v21 =	vmul.f32 v21, v15  }
0x207: {  	v60 =	vmov s28  }
0x208: {  	v61 =	vshrl.u32 v60, $0x3;
	[tilespmem:v58+s22+$0x0] =	vst.idx.add.f32.msk vm0, v21  }
0x209: {  	v17 =	vshll.u32 v61, v6;
	v20 =	vld.idx.msk [tilespmem:v59+s21+$0x0], $0xffff  }
0x20a: {  	v17 =	vbroadcast v17, $0x0  }
0x20b: {  	v62 =	vadd.s32 v16, v19  }
0x20c: {  	v63 =	vadd.s32 v13, v17;
	_ =	sdelay $0x1  }
0x20d: {  	v20 =	vmul.f32 v20, v15;
	_ =	sdelay $0x1  }
0x20e: {  	[tilespmem:v62+s22+$0x0] =	vst.idx.add.f32.msk vm0, v20  }
0x20f: {  	v16 =	vld.idx.msk [tilespmem:v63+s21+$0x0], $0xffff  }
0x210: {  	s26 =	sadd.s32 $0x1, s26  }
0x211: {  	p0 =	sne.s32 s26, s25;
	v17 =	vadd.s32 v18, v17  }
.Ltmp12:
0x212: {  	_ = 	snop;
	(pc) =	sbr.rel @p0 .LBB2_16-.Ltmp12, $4  }
.Ltmp13:
0x213: {  	_ = 	snop;
	(pc) =	sbr.rel @!p0 .LBB2_19-.Ltmp13, $4  }
0x214: {  	v15 =	vmul.f32 v16, v15  }
0x215: {  	_ = 	snop  }
0x216: {  	[tilespmem:v17+s22+$0x0] =	vst.idx.add.f32.msk vm0, v15  }
0x217: {  	_ = 	snop  }
.LBB2_20:
0x218: {  	s25 =	simm.s32 $0x0  }
0x219: {  	[hbm4b:s8+s25] =	stream.linear.scatter [tilespmem:s22], [sflag:$0x2], $0x14000, $0x38;
	[tilespmem:$0x1C010] =	vst v63  }
0x21a: {  	_ =	swait.ge [sflag:s13], $0x14000  }
0x21b: {  	[sflag:s13] =	ssyncset.done $0x0  }
0x21c: {  	[sflag:s13] =	ssyncadd.s32 $0xFFFEC000  }
0x21d: {  	[tilespmem:s25], [sflag:$0x2] =	stream.linear.gather [hbm4b:s9+s25], $0x2710, $0x38;
	[tilespmem:$0x1C010] =	vst v63  }
0x21e: {  	_ =	swait.ge [sflag:s13], $0x2710  }
0x21f: {  	[sflag:s13] =	ssyncset.done $0x0  }
0x220: {  	[sflag:s13] =	ssyncadd.s32 $0xFFFFD8F0  }
0x221: {  	[tilespmem:s14], [sflag:$0x2] =	stream.linear.gather [hbm4b:s10+s25], $0x2710, $0x38;
	[tilespmem:$0x1C010] =	vst v63  }
0x222: {  	_ =	swait.ge [sflag:s13], $0x2710  }
0x223: {  	[sflag:s13] =	ssyncset.done $0x0  }
0x224: {  	[sflag:s13] =	ssyncadd.s32 $0xFFFFD8F0  }
0x225: {  	[tilespmem:$0x5AA0] =	vst v5  }
0x226: {  	[tilespmem:$0x5AB0] =	vst v5  }
0x227: {  	[tilespmem:$0x5AC0] =	vst v5  }
0x228: {  	[tilespmem:$0x5AD0] =	vst v5  }
0x229: {  	[tilespmem:$0x5AE0] =	vst v5  }
0x22a: {  	[tilespmem:$0x5AF0] =	vst v5  }
0x22b: {  	[tilespmem:$0x5B00] =	vst v5  }
0x22c: {  	[tilespmem:$0x5B10] =	vst v5  }
0x22d: {  	[tilespmem:$0x5B20] =	vst v5  }
0x22e: {  	[tilespmem:$0x5B30] =	vst v5  }
0x22f: {  	[tilespmem:$0x5B40] =	vst v5  }
0x230: {  	[tilespmem:$0x5B50] =	vst v5  }
0x231: {  	[tilespmem:$0x5B60] =	vst v5  }
0x232: {  	[tilespmem:$0x5B70] =	vst v5  }
0x233: {  	[tilespmem:$0x5B80] =	vst v5  }
0x234: {  	[tilespmem:$0x5B90] =	vst v5  }
0x235: {  	[tilespmem:$0x5BA0] =	vst v5  }
0x236: {  	s24 =	sand.u32 $0x7FC00, s25;
	[tilespmem:$0x5BB0] =	vst v5  }
0x237: {  	s26 =	sand.u32 $0xF0, s25;
	s28 =	sshrl.u32 s24, $0x2;
	[tilespmem:$0x5BC0] =	vst v5  }
0x238: {  	s24 =	simm.s32 $0x40;
	s28 =	sor.u32 s26, s28;
	s26 =	simm.s32 $0x0;
	[tilespmem:$0x5BD0] =	vst v5  }
.LBB2_21:
0x239: {  	p0 =	sne.s32 s24, $0x4FFC0  }
0x23a: {  	[tilespmem:s28+$0x8010] =	vst v5;
	s26 =	sadd.s32 $0x10, s26;
	s28 =	smov.u32 s24;
	s24 =	sadd.s32 $0x40, s24  }
.Ltmp14:
0x23b: {  	(pc) =	sbr.rel @p0 .LBB2_21-.Ltmp14, $4  }
0x23c: {  	_ = 	snop  }
0x23d: {  	s28 =	sand.u32 $0x7FC00, s28  }
0x23e: {  	s29 =	sand.u32 $0xF0, s26;
	s28 =	sshrl.u32 s28, $0x2  }
0x23f: {  	s28 =	sor.u32 s29, s28  }
0x240: {  	[tilespmem:s28+$0x8010] =	vst v5  }
.LBB2_23:
0x241: {  	s24 =	smul.u32 $0xC8, s25;
	_ =	sdelay $0x1  }
0x242: {  	s28 =	simm.s32 $0x0;
	s26 =	sadd.s32 s1, s24  }
0x243: {  	[tilespmem:s15], [sflag:$0x2] =	stream.linear.gather [hbm4b:s26+s28], $0x640, $0x38;
	[tilespmem:$0x1C010] =	vst v63  }
0x244: {  	_ =	swait.ge [sflag:s13], $0x640  }
0x245: {  	[sflag:s13] =	ssyncset.done $0x0  }
0x246: {  	s24 =	sadd.s32 s2, s24;
	[sflag:s13] =	ssyncadd.s32 $0xFFFFF9C0  }
0x247: {  	[tilespmem:s16], [sflag:$0x2] =	stream.linear.gather [hbm4b:s24+s28], $0x640, $0x38;
	[tilespmem:$0x1C010] =	vst v63  }
0x248: {  	_ =	swait.ge [sflag:s13], $0x640  }
0x249: {  	[sflag:s13] =	ssyncset.done $0x0  }
0x24a: {  	s26 =	simm.s32 $0x0;
	[sflag:s13] =	ssyncadd.s32 $0xFFFFF9C0  }
0x24b: {  	s24 =	simm.s32 $0x40;
	v14 =	vld [tilespmem:s26+$0x4E20]  }
.LBB2_24:
0x24c: {  	p0 =	sne.s32 s24, $0x18C0;
	v15 =	vld [tilespmem:s26+$0x5460];
	_ =	sdelay $0x6  }
0x24d: {  	v14 =	vld.idx.msk [tilespmem:v14+s7+$0x0], $0xffff  }
0x24e: {  	v16 =	vld.idx.msk [tilespmem:v15+s14+$0x0], $0xffff;
	_ =	sdelay $0x5  }
0x24f: {  	v14 =	vadd.f32 v16, v14;
	_ =	sdelay $0x1  }
0x250: {  	v14 =	vsub.f32 $0.0e+00, v14;
	_ =	sdelay $0x1  }
0x251: {  	v14 =	vmul.f32 $1.442695020e+00, v14;
	_ =	sdelay $0x1  }
0x252: {  	(erf) = vpow2.f32 v14;
	_ =	sdelay $0x8  }
0x253: {  	v14 =	vpop (erf)  }
0x254: {  	v14 =	vadd.f32 $1.000000000e+00, v14;
	_ =	sdelay $0x1  }
0x255: {  	(erf) = vrcp.f32 v14;
	_ =	sdelay $0x8  }
0x256: {  	v14 =	vpop (erf)  }
0x257: {  	v14 =	vmul.f32 $1.442695020e+00, v14;
	_ =	sdelay $0x1  }
0x258: {  	(erf) = vpow2.f32 v14;
	_ =	sdelay $0x2  }
0x259: {  	vm0 =	vge.s32 v15, v1;
	vm1 =	vlt.s32 v15, v3  }
0x25a: {  	vm0 =	vmand vm0, vm1;
	v14 =	vsub.s32 v15, v1  }
0x25b: {  	v14 =	vnsel vm0, $0x0, v14;
	_ =	sdelay $0x1  }
.Ltmp15:
0x25c: {  	(pc) =	sbr.rel @p0 .LBB2_24-.Ltmp15, $4  }
0x25d: {  	_ = 	snop  }
0x25e: {  	v15 =	vpop (erf)  }
0x25f: {  	s26 =	sshra.s32 s24, $0x2;
	[tilespmem:v14+s17+$0x0] =	vst.idx.add.f32.msk vm0, v15  }
0x260: {  	s24 =	sadd.s32 $0x40, s24;
	v14 =	vld [tilespmem:s26+$0x4E20]  }
0x261: {  	_ = 	snop  }
0x262: {  	v15 =	vld [tilespmem:s26+$0x5460];
	_ =	sdelay $0x6  }
0x263: {  	v14 =	vld.idx.msk [tilespmem:v14+s7+$0x0], $0xffff  }
0x264: {  	v16 =	vld.idx.msk [tilespmem:v15+s14+$0x0], $0xffff;
	_ =	sdelay $0x4  }
0x265: {  	v14 =	vadd.f32 v16, v14;
	_ =	sdelay $0x1  }
0x266: {  	v14 =	vsub.f32 $0.0e+00, v14;
	_ =	sdelay $0x1  }
0x267: {  	v14 =	vmul.f32 $1.442695020e+00, v14;
	_ =	sdelay $0x1  }
0x268: {  	(erf) = vpow2.f32 v14;
	_ =	sdelay $0x8  }
0x269: {  	v14 =	vpop (erf)  }
0x26a: {  	v14 =	vadd.f32 $1.000000000e+00, v14;
	_ =	sdelay $0x1  }
0x26b: {  	(erf) = vrcp.f32 v14;
	_ =	sdelay $0x8  }
0x26c: {  	v14 =	vpop (erf)  }
0x26d: {  	v14 =	vmul.f32 $1.442695020e+00, v14;
	_ =	sdelay $0x1  }
0x26e: {  	(erf) = vpow2.f32 v14;
	_ =	sdelay $0x2  }
0x26f: {  	vm0 =	vge.s32 v15, v1;
	vm1 =	vlt.s32 v15, v3  }
0x270: {  	s25 =	sadd.s32 $0x1, s25;
	vm0 =	vmand vm0, vm1;
	v14 =	vsub.s32 v15, v1  }
0x271: {  	p0 =	sne.s32 s25, $0x64;
	v14 =	vnsel vm0, $0x0, v14  }
.Ltmp16:
0x272: {  	_ = 	snop;
	(pc) =	sbr.rel @p0 .LBB2_23-.Ltmp16, $3  }
0x273: {  	_ =	sdelay $0x1  }
0x274: {  	v15 =	vpop (erf)  }
0x275: {  	s24 =	simm.s32 $0x0;
	[tilespmem:v14+s17+$0x0] =	vst.idx.add.f32.msk vm0, v15  }
0x276: {  	s25 =	simm.s32 $0x0  }
0x277: {  	v14 =	vld [tilespmem:s25+$0x5AA0];
	_ =	sdelay $0x4  }
0x278: {  	v14 =	vadd.f32 $1.000000020e-16, v14  }
0x279: {  	s26 =	simm.s32 $0x10  }
0x27a: {  	(erf) = vrcp.f32 v14;
	v14 =	vld [tilespmem:s26+$0x5AA0];
	_ =	sdelay $0x4  }
0x27b: {  	s28 =	simm.s32 $0x20;
	v15 =	vadd.f32 $1.000000020e-16, v14  }
0x27c: {  	v14 =	vld [tilespmem:s28+$0x5AA0]  }
0x27d: {  	(erf) = vrcp.f32 v15;
	_ =	sdelay $0x2  }
0x27e: {  	s29 =	simm.s32 $0xC0;
	v15 =	vpop (erf)  }
.LBB2_27:
0x27f: {  	s30 =	sshra.s32 s29, $0x2;
	p0 =	sne.s32 s29, $0x4C0;
	s29 =	sadd.s32 $0x40, s29;
	v16 =	vadd.f32 $1.000000020e-16, v14;
	[tilespmem:s25+$0x5BE0] =	vst v15  }
.Ltmp17:
0x280: {  	s25 =	smov.u32 s26;
	s26 =	smov.u32 s28;
	v14 =	vld [tilespmem:s30+$0x5AA0];
	(pc) =	sbr.rel @p0 .LBB2_27-.Ltmp17, $2  }
0x281: {  	s28 =	smov.u32 s30;
	(erf) = vrcp.f32 v16;
	_ =	sdelay $0x2  }
0x282: {  	v15 =	vpop (erf)  }
0x283: {  	v14 =	vadd.f32 $1.000000020e-16, v14;
	_ =	sdelay $0x1  }
0x284: {  	(erf) = vrcp.f32 v14;
	_ =	sdelay $0x5  }
.Ltmp18:
0x285: {  	_ = 	snop;
	(pc) =	sbr.rel .LBB2_29-.Ltmp18, $4  }
0x286: {  	_ = 	snop  }
0x287: {  	[tilespmem:s25+$0x5BE0] =	vst v15;
	v14 =	vpop (erf)  }
0x288: {  	[tilespmem:s26+$0x5BE0] =	vst v14;
	v14 =	vpop (erf)  }
0x289: {  	[tilespmem:s28+$0x5BE0] =	vst v14  }
.LBB2_36:
0x28a: {  	s24 =	sadd.s32 $0x1, s24  }
0x28b: {  	p0 =	sne.s32 s24, $0x64  }
.Ltmp19:
0x28c: {  	_ = 	snop;
	(pc) =	sbr.rel @!p0 .LBB2_37-.Ltmp19, $1  }
0x28d: {  	_ =	sdelay $0x3  }
.LBB2_29:
0x28e: {  	s25 =	smul.u32 $0xC8, s24;
	_ =	sdelay $0x1  }
0x28f: {  	s26 =	simm.s32 $0x0;
	s28 =	sadd.s32 s1, s25  }
0x290: {  	[tilespmem:s15], [sflag:$0x2] =	stream.linear.gather [hbm4b:s28+s26], $0x640, $0x38;
	[tilespmem:$0x1C010] =	vst v63  }
0x291: {  	_ =	swait.ge [sflag:s13], $0x640  }
0x292: {  	[sflag:s13] =	ssyncset.done $0x0  }
0x293: {  	s25 =	sadd.s32 s2, s25;
	[sflag:s13] =	ssyncadd.s32 $0xFFFFF9C0  }
0x294: {  	[tilespmem:s16], [sflag:$0x2] =	stream.linear.gather [hbm4b:s25+s26], $0x640, $0x38;
	[tilespmem:$0x1C010] =	vst v63  }
0x295: {  	_ =	swait.ge [sflag:s13], $0x640  }
0x296: {  	[sflag:s13] =	ssyncset.done $0x0  }
0x297: {  	s31 =	simm.s32 $0x0;
	[sflag:s13] =	ssyncadd.s32 $0xFFFFF9C0  }
0x298: {  	v14 =	vld [tilespmem:s31+$0x4E20]  }
0x299: {  	v15 =	vld [tilespmem:s31+$0x5460];
	_ =	sdelay $0x6  }
0x29a: {  	v16 =	vld.idx.msk [tilespmem:v14+s7+$0x0], $0xffff  }
0x29b: {  	v17 =	vld.idx.msk [tilespmem:v15+s14+$0x0], $0xffff;
	_ =	sdelay $0x4  }
0x29c: {  	v16 =	vadd.f32 v17, v16;
	_ =	sdelay $0x1  }
0x29d: {  	v16 =	vsub.f32 $0.0e+00, v16;
	_ =	sdelay $0x1  }
0x29e: {  	v16 =	vmul.f32 $1.442695020e+00, v16;
	_ =	sdelay $0x1  }
0x29f: {  	(erf) = vpow2.f32 v16;
	_ =	sdelay $0x7  }
0x2a0: {  	vm0 =	vge.s32 v15, v1;
	vm1 =	vlt.s32 v15, v3  }
0x2a1: {  	vm0 =	vmand vm0, vm1;
	v16 =	vpop (erf)  }
0x2a2: {  	v60 =	vsel vm0, $0x1, v4;
	v16 =	vadd.f32 $1.000000000e+00, v16  }
0x2a3: {  	(xrf0) =	vadd.scan.msk.s32 $0xffff, v60  }
0x2a4: {  	(erf) = vrcp.f32 v16;
	_ =	sdelay $0x4  }
0x2a5: {  	v61, _, _ =	vpop (xrf0)  }
0x2a6: {  	(v2sf) =	vpush v61, $0xF;
	_ =	sdelay $0x2  }
0x2a7: {  	v62 =	vpop (erf)  }
0x2a8: {  	v16 =	vmul.f32 $1.442695020e+00, v62  }
0x2a9: {  	v15 =	vsub.s32 v15, v1  }
0x2aa: {  	v15 =	vnsel vm0, $0x0, v15;
	(erf) = vpow2.f32 v16;
	_ =	sdelay $0x4  }
0x2ab: {  	v63 =	vld.idx.msk [tilespmem:v15+s18+$0x0], $0xffff  }
0x2ac: {  	v14 =	vadd.s32 $0x2710, v14;
	_ =	sdelay $0x2  }
0x2ad: {  	[tilespmem:s26+$0x5D20] =	vst.msk vm0, v14;
	s28 =	spop (v2sf);
	v14 =	vpop (erf)  }
0x2ae: {  	s25 =	simm.s32 $0x40;
	[tilespmem:s26+$0x6370] =	vst.msk vm0, v15;
	s28 =	sadd.s32 $0x0, s28;
	v14 =	vmul.f32 v14, v63  }
.LBB2_30:
0x2af: {  	p0 =	sne.s32 s25, $0x18C0;
	s29 =	smov.u32 s25;
	s25 =	sadd.s32 $0x40, s25  }
0x2b0: {  	s29 =	sshra.s32 s29, $0x2;
	[tilespmem:s26+$0x69C0] =	vst.msk vm0, v14;
	s26 =	smov.u32 s28  }
0x2b1: {  	v14 =	vld [tilespmem:s29+$0x4E20]  }
0x2b2: {  	v15 =	vld [tilespmem:s29+$0x5460];
	_ =	sdelay $0x4  }
0x2b3: {  	vm0 =	vge.s32 v15, v1;
	vm1 =	vlt.s32 v15, v3  }
0x2b4: {  	v16 =	vsub.s32 v15, v1;
	vm0 =	vmand vm0, vm1  }
0x2b5: {  	v17 =	vld.idx.msk [tilespmem:v14+s7+$0x0], $0xffff;
	v16 =	vnsel vm0, $0x0, v16;
	v18 =	vsel vm0, $0x1, v4  }
0x2b6: {  	v15 =	vld.idx.msk [tilespmem:v15+s14+$0x0], $0xffff;
	(xrf0) =	vadd.scan.msk.s32 $0xffff, v18;
	_ =	sdelay $0x5  }
0x2b7: {  	v15 =	vadd.f32 v15, v17;
	v17, _, _ =	vpop (xrf0)  }
0x2b8: {  	(v2sf) =	vpush v17, $0xF  }
0x2b9: {  	v15 =	vsub.f32 $0.0e+00, v15;
	_ =	sdelay $0x1  }
0x2ba: {  	v15 =	vmul.f32 $1.442695020e+00, v15;
	_ =	sdelay $0x1  }
0x2bb: {  	(erf) = vpow2.f32 v15;
	_ =	sdelay $0x8  }
0x2bc: {  	v15 =	vpop (erf)  }
0x2bd: {  	v15 =	vadd.f32 $1.000000000e+00, v15;
	s29 =	spop (v2sf)  }
0x2be: {  	s28 =	sadd.s32 s28, s29  }
0x2bf: {  	(erf) = vrcp.f32 v15;
	_ =	sdelay $0x8  }
0x2c0: {  	v15 =	vpop (erf)  }
0x2c1: {  	v15 =	vmul.f32 $1.442695020e+00, v15;
	_ =	sdelay $0x1  }
0x2c2: {  	(erf) = vpow2.f32 v15;
	_ =	sdelay $0x2  }
0x2c3: {  	v14 =	vadd.s32 $0x2710, v14;
	v15 =	vld.idx.msk [tilespmem:v16+s18+$0x0], $0xffff  }
0x2c4: {  	[tilespmem:s26+$0x5D20] =	vst.msk vm0, v14  }
0x2c5: {  	[tilespmem:s26+$0x6370] =	vst.msk vm0, v16  }
.Ltmp20:
0x2c6: {  	(pc) =	sbr.rel @p0 .LBB2_30-.Ltmp20, $3  }
0x2c7: {  	_ =	sdelay $0x1  }
0x2c8: {  	v14 =	vpop (erf)  }
0x2c9: {  	v14 =	vmul.f32 v14, v15  }
0x2ca: {  	s25 =	sadd.s32 $0xF, s28  }
0x2cb: {  	s29 =	sand.u32 $0xF, s25  }
0x2cc: {  	s30 =	sshra.s32 s25, $0x1F;
	p0 =	slt.s32 s25, $0x1;
	p1 =	sne.s32 s29, $0x0  }
0x2cd: {  	s31 =	sshrl.u32 s30, $0x1C;
	p0 =	por !p0, !p1  }
0x2ce: {  	s29 =	simm.s32 $0x1;
	s25 =	sadd.s32 s31, s25;
	p0 =	por !p0, !p0  }
0x2cf: {  	s25 =	sshra.s32 s25, $0x4;
	s29 =	simm.s32 @!p0 $0x0  }
0x2d0: {  	s25 =	ssub.s32 s25, s29  }
0x2d1: {  	p0 =	slt.s32 s25, $0x1  }
.Ltmp21:
0x2d2: {  	_ = 	snop;
	(pc) =	sbr.rel @p0 .LBB2_36-.Ltmp21, $2  }
0x2d3: {  	_ =	sdelay $0x2  }
0x2d4: {  	[tilespmem:s26+$0x69C0] =	vst.msk vm0, v14  }
0x2d5: {  	v14 =	vmov s28;
	s26 =	simm.s32 $0x0  }
.LBB2_33:
0x2d6: {  	s28 =	simm.s32 $0x0  }
0x2d7: {  	s29 =	sshll.u32 s26, $0x4;
	v15 =	vmov s28  }
0x2d8: {  	s28 =	sadd.s32 $0x5D20, s29;
	v15 =	vshrl.u32 v15, $0x3  }
0x2d9: {  	[tilespmem:s21], [sflag:$0x1] =	stream.indirect.gather [hbm4b:s6+s20], $0x100, s28, s20, $0xb8;
	v15 =	vshll.u32 v15, v6;
	[tilespmem:$0x1C010] =	vst v63  }
0x2da: {  	_ =	swait.ge [sflag:s19], $0x1000;
	v24 =	vbroadcast v15, $0x0  }
0x2db: {  	[sflag:s19] =	ssyncset.done $0x0  }
0x2dc: {  	[sflag:s19] =	ssyncadd.s32 $0xFFFFF000;
	v16 =	vor.u32 v2, v24  }
0x2dd: {  	v17 =	vld [tilespmem:s29+$0x6370];
	_ =	sdelay $0x2  }
0x2de: {  	v15 =	vld [tilespmem:s29+$0x69C0]  }
0x2df: {  	v18 =	vor.u32 s29, v0;
	v16 =	vld.idx.msk [tilespmem:v16+s21+$0x0], $0xffff  }
0x2e0: {  	vm0 =	vlt.s32 v18, v14;
	v23 =	vshll.u32 v17, $0x8  }
0x2e1: {  	v17 =	vor.u32 v23, v24  }
0x2e2: {  	v18 =	vadd.s32 v7, v24;
	_ =	sdelay $0x1  }
0x2e3: {  	v16 =	vmul.f32 v16, v15;
	_ =	sdelay $0x1  }
0x2e4: {  	[tilespmem:v17+s22+$0x0] =	vst.idx.add.f32.msk vm0, v16  }
0x2e5: {  	v16 =	vld.idx.msk [tilespmem:v18+s21+$0x0], $0xffff  }
0x2e6: {  	v22 =	vor.u32 $0x1, v23  }
0x2e7: {  	v17 =	vadd.s32 v22, v24  }
0x2e8: {  	v18 =	vadd.s32 v8, v24;
	_ =	sdelay $0x1  }
0x2e9: {  	v16 =	vmul.f32 v16, v15;
	_ =	sdelay $0x1  }
0x2ea: {  	[tilespmem:v17+s22+$0x0] =	vst.idx.add.f32.msk vm0, v16  }
0x2eb: {  	v16 =	vld.idx.msk [tilespmem:v18+s21+$0x0], $0xffff  }
0x2ec: {  	v21 =	vor.u32 $0x2, v23  }
0x2ed: {  	v17 =	vadd.s32 v21, v24  }
0x2ee: {  	v18 =	vadd.s32 v9, v24;
	_ =	sdelay $0x1  }
0x2ef: {  	v16 =	vmul.f32 v16, v15;
	_ =	sdelay $0x1  }
0x2f0: {  	[tilespmem:v17+s22+$0x0] =	vst.idx.add.f32.msk vm0, v16  }
0x2f1: {  	v16 =	vld.idx.msk [tilespmem:v18+s21+$0x0], $0xffff  }
0x2f2: {  	v20 =	vor.u32 $0x3, v23  }
0x2f3: {  	v17 =	vadd.s32 v20, v24  }
0x2f4: {  	v18 =	vadd.s32 v10, v24;
	_ =	sdelay $0x1  }
0x2f5: {  	v16 =	vmul.f32 v16, v15;
	_ =	sdelay $0x1  }
0x2f6: {  	[tilespmem:v17+s22+$0x0] =	vst.idx.add.f32.msk vm0, v16  }
0x2f7: {  	v16 =	vld.idx.msk [tilespmem:v18+s21+$0x0], $0xffff  }
0x2f8: {  	v19 =	vor.u32 $0x4, v23  }
0x2f9: {  	v17 =	vadd.s32 v19, v24  }
0x2fa: {  	v18 =	vadd.s32 v11, v24;
	_ =	sdelay $0x1  }
0x2fb: {  	v16 =	vmul.f32 v16, v15;
	_ =	sdelay $0x1  }
0x2fc: {  	[tilespmem:v17+s22+$0x0] =	vst.idx.add.f32.msk vm0, v16  }
0x2fd: {  	v16 =	vld.idx.msk [tilespmem:v18+s21+$0x0], $0xffff  }
0x2fe: {  	v17 =	vor.u32 $0x5, v23  }
0x2ff: {  	v18 =	vadd.s32 v17, v24  }
0x300: {  	v25 =	vadd.s32 v12, v24;
	_ =	sdelay $0x1  }
0x301: {  	v16 =	vmul.f32 v16, v15;
	_ =	sdelay $0x1  }
0x302: {  	[tilespmem:v18+s22+$0x0] =	vst.idx.add.f32.msk vm0, v16  }
0x303: {  	v18 =	vld.idx.msk [tilespmem:v25+s21+$0x0], $0xffff  }
0x304: {  	v16 =	vor.u32 $0x6, v23  }
0x305: {  	v25 =	vadd.s32 v16, v24  }
0x306: {  	v26 =	vadd.s32 v13, v24;
	_ =	sdelay $0x1  }
0x307: {  	s28 =	simm.s32 $0x8;
	v18 =	vmul.f32 v18, v15  }
0x308: {  	v27 =	vmov s28  }
0x309: {  	[tilespmem:v25+s22+$0x0] =	vst.idx.add.f32.msk vm0, v18;
	v18 =	vshrl.u32 v27, $0x3  }
0x30a: {  	v25 =	vld.idx.msk [tilespmem:v26+s21+$0x0], $0xffff;
	v26 =	vshll.u32 v18, v6  }
0x30b: {  	v18 =	vor.u32 $0x7, v23;
	v26 =	vbroadcast v26, $0x0  }
0x30c: {  	v24 =	vadd.s32 v18, v24  }
0x30d: {  	v27 =	vadd.s32 v2, v26;
	_ =	sdelay $0x1  }
0x30e: {  	s28 =	simm.s32 $0x9;
	v25 =	vmul.f32 v25, v15  }
0x30f: {  	v28 =	vmov s28  }
0x310: {  	[tilespmem:v24+s22+$0x0] =	vst.idx.add.f32.msk vm0, v25;
	v24 =	vshrl.u32 v28, $0x3  }
0x311: {  	v25 =	vld.idx.msk [tilespmem:v27+s21+$0x0], $0xffff;
	v24 =	vshll.u32 v24, v6  }
0x312: {  	v24 =	vbroadcast v24, $0x0  }
0x313: {  	v26 =	vadd.s32 v23, v26  }
0x314: {  	v27 =	vadd.s32 v7, v24;
	_ =	sdelay $0x1  }
0x315: {  	s28 =	simm.s32 $0xA;
	v25 =	vmul.f32 v25, v15  }
0x316: {  	v28 =	vmov s28  }
0x317: {  	[tilespmem:v26+s22+$0x0] =	vst.idx.add.f32.msk vm0, v25;
	v25 =	vshrl.u32 v28, $0x3  }
0x318: {  	v26 =	vld.idx.msk [tilespmem:v27+s21+$0x0], $0xffff;
	v25 =	vshll.u32 v25, v6  }
0x319: {  	v25 =	vbroadcast v25, $0x0  }
0x31a: {  	v24 =	vadd.s32 v22, v24  }
0x31b: {  	v27 =	vadd.s32 v8, v25;
	_ =	sdelay $0x1  }
0x31c: {  	s28 =	simm.s32 $0xB;
	v26 =	vmul.f32 v26, v15  }
0x31d: {  	v28 =	vmov s28  }
0x31e: {  	[tilespmem:v24+s22+$0x0] =	vst.idx.add.f32.msk vm0, v26;
	v24 =	vshrl.u32 v28, $0x3  }
0x31f: {  	v26 =	vld.idx.msk [tilespmem:v27+s21+$0x0], $0xffff;
	v24 =	vshll.u32 v24, v6  }
0x320: {  	v24 =	vbroadcast v24, $0x0  }
0x321: {  	v25 =	vadd.s32 v21, v25  }
0x322: {  	v27 =	vadd.s32 v9, v24;
	_ =	sdelay $0x1  }
0x323: {  	s28 =	simm.s32 $0xC;
	v26 =	vmul.f32 v26, v15  }
0x324: {  	v28 =	vmov s28  }
0x325: {  	[tilespmem:v25+s22+$0x0] =	vst.idx.add.f32.msk vm0, v26;
	v25 =	vshrl.u32 v28, $0x3  }
0x326: {  	v26 =	vld.idx.msk [tilespmem:v27+s21+$0x0], $0xffff;
	v25 =	vshll.u32 v25, v6  }
0x327: {  	v25 =	vbroadcast v25, $0x0  }
0x328: {  	v24 =	vadd.s32 v20, v24  }
0x329: {  	v27 =	vadd.s32 v10, v25;
	_ =	sdelay $0x1  }
0x32a: {  	s28 =	simm.s32 $0xD;
	v26 =	vmul.f32 v26, v15  }
0x32b: {  	v28 =	vmov s28  }
0x32c: {  	[tilespmem:v24+s22+$0x0] =	vst.idx.add.f32.msk vm0, v26;
	v24 =	vshrl.u32 v28, $0x3  }
0x32d: {  	v26 =	vld.idx.msk [tilespmem:v27+s21+$0x0], $0xffff;
	v24 =	vshll.u32 v24, v6  }
0x32e: {  	v24 =	vbroadcast v24, $0x0  }
0x32f: {  	v25 =	vadd.s32 v19, v25  }
0x330: {  	v27 =	vadd.s32 v11, v24;
	_ =	sdelay $0x1  }
0x331: {  	s28 =	simm.s32 $0xE;
	v26 =	vmul.f32 v26, v15  }
0x332: {  	v28 =	vmov s28  }
0x333: {  	[tilespmem:v25+s22+$0x0] =	vst.idx.add.f32.msk vm0, v26;
	v25 =	vshrl.u32 v28, $0x3  }
0x334: {  	v26 =	vld.idx.msk [tilespmem:v27+s21+$0x0], $0xffff;
	v25 =	vshll.u32 v25, v6  }
0x335: {  	v25 =	vbroadcast v25, $0x0  }
0x336: {  	v24 =	vadd.s32 v17, v24  }
0x337: {  	v27 =	vadd.s32 v12, v25;
	_ =	sdelay $0x1  }
0x338: {  	v26 =	vmul.f32 v26, v15  }
0x339: {  	s28 =	simm.s32 $0xF  }
0x33a: {  	v28 =	vmov s28;
	[tilespmem:v24+s22+$0x0] =	vst.idx.add.f32.msk vm0, v26  }
0x33b: {  	v24 =	vshrl.u32 v28, $0x3;
	v26 =	vld.idx.msk [tilespmem:v27+s21+$0x0], $0xffff  }
0x33c: {  	v24 =	vshll.u32 v24, v6  }
0x33d: {  	v27 =	vbroadcast v24, $0x0;
	v24 =	vadd.s32 v16, v25;
	_ =	sdelay $0x1  }
0x33e: {  	v25 =	vadd.s32 v13, v27  }
0x33f: {  	v26 =	vmul.f32 v26, v15  }
0x340: {  	s28 =	simm.s32 $0x10  }
0x341: {  	[tilespmem:v24+s22+$0x0] =	vst.idx.add.f32.msk vm0, v26;
	v24 =	vmov s28  }
0x342: {  	v24 =	vshrl.u32 v24, $0x3  }
0x343: {  	v28 =	vld.idx.msk [tilespmem:v25+s21+$0x0], $0xffff;
	v24 =	vshll.u32 v24, v6  }
0x344: {  	v24 =	vbroadcast v24, $0x0  }
0x345: {  	v26 =	vadd.s32 v18, v27  }
0x346: {  	v25 =	vor.u32 v2, v24;
	_ =	sdelay $0x1  }
0x347: {  	s29 =	simm.s32 $0x2F;
	s28 =	simm.s32 $0x1F;
	v27 =	vmul.f32 v28, v15  }
.LBB2_34:
0x348: {  	_ = 	snop  }
0x349: {  	p0 =	sne.s32 s29, $0xFF;
	s30 =	smov.u32 s29;
	s29 =	sadd.s32 $0x10, s29;
	[tilespmem:v26+s22+$0x0] =	vst.idx.add.f32.msk vm0, v27  }
0x34a: {  	v25 =	vld.idx.msk [tilespmem:v25+s21+$0x0], $0xffff;
	_ =	sdelay $0x2  }
0x34b: {  	v26 =	vor.u32 v23, v24  }
0x34c: {  	v27 =	vadd.s32 v7, v24;
	_ =	sdelay $0x1  }
0x34d: {  	v25 =	vmul.f32 v25, v15;
	_ =	sdelay $0x1  }
0x34e: {  	[tilespmem:v26+s22+$0x0] =	vst.idx.add.f32.msk vm0, v25  }
0x34f: {  	v25 =	vld.idx.msk [tilespmem:v27+s21+$0x0], $0xffff;
	_ =	sdelay $0x2  }
0x350: {  	v26 =	vadd.s32 v22, v24  }
0x351: {  	v27 =	vadd.s32 v8, v24;
	_ =	sdelay $0x1  }
0x352: {  	v25 =	vmul.f32 v25, v15;
	_ =	sdelay $0x1  }
0x353: {  	[tilespmem:v26+s22+$0x0] =	vst.idx.add.f32.msk vm0, v25  }
0x354: {  	v25 =	vld.idx.msk [tilespmem:v27+s21+$0x0], $0xffff;
	_ =	sdelay $0x2  }
0x355: {  	v26 =	vadd.s32 v21, v24  }
0x356: {  	v27 =	vadd.s32 v9, v24;
	_ =	sdelay $0x1  }
0x357: {  	v25 =	vmul.f32 v25, v15;
	_ =	sdelay $0x1  }
0x358: {  	[tilespmem:v26+s22+$0x0] =	vst.idx.add.f32.msk vm0, v25  }
0x359: {  	v25 =	vld.idx.msk [tilespmem:v27+s21+$0x0], $0xffff;
	_ =	sdelay $0x2  }
0x35a: {  	v26 =	vadd.s32 v20, v24  }
0x35b: {  	v27 =	vadd.s32 v10, v24;
	_ =	sdelay $0x1  }
0x35c: {  	v25 =	vmul.f32 v25, v15;
	_ =	sdelay $0x1  }
0x35d: {  	[tilespmem:v26+s22+$0x0] =	vst.idx.add.f32.msk vm0, v25  }
0x35e: {  	v25 =	vld.idx.msk [tilespmem:v27+s21+$0x0], $0xffff;
	_ =	sdelay $0x2  }
0x35f: {  	v26 =	vadd.s32 v19, v24  }
0x360: {  	v27 =	vadd.s32 v11, v24;
	_ =	sdelay $0x1  }
0x361: {  	v25 =	vmul.f32 v25, v15;
	_ =	sdelay $0x1  }
0x362: {  	[tilespmem:v26+s22+$0x0] =	vst.idx.add.f32.msk vm0, v25  }
0x363: {  	v25 =	vld.idx.msk [tilespmem:v27+s21+$0x0], $0xffff;
	_ =	sdelay $0x2  }
0x364: {  	v26 =	vadd.s32 v17, v24  }
0x365: {  	v27 =	vadd.s32 v12, v24;
	_ =	sdelay $0x1  }
0x366: {  	v25 =	vmul.f32 v25, v15;
	_ =	sdelay $0x1  }
0x367: {  	[tilespmem:v26+s22+$0x0] =	vst.idx.add.f32.msk vm0, v25  }
0x368: {  	v25 =	vld.idx.msk [tilespmem:v27+s21+$0x0], $0xffff;
	_ =	sdelay $0x2  }
0x369: {  	v26 =	vadd.s32 v16, v24  }
0x36a: {  	v27 =	vadd.s32 v13, v24;
	_ =	sdelay $0x1  }
0x36b: {  	v25 =	vmul.f32 v25, v15  }
0x36c: {  	s31 =	sadd.s32 $0xFFFFFFF9, s28  }
0x36d: {  	[tilespmem:v26+s22+$0x0] =	vst.idx.add.f32.msk vm0, v25;
	v25 =	vmov s31  }
0x36e: {  	v26 =	vld.idx.msk [tilespmem:v27+s21+$0x0], $0xffff;
	v25 =	vshrl.u32 v25, $0x3  }
0x36f: {  	v25 =	vshll.u32 v25, v6  }
0x370: {  	v25 =	vbroadcast v25, $0x0  }
0x371: {  	v24 =	vadd.s32 v18, v24  }
0x372: {  	v27 =	vadd.s32 v2, v25;
	_ =	sdelay $0x1  }
0x373: {  	v26 =	vmul.f32 v26, v15  }
0x374: {  	s31 =	sadd.s32 $0xFFFFFFFA, s28  }
0x375: {  	[tilespmem:v24+s22+$0x0] =	vst.idx.add.f32.msk vm0, v26;
	v24 =	vmov s31  }
0x376: {  	v26 =	vld.idx.msk [tilespmem:v27+s21+$0x0], $0xffff;
	v24 =	vshrl.u32 v24, $0x3  }
0x377: {  	v24 =	vshll.u32 v24, v6  }
0x378: {  	v24 =	vbroadcast v24, $0x0  }
0x379: {  	v25 =	vadd.s32 v23, v25  }
0x37a: {  	v27 =	vadd.s32 v7, v24;
	_ =	sdelay $0x1  }
0x37b: {  	v26 =	vmul.f32 v26, v15  }
0x37c: {  	s31 =	sadd.s32 $0xFFFFFFFB, s28  }
0x37d: {  	[tilespmem:v25+s22+$0x0] =	vst.idx.add.f32.msk vm0, v26;
	v25 =	vmov s31  }
0x37e: {  	v26 =	vld.idx.msk [tilespmem:v27+s21+$0x0], $0xffff;
	v25 =	vshrl.u32 v25, $0x3  }
0x37f: {  	v25 =	vshll.u32 v25, v6  }
0x380: {  	v25 =	vbroadcast v25, $0x0  }
0x381: {  	v24 =	vadd.s32 v22, v24  }
0x382: {  	v27 =	vadd.s32 v8, v25;
	_ =	sdelay $0x1  }
0x383: {  	v26 =	vmul.f32 v26, v15  }
0x384: {  	s31 =	sadd.s32 $0xFFFFFFFC, s28  }
0x385: {  	[tilespmem:v24+s22+$0x0] =	vst.idx.add.f32.msk vm0, v26;
	v24 =	vmov s31  }
0x386: {  	v26 =	vld.idx.msk [tilespmem:v27+s21+$0x0], $0xffff;
	v24 =	vshrl.u32 v24, $0x3  }
0x387: {  	v24 =	vshll.u32 v24, v6  }
0x388: {  	v24 =	vbroadcast v24, $0x0  }
0x389: {  	v25 =	vadd.s32 v21, v25  }
0x38a: {  	v27 =	vadd.s32 v9, v24;
	_ =	sdelay $0x1  }
0x38b: {  	v26 =	vmul.f32 v26, v15  }
0x38c: {  	s31 =	sadd.s32 $0xFFFFFFFD, s28  }
0x38d: {  	[tilespmem:v25+s22+$0x0] =	vst.idx.add.f32.msk vm0, v26;
	v25 =	vmov s31  }
0x38e: {  	v26 =	vld.idx.msk [tilespmem:v27+s21+$0x0], $0xffff;
	v25 =	vshrl.u32 v25, $0x3  }
0x38f: {  	v25 =	vshll.u32 v25, v6  }
0x390: {  	v25 =	vbroadcast v25, $0x0  }
0x391: {  	v24 =	vadd.s32 v20, v24  }
0x392: {  	v27 =	vadd.s32 v10, v25;
	_ =	sdelay $0x1  }
0x393: {  	v26 =	vmul.f32 v26, v15  }
0x394: {  	s31 =	sadd.s32 $0xFFFFFFFE, s28  }
0x395: {  	[tilespmem:v24+s22+$0x0] =	vst.idx.add.f32.msk vm0, v26;
	v24 =	vmov s31  }
0x396: {  	v26 =	vld.idx.msk [tilespmem:v27+s21+$0x0], $0xffff;
	v24 =	vshrl.u32 v24, $0x3  }
0x397: {  	v24 =	vshll.u32 v24, v6  }
0x398: {  	v24 =	vbroadcast v24, $0x0  }
0x399: {  	v25 =	vadd.s32 v19, v25  }
0x39a: {  	v27 =	vadd.s32 v11, v24;
	_ =	sdelay $0x1  }
0x39b: {  	v26 =	vmul.f32 v26, v15  }
0x39c: {  	s31 =	sadd.s32 $0xFFFFFFFF, s28  }
0x39d: {  	[tilespmem:v25+s22+$0x0] =	vst.idx.add.f32.msk vm0, v26;
	v25 =	vmov s31  }
0x39e: {  	v26 =	vld.idx.msk [tilespmem:v27+s21+$0x0], $0xffff;
	v25 =	vshrl.u32 v25, $0x3  }
0x39f: {  	v25 =	vshll.u32 v25, v6  }
0x3a0: {  	v25 =	vbroadcast v25, $0x0  }
0x3a1: {  	v24 =	vadd.s32 v17, v24  }
0x3a2: {  	v27 =	vadd.s32 v12, v25;
	_ =	sdelay $0x1  }
0x3a3: {  	v26 =	vmul.f32 v26, v15;
	_ =	sdelay $0x1  }
0x3a4: {  	[tilespmem:v24+s22+$0x0] =	vst.idx.add.f32.msk vm0, v26;
	v24 =	vmov s28;
	s28 =	smov.u32 s30  }
0x3a5: {  	v26 =	vld.idx.msk [tilespmem:v27+s21+$0x0], $0xffff;
	v24 =	vshrl.u32 v24, $0x3  }
0x3a6: {  	v24 =	vshll.u32 v24, v6  }
0x3a7: {  	v27 =	vbroadcast v24, $0x0  }
0x3a8: {  	v24 =	vadd.s32 v16, v25  }
0x3a9: {  	v25 =	vadd.s32 v13, v27;
	_ =	sdelay $0x1  }
0x3aa: {  	v26 =	vmul.f32 v26, v15  }
0x3ab: {  	s30 =	sadd.s32 $0xFFFFFFF1, s28  }
0x3ac: {  	v28 =	vmov s30;
	[tilespmem:v24+s22+$0x0] =	vst.idx.add.f32.msk vm0, v26  }
0x3ad: {  	v24 =	vshrl.u32 v28, $0x3;
	v28 =	vld.idx.msk [tilespmem:v25+s21+$0x0], $0xffff  }
0x3ae: {  	v24 =	vshll.u32 v24, v6  }
.Ltmp22:
0x3af: {  	v24 =	vbroadcast v24, $0x0;
	(pc) =	sbr.rel @p0 .LBB2_34-.Ltmp22, $3  }
0x3b0: {  	v26 =	vadd.s32 v18, v27  }
0x3b1: {  	v25 =	vor.u32 v2, v24;
	_ =	sdelay $0x1  }
0x3b2: {  	v27 =	vmul.f32 v28, v15  }
0x3b3: {  	_ =	sdelay $0x4  }
0x3b4: {  	[tilespmem:v26+s22+$0x0] =	vst.idx.add.f32.msk vm0, v27  }
0x3b5: {  	v25 =	vld.idx.msk [tilespmem:v25+s21+$0x0], $0xffff;
	_ =	sdelay $0x1  }
0x3b6: {  	v51 =	vor.u32 v23, v24  }
0x3b7: {  	v52 =	vadd.s32 v7, v24;
	_ =	sdelay $0x1  }
0x3b8: {  	v25 =	vmul.f32 v25, v15;
	_ =	sdelay $0x1  }
0x3b9: {  	[tilespmem:v51+s22+$0x0] =	vst.idx.add.f32.msk vm0, v25  }
0x3ba: {  	v25 =	vld.idx.msk [tilespmem:v52+s21+$0x0], $0xffff;
	_ =	sdelay $0x1  }
0x3bb: {  	v53 =	vadd.s32 v22, v24  }
0x3bc: {  	v54 =	vadd.s32 v8, v24;
	_ =	sdelay $0x1  }
0x3bd: {  	v25 =	vmul.f32 v25, v15;
	_ =	sdelay $0x1  }
0x3be: {  	[tilespmem:v53+s22+$0x0] =	vst.idx.add.f32.msk vm0, v25  }
0x3bf: {  	v25 =	vld.idx.msk [tilespmem:v54+s21+$0x0], $0xffff;
	_ =	sdelay $0x1  }
0x3c0: {  	v55 =	vadd.s32 v21, v24  }
0x3c1: {  	v56 =	vadd.s32 v9, v24;
	_ =	sdelay $0x1  }
0x3c2: {  	v25 =	vmul.f32 v25, v15;
	_ =	sdelay $0x1  }
0x3c3: {  	[tilespmem:v55+s22+$0x0] =	vst.idx.add.f32.msk vm0, v25  }
0x3c4: {  	v25 =	vld.idx.msk [tilespmem:v56+s21+$0x0], $0xffff;
	_ =	sdelay $0x1  }
0x3c5: {  	v57 =	vadd.s32 v20, v24  }
0x3c6: {  	v58 =	vadd.s32 v10, v24;
	_ =	sdelay $0x1  }
0x3c7: {  	v25 =	vmul.f32 v25, v15;
	_ =	sdelay $0x1  }
0x3c8: {  	[tilespmem:v57+s22+$0x0] =	vst.idx.add.f32.msk vm0, v25  }
0x3c9: {  	v25 =	vld.idx.msk [tilespmem:v58+s21+$0x0], $0xffff;
	_ =	sdelay $0x1  }
0x3ca: {  	v59 =	vadd.s32 v19, v24  }
0x3cb: {  	v60 =	vadd.s32 v11, v24;
	_ =	sdelay $0x1  }
0x3cc: {  	v25 =	vmul.f32 v25, v15;
	_ =	sdelay $0x1  }
0x3cd: {  	[tilespmem:v59+s22+$0x0] =	vst.idx.add.f32.msk vm0, v25  }
0x3ce: {  	v25 =	vld.idx.msk [tilespmem:v60+s21+$0x0], $0xffff;
	_ =	sdelay $0x1  }
0x3cf: {  	v61 =	vadd.s32 v17, v24  }
0x3d0: {  	v62 =	vadd.s32 v12, v24;
	_ =	sdelay $0x1  }
0x3d1: {  	v25 =	vmul.f32 v25, v15;
	_ =	sdelay $0x1  }
0x3d2: {  	[tilespmem:v61+s22+$0x0] =	vst.idx.add.f32.msk vm0, v25  }
0x3d3: {  	v25 =	vld.idx.msk [tilespmem:v62+s21+$0x0], $0xffff;
	_ =	sdelay $0x1  }
0x3d4: {  	v63 =	vadd.s32 v16, v24  }
0x3d5: {  	v32 =	vadd.s32 v13, v24;
	_ =	sdelay $0x1  }
0x3d6: {  	s29 =	sadd.s32 $0xFFFFFFF9, s28;
	v25 =	vmul.f32 v25, v15  }
0x3d7: {  	v28 =	vmov s29  }
0x3d8: {  	v33 =	vshrl.u32 v28, $0x3;
	[tilespmem:v63+s22+$0x0] =	vst.idx.add.f32.msk vm0, v25  }
0x3d9: {  	v25 =	vshll.u32 v33, v6;
	v26 =	vld.idx.msk [tilespmem:v32+s21+$0x0], $0xffff  }
0x3da: {  	v25 =	vbroadcast v25, $0x0  }
0x3db: {  	v34 =	vadd.s32 v18, v24  }
0x3dc: {  	v35 =	vadd.s32 v2, v25;
	_ =	sdelay $0x1  }
0x3dd: {  	s30 =	sadd.s32 $0xFFFFFFFA, s28;
	v26 =	vmul.f32 v26, v15  }
0x3de: {  	v36 =	vmov s30  }
0x3df: {  	v37 =	vshrl.u32 v36, $0x3;
	[tilespmem:v34+s22+$0x0] =	vst.idx.add.f32.msk vm0, v26  }
0x3e0: {  	v24 =	vshll.u32 v37, v6;
	v26 =	vld.idx.msk [tilespmem:v35+s21+$0x0], $0xffff  }
0x3e1: {  	v24 =	vbroadcast v24, $0x0  }
0x3e2: {  	v38 =	vadd.s32 v23, v25  }
0x3e3: {  	v39 =	vadd.s32 v7, v24;
	_ =	sdelay $0x1  }
0x3e4: {  	s31 =	sadd.s32 $0xFFFFFFFB, s28;
	v26 =	vmul.f32 v26, v15  }
0x3e5: {  	v40 =	vmov s31  }
0x3e6: {  	v41 =	vshrl.u32 v40, $0x3;
	[tilespmem:v38+s22+$0x0] =	vst.idx.add.f32.msk vm0, v26  }
0x3e7: {  	v23 =	vshll.u32 v41, v6;
	v25 =	vld.idx.msk [tilespmem:v39+s21+$0x0], $0xffff  }
0x3e8: {  	v23 =	vbroadcast v23, $0x0  }
0x3e9: {  	v42 =	vadd.s32 v22, v24  }
0x3ea: {  	v43 =	vadd.s32 v8, v23;
	_ =	sdelay $0x1  }
0x3eb: {  	s30 =	sadd.s32 $0xFFFFFFFC, s28;
	v25 =	vmul.f32 v25, v15  }
0x3ec: {  	v44 =	vmov s30  }
0x3ed: {  	v45 =	vshrl.u32 v44, $0x3;
	[tilespmem:v42+s22+$0x0] =	vst.idx.add.f32.msk vm0, v25  }
0x3ee: {  	v22 =	vshll.u32 v45, v6;
	v24 =	vld.idx.msk [tilespmem:v43+s21+$0x0], $0xffff  }
0x3ef: {  	v22 =	vbroadcast v22, $0x0  }
0x3f0: {  	v46 =	vadd.s32 v21, v23  }
0x3f1: {  	v47 =	vadd.s32 v9, v22;
	_ =	sdelay $0x1  }
0x3f2: {  	s31 =	sadd.s32 $0xFFFFFFFD, s28;
	v24 =	vmul.f32 v24, v15  }
0x3f3: {  	v48 =	vmov s31  }
0x3f4: {  	v49 =	vshrl.u32 v48, $0x3;
	[tilespmem:v46+s22+$0x0] =	vst.idx.add.f32.msk vm0, v24  }
0x3f5: {  	v21 =	vshll.u32 v49, v6;
	v23 =	vld.idx.msk [tilespmem:v47+s21+$0x0], $0xffff  }
0x3f6: {  	v21 =	vbroadcast v21, $0x0  }
0x3f7: {  	v50 =	vadd.s32 v20, v22  }
0x3f8: {  	v51 =	vadd.s32 v10, v21;
	_ =	sdelay $0x1  }
0x3f9: {  	s30 =	sadd.s32 $0xFFFFFFFE, s28;
	v23 =	vmul.f32 v23, v15  }
0x3fa: {  	v52 =	vmov s30  }
0x3fb: {  	v53 =	vshrl.u32 v52, $0x3;
	[tilespmem:v50+s22+$0x0] =	vst.idx.add.f32.msk vm0, v23  }
0x3fc: {  	v20 =	vshll.u32 v53, v6;
	v22 =	vld.idx.msk [tilespmem:v51+s21+$0x0], $0xffff  }
0x3fd: {  	v20 =	vbroadcast v20, $0x0  }
0x3fe: {  	v54 =	vadd.s32 v19, v21  }
0x3ff: {  	v55 =	vadd.s32 v11, v20;
	_ =	sdelay $0x1  }
0x400: {  	s31 =	sadd.s32 $0xFFFFFFFF, s28;
	v22 =	vmul.f32 v22, v15  }
0x401: {  	v56 =	vmov s31  }
0x402: {  	v57 =	vshrl.u32 v56, $0x3;
	[tilespmem:v54+s22+$0x0] =	vst.idx.add.f32.msk vm0, v22  }
0x403: {  	v19 =	vshll.u32 v57, v6;
	v21 =	vld.idx.msk [tilespmem:v55+s21+$0x0], $0xffff  }
0x404: {  	v19 =	vbroadcast v19, $0x0  }
0x405: {  	v58 =	vadd.s32 v17, v20  }
0x406: {  	v59 =	vadd.s32 v12, v19;
	_ =	sdelay $0x1  }
0x407: {  	v21 =	vmul.f32 v21, v15  }
0x408: {  	v60 =	vmov s28  }
0x409: {  	v61 =	vshrl.u32 v60, $0x3;
	[tilespmem:v58+s22+$0x0] =	vst.idx.add.f32.msk vm0, v21  }
0x40a: {  	v17 =	vshll.u32 v61, v6;
	v20 =	vld.idx.msk [tilespmem:v59+s21+$0x0], $0xffff  }
0x40b: {  	v17 =	vbroadcast v17, $0x0  }
0x40c: {  	v62 =	vadd.s32 v16, v19  }
0x40d: {  	v63 =	vadd.s32 v13, v17;
	_ =	sdelay $0x1  }
0x40e: {  	v20 =	vmul.f32 v20, v15;
	_ =	sdelay $0x1  }
0x40f: {  	[tilespmem:v62+s22+$0x0] =	vst.idx.add.f32.msk vm0, v20  }
0x410: {  	v16 =	vld.idx.msk [tilespmem:v63+s21+$0x0], $0xffff  }
0x411: {  	s26 =	sadd.s32 $0x1, s26  }
0x412: {  	p0 =	sne.s32 s26, s25;
	v17 =	vadd.s32 v18, v17  }
.Ltmp23:
0x413: {  	_ = 	snop;
	(pc) =	sbr.rel @p0 .LBB2_33-.Ltmp23, $4  }
.Ltmp24:
0x414: {  	_ = 	snop;
	(pc) =	sbr.rel @!p0 .LBB2_36-.Ltmp24, $4  }
0x415: {  	v15 =	vmul.f32 v16, v15  }
0x416: {  	_ = 	snop  }
0x417: {  	[tilespmem:v17+s22+$0x0] =	vst.idx.add.f32.msk vm0, v15  }
0x418: {  	_ = 	snop  }
.LBB2_38:
0x419: {  	_ =	sfence.sel $0x180000  }
0x41a: {  	[bflag:$0x0] =	sbarrier.arrive $0xFFFF  }
0x41b: {  	p0 =	sne.s32 s0, $0x0;
	_ =	strace $0x90000047  }
0x41c: {  	s0 =	sadd.s32 @!p0 $0x100000, s4;
	[bflag:$0x2] =	sbarrier.arrive $0xFFFF  }
0x41d: {  	[sflag:s0] =	ssyncadd.tile.s32 @!p0 $0x1;
	_ =	shalt  }
.Lfunc_end2:
_tile_overlayer_lowered:
.L_overlay_start_2:
0x41e: {  	(tag) =	ssettag $0x2  }
0x41f: {  	s0 =	rddreg [dreg:$0x0];
	s2 =	stileid.u32  }
0x420: {  	s1 =	rddreg [dreg:$0x1];
	p0 =	sne.s32 s2, $0x0  }
0x421: {  	s3 =	rddreg [dreg:$0x2];
	[bflag:$0x3] =	sbarrier.arrive $0xFFFF;
	s2 =	simm.s32 @!p0 $0x1C02  }
0x422: {  	[timem:s3], [sflag:s2] =	dma.local @!p0 [hbm:s0], s1  }
0x423: {  	s0 =	simm.s32 @!p0 $0x2  }
0x424: {  	_ =	swait.ge @!p0 [sflag:s0], s1  }
0x425: {  	s1 =	ssub.s32 @!p0 $0x0, s1;
	[sflag:s0] =	ssyncset.done @!p0 $0x0  }
0x426: {  	[sflag:s0] =	ssyncadd.s32 @!p0 s1  }
0x427: {  	[bflag:$0x3] =	sbarrier.arrive $0xFFFF  }
0x428: {  	_ =	shalt  }

</sc_bundles>
